<compile_context>
chip_gen: v7x
topology: tpu7x:2x2x1
jax: 0.10.2.dev20260603
libtpu: 0.0.44.dev20260713+nightly
codegen_flags: <defaults>
</compile_context>

<pallas_src>
import functools

import jax
import jax.numpy as jnp
import numpy as np
from jax import lax
from jax.experimental import pallas as pl
from jax.experimental.pallas import tpu as pltpu
from jax.experimental.pallas import tpu_sc as plsc

_DIM_USED = np.array(
    [6, 7, 8, 9, 10, 11, 12, 13, 14, 15, 16, 17, 21, 22, 23, 24, 25, 26,
     27, 28, 29, 30, 31, 32, 36, 37, 38, 39, 40, 41, 42, 43, 44, 45, 46,
     47, 51, 52, 53, 54, 55, 56, 57, 58, 59, 63, 64, 65, 66, 67, 68, 75,
     76, 77, 78, 79, 80, 81, 82, 83, 87, 88, 89, 90, 91, 92],
    dtype=np.int32,
)

D_IN = 96
D_OUT = 66
NBATCH = 4096
SEQ = 50
NC, NS = 2, 16
NW = NC * NS
BATCH_PER_TILE = NBATCH // NW
CHUNK_B = 4
NCHUNK = BATCH_PER_TILE // CHUNK_B
CHUNK_ROWS = CHUNK_B * SEQ
NPAIR = NCHUNK // 2

_OFFS = (0, 16, 32, 48, 50)


@functools.partial(
    pl.kernel,
    out_type=jax.ShapeDtypeStruct((NBATCH, SEQ, D_OUT), jnp.float32),
    mesh=plsc.VectorSubcoreMesh(core_axis_name="c", subcore_axis_name="s",
                                num_cores=NC),
    scratch_types=[
        pltpu.VMEM((CHUNK_ROWS, D_IN), jnp.float32),
        pltpu.VMEM((CHUNK_ROWS, D_IN), jnp.float32),
        pltpu.VMEM((CHUNK_ROWS, D_OUT), jnp.float32),
        pltpu.VMEM((CHUNK_ROWS, D_OUT), jnp.float32),
        pltpu.SemaphoreType.DMA,
        pltpu.SemaphoreType.DMA,
        pltpu.SemaphoreType.DMA,
        pltpu.SemaphoreType.DMA,
    ],
    compiler_params=pltpu.CompilerParams(needs_layout_passes=False),
)
def _sc_select(x_hbm, out_hbm, in_v0, in_v1, out_v0, out_v1,
               si0, si1, so0, so1):
    wid = lax.axis_index("s") * NC + lax.axis_index("c")
    base = wid * BATCH_PER_TILE
    lanes = lax.iota(jnp.int32, 16)
    in_v = (in_v0, in_v1)
    out_v = (out_v0, out_v1)
    sin = (si0, si1)
    sout = (so0, so1)

    def start_in(c, p):
        b0 = base + c * CHUNK_B
        for i in range(CHUNK_B):
            pltpu.async_copy(
                x_hbm.at[b0 + i], in_v[p].at[pl.ds(SEQ * i, SEQ), :], sin[p])

    def wait_in(c, p):
        b0 = base + c * CHUNK_B
        for i in range(CHUNK_B):
            pltpu.make_async_copy(
                x_hbm.at[b0 + i], in_v[p].at[pl.ds(SEQ * i, SEQ), :],
                sin[p]).wait()

    def start_out(c, p):
        b0 = base + c * CHUNK_B
        for i in range(CHUNK_B):
            pltpu.async_copy(
                out_v[p].at[pl.ds(SEQ * i, SEQ), :], out_hbm.at[b0 + i],
                sout[p])

    def wait_out(c, p):
        b0 = base + c * CHUNK_B
        for i in range(CHUNK_B):
            pltpu.make_async_copy(
                out_v[p].at[pl.ds(SEQ * i, SEQ), :], out_hbm.at[b0 + i],
                sout[p]).wait()

    def col_vec(off):
        vals = _DIM_USED[off:off + 16]
        c = lanes + int(vals[0])
        for l in range(1, 16):
            jump = int(vals[l]) - int(vals[l - 1]) - 1
            if jump:
                c = c + jnp.where(lanes >= l, jump, 0)
        return c

    colvs = tuple(col_vec(off) for off in _OFFS)
    UNROLL = 10

    def repack(p):
        src = in_v[p]
        dst = out_v[p]

        def rbody(t, carry):
            r0 = t * UNROLL
            for u in range(UNROLL):
                rv = jnp.full((16,), r0 + u, jnp.int32)
                for off, cv in zip(_OFFS, colvs):
                    dst[r0 + u, pl.ds(off, 16)] = plsc.load_gather(
                        src, [rv, cv])
            return carry

        lax.fori_loop(0, CHUNK_ROWS // UNROLL, rbody, 0)

    start_in(0, 0)

    def pair_body(t, carry):
        c0 = 2 * t

        start_in(c0 + 1, 1)
        wait_in(c0, 0)

        @pl.when(t >= 1)
        def _():
            wait_out(c0 - 2, 0)

        repack(0)
        start_out(c0, 0)

        @pl.when(t + 1 < NPAIR)
        def _():
            start_in(c0 + 2, 0)

        wait_in(c0 + 1, 1)

        @pl.when(t >= 1)
        def _():
            wait_out(c0 - 1, 1)

        repack(1)
        start_out(c0 + 1, 1)
        return carry

    lax.fori_loop(0, NPAIR, pair_body, 0)
    wait_out(NCHUNK - 2, 0)
    wait_out(NCHUNK - 1, 1)


def kernel(observed_pose):
    return _sc_select(observed_pose)

# --- scband reference (transcript-rebuilt; emitter-appended) ---
"""Pipeline reference for scband-preprocess-11965778887321 (READ-ONLY COPY).

The authoritative reference and input builder live on the scoring server;
editing this copy changes nothing except your own understanding.
"""

import jax, jax.numpy as jnp
import numpy as np

dim_used = np.array([6, 7, 8, 9, 10, 11, 12, 13, 14, 15, 16, 17, 21, 22, 23, 24, 25, 26, 27, 28, 29, 30, 31, 32, 36, 37, 38, 39, 40, 41, 42, 43, 44, 45, 46, 47, 51, 52, 53, 54, 55, 56, 57, 58, 59, 63, 64, 65, 66, 67, 68, 75, 76, 77, 78, 79, 80, 81, 82, 83, 87, 88, 89, 90, 91, 92])

def setup_inputs(seed: int = 0) -> dict:
    key = jax.random.key(seed)
    observed_pose = jax.random.normal(key, (4096, 50, 96), dtype=jnp.float32)
    return {"observed_pose": observed_pose}

def reference(observed_pose):
    idx = jnp.asarray(dim_used, dtype=jnp.int32)
    return jnp.take(observed_pose, idx, axis=2)

if __name__ == "__main__":
    import jax
    _d = setup_inputs()
    print(jax.jit(kernel)(*tuple(_d.values())))

</pallas_src>

<mosaic_0001>
#map = affine_map<(d0, d1) -> (0, 0, 0)>
module attributes {stable_mosaic.version = 14 : i64} {
  func.func @_sc_select(%arg0: i32, %arg1: i32, %arg2: memref<4096x50x96xf32, #tpu.memory_space<hbm>>, %arg3: memref<4096x50x66xf32, #tpu.memory_space<hbm>>, %arg4: memref<200x96xf32, #tpu.memory_space<vmem>>, %arg5: memref<200x96xf32, #tpu.memory_space<vmem>>, %arg6: memref<200x66xf32, #tpu.memory_space<vmem>>, %arg7: memref<200x66xf32, #tpu.memory_space<vmem>>, %arg8: memref<!tpu.dma_semaphore, #tpu.memory_space<semaphore_mem>>, %arg9: memref<!tpu.dma_semaphore, #tpu.memory_space<semaphore_mem>>, %arg10: memref<!tpu.dma_semaphore, #tpu.memory_space<semaphore_mem>>, %arg11: memref<!tpu.dma_semaphore, #tpu.memory_space<semaphore_mem>>) attributes {dimension_semantics = [#tpu.dimension_semantics<core_parallel>, #tpu.dimension_semantics<subcore_parallel>], iteration_bounds = array<i64: 2, 16>, scalar_prefetch = 0 : i64, scratch_operands = 8 : i64, tpu.core_type = #tpu.core_type<sc_vector_subcore>, window_params = [{transform_indices = #map}, {transform_indices = #map}]} {
    %mul3A = arith.constant 2 : i32
    %mul3A_0 = arith.muli %arg1, %mul3A : i32
    %add3A = arith.addi %mul3A_0, %arg0 : i32
    %mul3A_1 = arith.constant 128 : i32
    %mul3A_2 = arith.muli %add3A, %mul3A_1 : i32
    %iota3A = tpu.iota {dimensions = array<i32: 0>} : vector<16xi32>
    %add3A_3 = arith.constant 6 : i32
    %add3A_4 = vector.broadcast %add3A_3 : i32 to vector<16xi32>
    %add3A_5 = arith.addi %iota3A, %add3A_4 : vector<16xi32>
    %ge3A = arith.constant 12 : i32
    %ge3A_6 = vector.broadcast %ge3A : i32 to vector<16xi32>
    %ge3A_7 = arith.cmpi sge, %iota3A, %ge3A_6 : vector<16xi32>
    %jit3A = arith.constant 3 : i32
    %jit3A_8 = arith.constant 0 : i32
    %broadcast_in_dim3A = vector.broadcast %jit3A : i32 to vector<16xi32>
    %broadcast_in_dim3A_9 = vector.broadcast %jit3A_8 : i32 to vector<16xi32>
    %select_n3A = arith.select %ge3A_7, %broadcast_in_dim3A, %broadcast_in_dim3A_9 : vector<16xi1>, vector<16xi32>
    %add3A_10 = arith.addi %add3A_5, %select_n3A : vector<16xi32>
    %add3A_11 = arith.constant 25 : i32
    %add3A_12 = vector.broadcast %add3A_11 : i32 to vector<16xi32>
    %add3A_13 = arith.addi %iota3A, %add3A_12 : vector<16xi32>
    %ge3A_14 = arith.constant 8 : i32
    %ge3A_15 = vector.broadcast %ge3A_14 : i32 to vector<16xi32>
    %ge3A_16 = arith.cmpi sge, %iota3A, %ge3A_15 : vector<16xi32>
    %jit3A_17 = arith.constant 3 : i32
    %jit3A_18 = arith.constant 0 : i32
    %broadcast_in_dim3A_19 = vector.broadcast %jit3A_17 : i32 to vector<16xi32>
    %broadcast_in_dim3A_20 = vector.broadcast %jit3A_18 : i32 to vector<16xi32>
    %select_n3A_21 = arith.select %ge3A_16, %broadcast_in_dim3A_19, %broadcast_in_dim3A_20 : vector<16xi1>, vector<16xi32>
    %add3A_22 = arith.addi %add3A_13, %select_n3A_21 : vector<16xi32>
    %add3A_23 = arith.constant 44 : i32
    %add3A_24 = vector.broadcast %add3A_23 : i32 to vector<16xi32>
    %add3A_25 = arith.addi %iota3A, %add3A_24 : vector<16xi32>
    %ge3A_26 = arith.constant 4 : i32
    %ge3A_27 = vector.broadcast %ge3A_26 : i32 to vector<16xi32>
    %ge3A_28 = arith.cmpi sge, %iota3A, %ge3A_27 : vector<16xi32>
    %jit3A_29 = arith.constant 3 : i32
    %jit3A_30 = arith.constant 0 : i32
    %broadcast_in_dim3A_31 = vector.broadcast %jit3A_29 : i32 to vector<16xi32>
    %broadcast_in_dim3A_32 = vector.broadcast %jit3A_30 : i32 to vector<16xi32>
    %select_n3A_33 = arith.select %ge3A_28, %broadcast_in_dim3A_31, %broadcast_in_dim3A_32 : vector<16xi1>, vector<16xi32>
    %add3A_34 = arith.addi %add3A_25, %select_n3A_33 : vector<16xi32>
    %ge3A_35 = arith.constant 13 : i32
    %ge3A_36 = vector.broadcast %ge3A_35 : i32 to vector<16xi32>
    %ge3A_37 = arith.cmpi sge, %iota3A, %ge3A_36 : vector<16xi32>
    %jit3A_38 = arith.constant 3 : i32
    %jit3A_39 = arith.constant 0 : i32
    %broadcast_in_dim3A_40 = vector.broadcast %jit3A_38 : i32 to vector<16xi32>
    %broadcast_in_dim3A_41 = vector.broadcast %jit3A_39 : i32 to vector<16xi32>
    %select_n3A_42 = arith.select %ge3A_37, %broadcast_in_dim3A_40, %broadcast_in_dim3A_41 : vector<16xi1>, vector<16xi32>
    %add3A_43 = arith.addi %add3A_34, %select_n3A_42 : vector<16xi32>
    %add3A_44 = arith.constant 66 : i32
    %add3A_45 = vector.broadcast %add3A_44 : i32 to vector<16xi32>
    %add3A_46 = arith.addi %iota3A, %add3A_45 : vector<16xi32>
    %ge3A_47 = arith.constant 3 : i32
    %ge3A_48 = vector.broadcast %ge3A_47 : i32 to vector<16xi32>
    %ge3A_49 = arith.cmpi sge, %iota3A, %ge3A_48 : vector<16xi32>
    %jit3A_50 = arith.constant 6 : i32
    %jit3A_51 = arith.constant 0 : i32
    %broadcast_in_dim3A_52 = vector.broadcast %jit3A_50 : i32 to vector<16xi32>
    %broadcast_in_dim3A_53 = vector.broadcast %jit3A_51 : i32 to vector<16xi32>
    %select_n3A_54 = arith.select %ge3A_49, %broadcast_in_dim3A_52, %broadcast_in_dim3A_53 : vector<16xi1>, vector<16xi32>
    %add3A_55 = arith.addi %add3A_46, %select_n3A_54 : vector<16xi32>
    %ge3A_56 = arith.constant 12 : i32
    %ge3A_57 = vector.broadcast %ge3A_56 : i32 to vector<16xi32>
    %ge3A_58 = arith.cmpi sge, %iota3A, %ge3A_57 : vector<16xi32>
    %jit3A_59 = arith.constant 3 : i32
    %jit3A_60 = arith.constant 0 : i32
    %broadcast_in_dim3A_61 = vector.broadcast %jit3A_59 : i32 to vector<16xi32>
    %broadcast_in_dim3A_62 = vector.broadcast %jit3A_60 : i32 to vector<16xi32>
    %select_n3A_63 = arith.select %ge3A_58, %broadcast_in_dim3A_61, %broadcast_in_dim3A_62 : vector<16xi1>, vector<16xi32>
    %add3A_64 = arith.addi %add3A_55, %select_n3A_63 : vector<16xi32>
    %add3A_65 = arith.constant 68 : i32
    %add3A_66 = vector.broadcast %add3A_65 : i32 to vector<16xi32>
    %add3A_67 = arith.addi %iota3A, %add3A_66 : vector<16xi32>
    %ge3A_68 = arith.constant 1 : i32
    %ge3A_69 = vector.broadcast %ge3A_68 : i32 to vector<16xi32>
    %ge3A_70 = arith.cmpi sge, %iota3A, %ge3A_69 : vector<16xi32>
    %jit3A_71 = arith.constant 6 : i32
    %jit3A_72 = arith.constant 0 : i32
    %broadcast_in_dim3A_73 = vector.broadcast %jit3A_71 : i32 to vector<16xi32>
    %broadcast_in_dim3A_74 = vector.broadcast %jit3A_72 : i32 to vector<16xi32>
    %select_n3A_75 = arith.select %ge3A_70, %broadcast_in_dim3A_73, %broadcast_in_dim3A_74 : vector<16xi1>, vector<16xi32>
    %add3A_76 = arith.addi %add3A_67, %select_n3A_75 : vector<16xi32>
    %ge3A_77 = arith.constant 10 : i32
    %ge3A_78 = vector.broadcast %ge3A_77 : i32 to vector<16xi32>
    %ge3A_79 = arith.cmpi sge, %iota3A, %ge3A_78 : vector<16xi32>
    %jit3A_80 = arith.constant 3 : i32
    %jit3A_81 = arith.constant 0 : i32
    %broadcast_in_dim3A_82 = vector.broadcast %jit3A_80 : i32 to vector<16xi32>
    %broadcast_in_dim3A_83 = vector.broadcast %jit3A_81 : i32 to vector<16xi32>
    %select_n3A_84 = arith.select %ge3A_79, %broadcast_in_dim3A_82, %broadcast_in_dim3A_83 : vector<16xi1>, vector<16xi32>
    %add3A_85 = arith.addi %add3A_76, %select_n3A_84 : vector<16xi32>
    %add3A_86 = arith.constant 0 : i32
    %add3A_87 = arith.addi %mul3A_2, %add3A_86 : i32
    %add3A_88 = arith.constant 0 : i32
    %add3A_89 = arith.addi %add3A_87, %add3A_88 : i32
    %dma_start3A = arith.constant 0 : i32
    %dma_start3A_90 = arith.constant 0 : i32
    %dma_start3A_91 = tpu.memref_slice %arg4[%dma_start3A, %dma_start3A_90] : memref<200x96xf32, #tpu.memory_space<vmem>> -> memref<50x96xf32, #tpu.memory_space<vmem>>
    %dma_start3A_92 = arith.constant 0 : i32
    %dma_start3A_93 = arith.constant 0 : i32
    %dma_start3A_94 = tpu.memref_slice %arg2[%add3A_89, %dma_start3A_92, %dma_start3A_93] : memref<4096x50x96xf32, #tpu.memory_space<hbm>> -> memref<1x50x96xf32, #tpu.memory_space<hbm>>
    %dma_start3A_95 = tpu.memref_squeeze %dma_start3A_94 : memref<1x50x96xf32, #tpu.memory_space<hbm>> -> memref<50x96xf32, #tpu.memory_space<hbm>>
    %dma_start3A_96 = arith.constant 0 : i32
    %dma_start3A_97 = arith.constant 0 : i32
    %dma_start3A_98 = tpu.memref_slice %arg4[%dma_start3A_96, %dma_start3A_97] : memref<200x96xf32, #tpu.memory_space<vmem>> -> memref<50x96xf32, #tpu.memory_space<vmem>>
    %dma_start3A_99 = arith.constant 0 : i32
    %dma_start3A_100 = arith.constant 0 : i32
    %dma_start3A_101 = tpu.memref_slice %arg2[%add3A_89, %dma_start3A_99, %dma_start3A_100] : memref<4096x50x96xf32, #tpu.memory_space<hbm>> -> memref<1x50x96xf32, #tpu.memory_space<hbm>>
    %dma_start3A_102 = tpu.memref_squeeze %dma_start3A_101 : memref<1x50x96xf32, #tpu.memory_space<hbm>> -> memref<50x96xf32, #tpu.memory_space<hbm>>
    tpu.enqueue_dma source(%dma_start3A_102 : memref<50x96xf32, #tpu.memory_space<hbm>>) target(%dma_start3A_98 : memref<50x96xf32, #tpu.memory_space<vmem>>) target_semaphore(%arg8 : memref<!tpu.dma_semaphore, #tpu.memory_space<semaphore_mem>>)
    %add3A_103 = arith.constant 1 : i32
    %add3A_104 = arith.addi %add3A_87, %add3A_103 : i32
    %dma_start3A_105 = arith.constant 50 : i32
    %dma_start3A_106 = arith.constant 0 : i32
    %dma_start3A_107 = tpu.memref_slice %arg4[%dma_start3A_105, %dma_start3A_106] : memref<200x96xf32, #tpu.memory_space<vmem>> -> memref<50x96xf32, #tpu.memory_space<vmem>>
    %dma_start3A_108 = arith.constant 0 : i32
    %dma_start3A_109 = arith.constant 0 : i32
    %dma_start3A_110 = tpu.memref_slice %arg2[%add3A_104, %dma_start3A_108, %dma_start3A_109] : memref<4096x50x96xf32, #tpu.memory_space<hbm>> -> memref<1x50x96xf32, #tpu.memory_space<hbm>>
    %dma_start3A_111 = tpu.memref_squeeze %dma_start3A_110 : memref<1x50x96xf32, #tpu.memory_space<hbm>> -> memref<50x96xf32, #tpu.memory_space<hbm>>
    %dma_start3A_112 = arith.constant 50 : i32
    %dma_start3A_113 = arith.constant 0 : i32
    %dma_start3A_114 = tpu.memref_slice %arg4[%dma_start3A_112, %dma_start3A_113] : memref<200x96xf32, #tpu.memory_space<vmem>> -> memref<50x96xf32, #tpu.memory_space<vmem>>
    %dma_start3A_115 = arith.constant 0 : i32
    %dma_start3A_116 = arith.constant 0 : i32
    %dma_start3A_117 = tpu.memref_slice %arg2[%add3A_104, %dma_start3A_115, %dma_start3A_116] : memref<4096x50x96xf32, #tpu.memory_space<hbm>> -> memref<1x50x96xf32, #tpu.memory_space<hbm>>
    %dma_start3A_118 = tpu.memref_squeeze %dma_start3A_117 : memref<1x50x96xf32, #tpu.memory_space<hbm>> -> memref<50x96xf32, #tpu.memory_space<hbm>>
    tpu.enqueue_dma source(%dma_start3A_118 : memref<50x96xf32, #tpu.memory_space<hbm>>) target(%dma_start3A_114 : memref<50x96xf32, #tpu.memory_space<vmem>>) target_semaphore(%arg8 : memref<!tpu.dma_semaphore, #tpu.memory_space<semaphore_mem>>)
    %add3A_119 = arith.constant 2 : i32
    %add3A_120 = arith.addi %add3A_87, %add3A_119 : i32
    %dma_start3A_121 = arith.constant 100 : i32
    %dma_start3A_122 = arith.constant 0 : i32
    %dma_start3A_123 = tpu.memref_slice %arg4[%dma_start3A_121, %dma_start3A_122] : memref<200x96xf32, #tpu.memory_space<vmem>> -> memref<50x96xf32, #tpu.memory_space<vmem>>
    %dma_start3A_124 = arith.constant 0 : i32
    %dma_start3A_125 = arith.constant 0 : i32
    %dma_start3A_126 = tpu.memref_slice %arg2[%add3A_120, %dma_start3A_124, %dma_start3A_125] : memref<4096x50x96xf32, #tpu.memory_space<hbm>> -> memref<1x50x96xf32, #tpu.memory_space<hbm>>
    %dma_start3A_127 = tpu.memref_squeeze %dma_start3A_126 : memref<1x50x96xf32, #tpu.memory_space<hbm>> -> memref<50x96xf32, #tpu.memory_space<hbm>>
    %dma_start3A_128 = arith.constant 100 : i32
    %dma_start3A_129 = arith.constant 0 : i32
    %dma_start3A_130 = tpu.memref_slice %arg4[%dma_start3A_128, %dma_start3A_129] : memref<200x96xf32, #tpu.memory_space<vmem>> -> memref<50x96xf32, #tpu.memory_space<vmem>>
    %dma_start3A_131 = arith.constant 0 : i32
    %dma_start3A_132 = arith.constant 0 : i32
    %dma_start3A_133 = tpu.memref_slice %arg2[%add3A_120, %dma_start3A_131, %dma_start3A_132] : memref<4096x50x96xf32, #tpu.memory_space<hbm>> -> memref<1x50x96xf32, #tpu.memory_space<hbm>>
    %dma_start3A_134 = tpu.memref_squeeze %dma_start3A_133 : memref<1x50x96xf32, #tpu.memory_space<hbm>> -> memref<50x96xf32, #tpu.memory_space<hbm>>
    tpu.enqueue_dma source(%dma_start3A_134 : memref<50x96xf32, #tpu.memory_space<hbm>>) target(%dma_start3A_130 : memref<50x96xf32, #tpu.memory_space<vmem>>) target_semaphore(%arg8 : memref<!tpu.dma_semaphore, #tpu.memory_space<semaphore_mem>>)
    %add3A_135 = arith.constant 3 : i32
    %add3A_136 = arith.addi %add3A_87, %add3A_135 : i32
    %dma_start3A_137 = arith.constant 150 : i32
    %dma_start3A_138 = arith.constant 0 : i32
    %dma_start3A_139 = tpu.memref_slice %arg4[%dma_start3A_137, %dma_start3A_138] : memref<200x96xf32, #tpu.memory_space<vmem>> -> memref<50x96xf32, #tpu.memory_space<vmem>>
    %dma_start3A_140 = arith.constant 0 : i32
    %dma_start3A_141 = arith.constant 0 : i32
    %dma_start3A_142 = tpu.memref_slice %arg2[%add3A_136, %dma_start3A_140, %dma_start3A_141] : memref<4096x50x96xf32, #tpu.memory_space<hbm>> -> memref<1x50x96xf32, #tpu.memory_space<hbm>>
    %dma_start3A_143 = tpu.memref_squeeze %dma_start3A_142 : memref<1x50x96xf32, #tpu.memory_space<hbm>> -> memref<50x96xf32, #tpu.memory_space<hbm>>
    %dma_start3A_144 = arith.constant 150 : i32
    %dma_start3A_145 = arith.constant 0 : i32
    %dma_start3A_146 = tpu.memref_slice %arg4[%dma_start3A_144, %dma_start3A_145] : memref<200x96xf32, #tpu.memory_space<vmem>> -> memref<50x96xf32, #tpu.memory_space<vmem>>
    %dma_start3A_147 = arith.constant 0 : i32
    %dma_start3A_148 = arith.constant 0 : i32
    %dma_start3A_149 = tpu.memref_slice %arg2[%add3A_136, %dma_start3A_147, %dma_start3A_148] : memref<4096x50x96xf32, #tpu.memory_space<hbm>> -> memref<1x50x96xf32, #tpu.memory_space<hbm>>
    %dma_start3A_150 = tpu.memref_squeeze %dma_start3A_149 : memref<1x50x96xf32, #tpu.memory_space<hbm>> -> memref<50x96xf32, #tpu.memory_space<hbm>>
    tpu.enqueue_dma source(%dma_start3A_150 : memref<50x96xf32, #tpu.memory_space<hbm>>) target(%dma_start3A_146 : memref<50x96xf32, #tpu.memory_space<vmem>>) target_semaphore(%arg8 : memref<!tpu.dma_semaphore, #tpu.memory_space<semaphore_mem>>)
    %scan3A = arith.constant 0 : i32
    %scan3A_151 = arith.constant 0 : i32
    %scan3A_152 = arith.constant 16 : i32
    %scan3A_153 = arith.addi %scan3A_151, %scan3A_152 : i32
    %scan3A_154 = arith.constant 1 : i32
    scf.for %scan3A_287 = %scan3A_151 to %scan3A_153 step %scan3A_154  : i32 {
      %mul3A_288 = arith.constant 2 : i32
      %mul3A_289 = arith.muli %mul3A_288, %scan3A_287 : i32
      %add3A_290 = arith.constant 1 : i32
      %add3A_291 = arith.addi %mul3A_289, %add3A_290 : i32
      %mul3A_292 = arith.constant 4 : i32
      %mul3A_293 = arith.muli %add3A_291, %mul3A_292 : i32
      %add3A_294 = arith.addi %mul3A_2, %mul3A_293 : i32
      %add3A_295 = arith.constant 0 : i32
      %add3A_296 = arith.addi %add3A_294, %add3A_295 : i32
      %dma_start3A_297 = arith.constant 0 : i32
      %dma_start3A_298 = arith.constant 0 : i32
      %dma_start3A_299 = tpu.memref_slice %arg5[%dma_start3A_297, %dma_start3A_298] : memref<200x96xf32, #tpu.memory_space<vmem>> -> memref<50x96xf32, #tpu.memory_space<vmem>>
      %dma_start3A_300 = arith.constant 0 : i32
      %dma_start3A_301 = arith.constant 0 : i32
      %dma_start3A_302 = tpu.memref_slice %arg2[%add3A_296, %dma_start3A_300, %dma_start3A_301] : memref<4096x50x96xf32, #tpu.memory_space<hbm>> -> memref<1x50x96xf32, #tpu.memory_space<hbm>>
      %dma_start3A_303 = tpu.memref_squeeze %dma_start3A_302 : memref<1x50x96xf32, #tpu.memory_space<hbm>> -> memref<50x96xf32, #tpu.memory_space<hbm>>
      %dma_start3A_304 = arith.constant 0 : i32
      %dma_start3A_305 = arith.constant 0 : i32
      %dma_start3A_306 = tpu.memref_slice %arg5[%dma_start3A_304, %dma_start3A_305] : memref<200x96xf32, #tpu.memory_space<vmem>> -> memref<50x96xf32, #tpu.memory_space<vmem>>
      %dma_start3A_307 = arith.constant 0 : i32
      %dma_start3A_308 = arith.constant 0 : i32
      %dma_start3A_309 = tpu.memref_slice %arg2[%add3A_296, %dma_start3A_307, %dma_start3A_308] : memref<4096x50x96xf32, #tpu.memory_space<hbm>> -> memref<1x50x96xf32, #tpu.memory_space<hbm>>
      %dma_start3A_310 = tpu.memref_squeeze %dma_start3A_309 : memref<1x50x96xf32, #tpu.memory_space<hbm>> -> memref<50x96xf32, #tpu.memory_space<hbm>>
      tpu.enqueue_dma source(%dma_start3A_310 : memref<50x96xf32, #tpu.memory_space<hbm>>) target(%dma_start3A_306 : memref<50x96xf32, #tpu.memory_space<vmem>>) target_semaphore(%arg9 : memref<!tpu.dma_semaphore, #tpu.memory_space<semaphore_mem>>)
      %add3A_311 = arith.constant 1 : i32
      %add3A_312 = arith.addi %add3A_294, %add3A_311 : i32
      %dma_start3A_313 = arith.constant 50 : i32
      %dma_start3A_314 = arith.constant 0 : i32
      %dma_start3A_315 = tpu.memref_slice %arg5[%dma_start3A_313, %dma_start3A_314] : memref<200x96xf32, #tpu.memory_space<vmem>> -> memref<50x96xf32, #tpu.memory_space<vmem>>
      %dma_start3A_316 = arith.constant 0 : i32
      %dma_start3A_317 = arith.constant 0 : i32
      %dma_start3A_318 = tpu.memref_slice %arg2[%add3A_312, %dma_start3A_316, %dma_start3A_317] : memref<4096x50x96xf32, #tpu.memory_space<hbm>> -> memref<1x50x96xf32, #tpu.memory_space<hbm>>
      %dma_start3A_319 = tpu.memref_squeeze %dma_start3A_318 : memref<1x50x96xf32, #tpu.memory_space<hbm>> -> memref<50x96xf32, #tpu.memory_space<hbm>>
      %dma_start3A_320 = arith.constant 50 : i32
      %dma_start3A_321 = arith.constant 0 : i32
      %dma_start3A_322 = tpu.memref_slice %arg5[%dma_start3A_320, %dma_start3A_321] : memref<200x96xf32, #tpu.memory_space<vmem>> -> memref<50x96xf32, #tpu.memory_space<vmem>>
      %dma_start3A_323 = arith.constant 0 : i32
      %dma_start3A_324 = arith.constant 0 : i32
      %dma_start3A_325 = tpu.memref_slice %arg2[%add3A_312, %dma_start3A_323, %dma_start3A_324] : memref<4096x50x96xf32, #tpu.memory_space<hbm>> -> memref<1x50x96xf32, #tpu.memory_space<hbm>>
      %dma_start3A_326 = tpu.memref_squeeze %dma_start3A_325 : memref<1x50x96xf32, #tpu.memory_space<hbm>> -> memref<50x96xf32, #tpu.memory_space<hbm>>
      tpu.enqueue_dma source(%dma_start3A_326 : memref<50x96xf32, #tpu.memory_space<hbm>>) target(%dma_start3A_322 : memref<50x96xf32, #tpu.memory_space<vmem>>) target_semaphore(%arg9 : memref<!tpu.dma_semaphore, #tpu.memory_space<semaphore_mem>>)
      %add3A_327 = arith.constant 2 : i32
      %add3A_328 = arith.addi %add3A_294, %add3A_327 : i32
      %dma_start3A_329 = arith.constant 100 : i32
      %dma_start3A_330 = arith.constant 0 : i32
      %dma_start3A_331 = tpu.memref_slice %arg5[%dma_start3A_329, %dma_start3A_330] : memref<200x96xf32, #tpu.memory_space<vmem>> -> memref<50x96xf32, #tpu.memory_space<vmem>>
      %dma_start3A_332 = arith.constant 0 : i32
      %dma_start3A_333 = arith.constant 0 : i32
      %dma_start3A_334 = tpu.memref_slice %arg2[%add3A_328, %dma_start3A_332, %dma_start3A_333] : memref<4096x50x96xf32, #tpu.memory_space<hbm>> -> memref<1x50x96xf32, #tpu.memory_space<hbm>>
      %dma_start3A_335 = tpu.memref_squeeze %dma_start3A_334 : memref<1x50x96xf32, #tpu.memory_space<hbm>> -> memref<50x96xf32, #tpu.memory_space<hbm>>
      %dma_start3A_336 = arith.constant 100 : i32
      %dma_start3A_337 = arith.constant 0 : i32
      %dma_start3A_338 = tpu.memref_slice %arg5[%dma_start3A_336, %dma_start3A_337] : memref<200x96xf32, #tpu.memory_space<vmem>> -> memref<50x96xf32, #tpu.memory_space<vmem>>
      %dma_start3A_339 = arith.constant 0 : i32
      %dma_start3A_340 = arith.constant 0 : i32
      %dma_start3A_341 = tpu.memref_slice %arg2[%add3A_328, %dma_start3A_339, %dma_start3A_340] : memref<4096x50x96xf32, #tpu.memory_space<hbm>> -> memref<1x50x96xf32, #tpu.memory_space<hbm>>
      %dma_start3A_342 = tpu.memref_squeeze %dma_start3A_341 : memref<1x50x96xf32, #tpu.memory_space<hbm>> -> memref<50x96xf32, #tpu.memory_space<hbm>>
      tpu.enqueue_dma source(%dma_start3A_342 : memref<50x96xf32, #tpu.memory_space<hbm>>) target(%dma_start3A_338 : memref<50x96xf32, #tpu.memory_space<vmem>>) target_semaphore(%arg9 : memref<!tpu.dma_semaphore, #tpu.memory_space<semaphore_mem>>)
      %add3A_343 = arith.constant 3 : i32
      %add3A_344 = arith.addi %add3A_294, %add3A_343 : i32
      %dma_start3A_345 = arith.constant 150 : i32
      %dma_start3A_346 = arith.constant 0 : i32
      %dma_start3A_347 = tpu.memref_slice %arg5[%dma_start3A_345, %dma_start3A_346] : memref<200x96xf32, #tpu.memory_space<vmem>> -> memref<50x96xf32, #tpu.memory_space<vmem>>
      %dma_start3A_348 = arith.constant 0 : i32
      %dma_start3A_349 = arith.constant 0 : i32
      %dma_start3A_350 = tpu.memref_slice %arg2[%add3A_344, %dma_start3A_348, %dma_start3A_349] : memref<4096x50x96xf32, #tpu.memory_space<hbm>> -> memref<1x50x96xf32, #tpu.memory_space<hbm>>
      %dma_start3A_351 = tpu.memref_squeeze %dma_start3A_350 : memref<1x50x96xf32, #tpu.memory_space<hbm>> -> memref<50x96xf32, #tpu.memory_space<hbm>>
      %dma_start3A_352 = arith.constant 150 : i32
      %dma_start3A_353 = arith.constant 0 : i32
      %dma_start3A_354 = tpu.memref_slice %arg5[%dma_start3A_352, %dma_start3A_353] : memref<200x96xf32, #tpu.memory_space<vmem>> -> memref<50x96xf32, #tpu.memory_space<vmem>>
      %dma_start3A_355 = arith.constant 0 : i32
      %dma_start3A_356 = arith.constant 0 : i32
      %dma_start3A_357 = tpu.memref_slice %arg2[%add3A_344, %dma_start3A_355, %dma_start3A_356] : memref<4096x50x96xf32, #tpu.memory_space<hbm>> -> memref<1x50x96xf32, #tpu.memory_space<hbm>>
      %dma_start3A_358 = tpu.memref_squeeze %dma_start3A_357 : memref<1x50x96xf32, #tpu.memory_space<hbm>> -> memref<50x96xf32, #tpu.memory_space<hbm>>
      tpu.enqueue_dma source(%dma_start3A_358 : memref<50x96xf32, #tpu.memory_space<hbm>>) target(%dma_start3A_354 : memref<50x96xf32, #tpu.memory_space<vmem>>) target_semaphore(%arg9 : memref<!tpu.dma_semaphore, #tpu.memory_space<semaphore_mem>>)
      %mul3A_359 = arith.constant 4 : i32
      %mul3A_360 = arith.muli %mul3A_289, %mul3A_359 : i32
      %add3A_361 = arith.addi %mul3A_2, %mul3A_360 : i32
      %add3A_362 = arith.constant 0 : i32
      %add3A_363 = arith.addi %add3A_361, %add3A_362 : i32
      %dma_wait3A_364 = arith.constant 0 : i32
      %dma_wait3A_365 = arith.constant 0 : i32
      %dma_wait3A_366 = tpu.memref_slice %arg4[%dma_wait3A_364, %dma_wait3A_365] : memref<200x96xf32, #tpu.memory_space<vmem>> -> memref<50x96xf32, #tpu.memory_space<vmem>>
      %dma_wait3A_367 = arith.constant 0 : i32
      %dma_wait3A_368 = arith.constant 0 : i32
      %dma_wait3A_369 = tpu.memref_slice %arg2[%add3A_363, %dma_wait3A_367, %dma_wait3A_368] : memref<4096x50x96xf32, #tpu.memory_space<hbm>> -> memref<1x50x96xf32, #tpu.memory_space<hbm>>
      %dma_wait3A_370 = tpu.memref_squeeze %dma_wait3A_369 : memref<1x50x96xf32, #tpu.memory_space<hbm>> -> memref<50x96xf32, #tpu.memory_space<hbm>>
      %dma_wait3A_371 = arith.constant 0 : i32
      %dma_wait3A_372 = arith.constant 0 : i32
      %dma_wait3A_373 = tpu.memref_slice %arg4[%dma_wait3A_371, %dma_wait3A_372] : memref<200x96xf32, #tpu.memory_space<vmem>> -> memref<50x96xf32, #tpu.memory_space<vmem>>
      %dma_wait3A_374 = arith.constant 0 : i32
      %dma_wait3A_375 = arith.constant 0 : i32
      %dma_wait3A_376 = tpu.memref_slice %arg2[%add3A_363, %dma_wait3A_374, %dma_wait3A_375] : memref<4096x50x96xf32, #tpu.memory_space<hbm>> -> memref<1x50x96xf32, #tpu.memory_space<hbm>>
      %dma_wait3A_377 = tpu.memref_squeeze %dma_wait3A_376 : memref<1x50x96xf32, #tpu.memory_space<hbm>> -> memref<50x96xf32, #tpu.memory_space<hbm>>
      tpu.wait_dma2 semaphore(%arg8 : memref<!tpu.dma_semaphore, #tpu.memory_space<semaphore_mem>>) src(%dma_wait3A_377 : memref<50x96xf32, #tpu.memory_space<hbm>>) dst(%dma_wait3A_373 : memref<50x96xf32, #tpu.memory_space<vmem>>)
      %add3A_378 = arith.constant 1 : i32
      %add3A_379 = arith.addi %add3A_361, %add3A_378 : i32
      %dma_wait3A_380 = arith.constant 50 : i32
      %dma_wait3A_381 = arith.constant 0 : i32
      %dma_wait3A_382 = tpu.memref_slice %arg4[%dma_wait3A_380, %dma_wait3A_381] : memref<200x96xf32, #tpu.memory_space<vmem>> -> memref<50x96xf32, #tpu.memory_space<vmem>>
      %dma_wait3A_383 = arith.constant 0 : i32
      %dma_wait3A_384 = arith.constant 0 : i32
      %dma_wait3A_385 = tpu.memref_slice %arg2[%add3A_379, %dma_wait3A_383, %dma_wait3A_384] : memref<4096x50x96xf32, #tpu.memory_space<hbm>> -> memref<1x50x96xf32, #tpu.memory_space<hbm>>
      %dma_wait3A_386 = tpu.memref_squeeze %dma_wait3A_385 : memref<1x50x96xf32, #tpu.memory_space<hbm>> -> memref<50x96xf32, #tpu.memory_space<hbm>>
      %dma_wait3A_387 = arith.constant 50 : i32
      %dma_wait3A_388 = arith.constant 0 : i32
      %dma_wait3A_389 = tpu.memref_slice %arg4[%dma_wait3A_387, %dma_wait3A_388] : memref<200x96xf32, #tpu.memory_space<vmem>> -> memref<50x96xf32, #tpu.memory_space<vmem>>
      %dma_wait3A_390 = arith.constant 0 : i32
      %dma_wait3A_391 = arith.constant 0 : i32
      %dma_wait3A_392 = tpu.memref_slice %arg2[%add3A_379, %dma_wait3A_390, %dma_wait3A_391] : memref<4096x50x96xf32, #tpu.memory_space<hbm>> -> memref<1x50x96xf32, #tpu.memory_space<hbm>>
      %dma_wait3A_393 = tpu.memref_squeeze %dma_wait3A_392 : memref<1x50x96xf32, #tpu.memory_space<hbm>> -> memref<50x96xf32, #tpu.memory_space<hbm>>
      tpu.wait_dma2 semaphore(%arg8 : memref<!tpu.dma_semaphore, #tpu.memory_space<semaphore_mem>>) src(%dma_wait3A_393 : memref<50x96xf32, #tpu.memory_space<hbm>>) dst(%dma_wait3A_389 : memref<50x96xf32, #tpu.memory_space<vmem>>)
      %add3A_394 = arith.constant 2 : i32
      %add3A_395 = arith.addi %add3A_361, %add3A_394 : i32
      %dma_wait3A_396 = arith.constant 100 : i32
      %dma_wait3A_397 = arith.constant 0 : i32
      %dma_wait3A_398 = tpu.memref_slice %arg4[%dma_wait3A_396, %dma_wait3A_397] : memref<200x96xf32, #tpu.memory_space<vmem>> -> memref<50x96xf32, #tpu.memory_space<vmem>>
      %dma_wait3A_399 = arith.constant 0 : i32
      %dma_wait3A_400 = arith.constant 0 : i32
      %dma_wait3A_401 = tpu.memref_slice %arg2[%add3A_395, %dma_wait3A_399, %dma_wait3A_400] : memref<4096x50x96xf32, #tpu.memory_space<hbm>> -> memref<1x50x96xf32, #tpu.memory_space<hbm>>
      %dma_wait3A_402 = tpu.memref_squeeze %dma_wait3A_401 : memref<1x50x96xf32, #tpu.memory_space<hbm>> -> memref<50x96xf32, #tpu.memory_space<hbm>>
      %dma_wait3A_403 = arith.constant 100 : i32
      %dma_wait3A_404 = arith.constant 0 : i32
      %dma_wait3A_405 = tpu.memref_slice %arg4[%dma_wait3A_403, %dma_wait3A_404] : memref<200x96xf32, #tpu.memory_space<vmem>> -> memref<50x96xf32, #tpu.memory_space<vmem>>
      %dma_wait3A_406 = arith.constant 0 : i32
      %dma_wait3A_407 = arith.constant 0 : i32
      %dma_wait3A_408 = tpu.memref_slice %arg2[%add3A_395, %dma_wait3A_406, %dma_wait3A_407] : memref<4096x50x96xf32, #tpu.memory_space<hbm>> -> memref<1x50x96xf32, #tpu.memory_space<hbm>>
      %dma_wait3A_409 = tpu.memref_squeeze %dma_wait3A_408 : memref<1x50x96xf32, #tpu.memory_space<hbm>> -> memref<50x96xf32, #tpu.memory_space<hbm>>
      tpu.wait_dma2 semaphore(%arg8 : memref<!tpu.dma_semaphore, #tpu.memory_space<semaphore_mem>>) src(%dma_wait3A_409 : memref<50x96xf32, #tpu.memory_space<hbm>>) dst(%dma_wait3A_405 : memref<50x96xf32, #tpu.memory_space<vmem>>)
      %add3A_410 = arith.constant 3 : i32
      %add3A_411 = arith.addi %add3A_361, %add3A_410 : i32
      %dma_wait3A_412 = arith.constant 150 : i32
      %dma_wait3A_413 = arith.constant 0 : i32
      %dma_wait3A_414 = tpu.memref_slice %arg4[%dma_wait3A_412, %dma_wait3A_413] : memref<200x96xf32, #tpu.memory_space<vmem>> -> memref<50x96xf32, #tpu.memory_space<vmem>>
      %dma_wait3A_415 = arith.constant 0 : i32
      %dma_wait3A_416 = arith.constant 0 : i32
      %dma_wait3A_417 = tpu.memref_slice %arg2[%add3A_411, %dma_wait3A_415, %dma_wait3A_416] : memref<4096x50x96xf32, #tpu.memory_space<hbm>> -> memref<1x50x96xf32, #tpu.memory_space<hbm>>
      %dma_wait3A_418 = tpu.memref_squeeze %dma_wait3A_417 : memref<1x50x96xf32, #tpu.memory_space<hbm>> -> memref<50x96xf32, #tpu.memory_space<hbm>>
      %dma_wait3A_419 = arith.constant 150 : i32
      %dma_wait3A_420 = arith.constant 0 : i32
      %dma_wait3A_421 = tpu.memref_slice %arg4[%dma_wait3A_419, %dma_wait3A_420] : memref<200x96xf32, #tpu.memory_space<vmem>> -> memref<50x96xf32, #tpu.memory_space<vmem>>
      %dma_wait3A_422 = arith.constant 0 : i32
      %dma_wait3A_423 = arith.constant 0 : i32
      %dma_wait3A_424 = tpu.memref_slice %arg2[%add3A_411, %dma_wait3A_422, %dma_wait3A_423] : memref<4096x50x96xf32, #tpu.memory_space<hbm>> -> memref<1x50x96xf32, #tpu.memory_space<hbm>>
      %dma_wait3A_425 = tpu.memref_squeeze %dma_wait3A_424 : memref<1x50x96xf32, #tpu.memory_space<hbm>> -> memref<50x96xf32, #tpu.memory_space<hbm>>
      tpu.wait_dma2 semaphore(%arg8 : memref<!tpu.dma_semaphore, #tpu.memory_space<semaphore_mem>>) src(%dma_wait3A_425 : memref<50x96xf32, #tpu.memory_space<hbm>>) dst(%dma_wait3A_421 : memref<50x96xf32, #tpu.memory_space<vmem>>)
      %ge3A_426 = arith.constant 1 : i32
      %ge3A_427 = arith.cmpi sge, %scan3A_287, %ge3A_426 : i32
      %convert_element_type3A = arith.extui %ge3A_427 : i1 to i32
      %cond3A = arith.constant 0 : i32
      %cond3A_428 = arith.cmpi ne, %convert_element_type3A, %cond3A : i32
      scf.if %cond3A_428 {
        %sub3A = arith.constant 2 : i32
        %sub3A_657 = arith.subi %mul3A_289, %sub3A : i32
        %mul3A_658 = arith.constant 4 : i32
        %mul3A_659 = arith.muli %sub3A_657, %mul3A_658 : i32
        %add3A_660 = arith.addi %mul3A_2, %mul3A_659 : i32
        %add3A_661 = arith.constant 0 : i32
        %add3A_662 = arith.addi %add3A_660, %add3A_661 : i32
        %dma_wait3A_663 = arith.constant 0 : i32
        %dma_wait3A_664 = arith.constant 0 : i32
        %dma_wait3A_665 = tpu.memref_slice %arg6[%dma_wait3A_663, %dma_wait3A_664] : memref<200x66xf32, #tpu.memory_space<vmem>> -> memref<50x66xf32, #tpu.memory_space<vmem>>
        %dma_wait3A_666 = arith.constant 0 : i32
        %dma_wait3A_667 = arith.constant 0 : i32
        %dma_wait3A_668 = tpu.memref_slice %arg3[%add3A_662, %dma_wait3A_666, %dma_wait3A_667] : memref<4096x50x66xf32, #tpu.memory_space<hbm>> -> memref<1x50x66xf32, #tpu.memory_space<hbm>>
        %dma_wait3A_669 = tpu.memref_squeeze %dma_wait3A_668 : memref<1x50x66xf32, #tpu.memory_space<hbm>> -> memref<50x66xf32, #tpu.memory_space<hbm>>
        %dma_wait3A_670 = arith.constant 0 : i32
        %dma_wait3A_671 = arith.constant 0 : i32
        %dma_wait3A_672 = tpu.memref_slice %arg3[%add3A_662, %dma_wait3A_670, %dma_wait3A_671] : memref<4096x50x66xf32, #tpu.memory_space<hbm>> -> memref<1x50x66xf32, #tpu.memory_space<hbm>>
        %dma_wait3A_673 = tpu.memref_squeeze %dma_wait3A_672 : memref<1x50x66xf32, #tpu.memory_space<hbm>> -> memref<50x66xf32, #tpu.memory_space<hbm>>
        %dma_wait3A_674 = arith.constant 0 : i32
        %dma_wait3A_675 = arith.constant 0 : i32
        %dma_wait3A_676 = tpu.memref_slice %arg6[%dma_wait3A_674, %dma_wait3A_675] : memref<200x66xf32, #tpu.memory_space<vmem>> -> memref<50x66xf32, #tpu.memory_space<vmem>>
        tpu.wait_dma2 semaphore(%arg10 : memref<!tpu.dma_semaphore, #tpu.memory_space<semaphore_mem>>) src(%dma_wait3A_676 : memref<50x66xf32, #tpu.memory_space<vmem>>) dst(%dma_wait3A_673 : memref<50x66xf32, #tpu.memory_space<hbm>>)
        %add3A_677 = arith.constant 1 : i32
        %add3A_678 = arith.addi %add3A_660, %add3A_677 : i32
        %dma_wait3A_679 = arith.constant 50 : i32
        %dma_wait3A_680 = arith.constant 0 : i32
        %dma_wait3A_681 = tpu.memref_slice %arg6[%dma_wait3A_679, %dma_wait3A_680] : memref<200x66xf32, #tpu.memory_space<vmem>> -> memref<50x66xf32, #tpu.memory_space<vmem>>
        %dma_wait3A_682 = arith.constant 0 : i32
        %dma_wait3A_683 = arith.constant 0 : i32
        %dma_wait3A_684 = tpu.memref_slice %arg3[%add3A_678, %dma_wait3A_682, %dma_wait3A_683] : memref<4096x50x66xf32, #tpu.memory_space<hbm>> -> memref<1x50x66xf32, #tpu.memory_space<hbm>>
        %dma_wait3A_685 = tpu.memref_squeeze %dma_wait3A_684 : memref<1x50x66xf32, #tpu.memory_space<hbm>> -> memref<50x66xf32, #tpu.memory_space<hbm>>
        %dma_wait3A_686 = arith.constant 0 : i32
        %dma_wait3A_687 = arith.constant 0 : i32
        %dma_wait3A_688 = tpu.memref_slice %arg3[%add3A_678, %dma_wait3A_686, %dma_wait3A_687] : memref<4096x50x66xf32, #tpu.memory_space<hbm>> -> memref<1x50x66xf32, #tpu.memory_space<hbm>>
        %dma_wait3A_689 = tpu.memref_squeeze %dma_wait3A_688 : memref<1x50x66xf32, #tpu.memory_space<hbm>> -> memref<50x66xf32, #tpu.memory_space<hbm>>
        %dma_wait3A_690 = arith.constant 50 : i32
        %dma_wait3A_691 = arith.constant 0 : i32
        %dma_wait3A_692 = tpu.memref_slice %arg6[%dma_wait3A_690, %dma_wait3A_691] : memref<200x66xf32, #tpu.memory_space<vmem>> -> memref<50x66xf32, #tpu.memory_space<vmem>>
        tpu.wait_dma2 semaphore(%arg10 : memref<!tpu.dma_semaphore, #tpu.memory_space<semaphore_mem>>) src(%dma_wait3A_692 : memref<50x66xf32, #tpu.memory_space<vmem>>) dst(%dma_wait3A_689 : memref<50x66xf32, #tpu.memory_space<hbm>>)
        %add3A_693 = arith.constant 2 : i32
        %add3A_694 = arith.addi %add3A_660, %add3A_693 : i32
        %dma_wait3A_695 = arith.constant 100 : i32
        %dma_wait3A_696 = arith.constant 0 : i32
        %dma_wait3A_697 = tpu.memref_slice %arg6[%dma_wait3A_695, %dma_wait3A_696] : memref<200x66xf32, #tpu.memory_space<vmem>> -> memref<50x66xf32, #tpu.memory_space<vmem>>
        %dma_wait3A_698 = arith.constant 0 : i32
        %dma_wait3A_699 = arith.constant 0 : i32
        %dma_wait3A_700 = tpu.memref_slice %arg3[%add3A_694, %dma_wait3A_698, %dma_wait3A_699] : memref<4096x50x66xf32, #tpu.memory_space<hbm>> -> memref<1x50x66xf32, #tpu.memory_space<hbm>>
        %dma_wait3A_701 = tpu.memref_squeeze %dma_wait3A_700 : memref<1x50x66xf32, #tpu.memory_space<hbm>> -> memref<50x66xf32, #tpu.memory_space<hbm>>
        %dma_wait3A_702 = arith.constant 0 : i32
        %dma_wait3A_703 = arith.constant 0 : i32
        %dma_wait3A_704 = tpu.memref_slice %arg3[%add3A_694, %dma_wait3A_702, %dma_wait3A_703] : memref<4096x50x66xf32, #tpu.memory_space<hbm>> -> memref<1x50x66xf32, #tpu.memory_space<hbm>>
        %dma_wait3A_705 = tpu.memref_squeeze %dma_wait3A_704 : memref<1x50x66xf32, #tpu.memory_space<hbm>> -> memref<50x66xf32, #tpu.memory_space<hbm>>
        %dma_wait3A_706 = arith.constant 100 : i32
        %dma_wait3A_707 = arith.constant 0 : i32
        %dma_wait3A_708 = tpu.memref_slice %arg6[%dma_wait3A_706, %dma_wait3A_707] : memref<200x66xf32, #tpu.memory_space<vmem>> -> memref<50x66xf32, #tpu.memory_space<vmem>>
        tpu.wait_dma2 semaphore(%arg10 : memref<!tpu.dma_semaphore, #tpu.memory_space<semaphore_mem>>) src(%dma_wait3A_708 : memref<50x66xf32, #tpu.memory_space<vmem>>) dst(%dma_wait3A_705 : memref<50x66xf32, #tpu.memory_space<hbm>>)
        %add3A_709 = arith.constant 3 : i32
        %add3A_710 = arith.addi %add3A_660, %add3A_709 : i32
        %dma_wait3A_711 = arith.constant 150 : i32
        %dma_wait3A_712 = arith.constant 0 : i32
        %dma_wait3A_713 = tpu.memref_slice %arg6[%dma_wait3A_711, %dma_wait3A_712] : memref<200x66xf32, #tpu.memory_space<vmem>> -> memref<50x66xf32, #tpu.memory_space<vmem>>
        %dma_wait3A_714 = arith.constant 0 : i32
        %dma_wait3A_715 = arith.constant 0 : i32
        %dma_wait3A_716 = tpu.memref_slice %arg3[%add3A_710, %dma_wait3A_714, %dma_wait3A_715] : memref<4096x50x66xf32, #tpu.memory_space<hbm>> -> memref<1x50x66xf32, #tpu.memory_space<hbm>>
        %dma_wait3A_717 = tpu.memref_squeeze %dma_wait3A_716 : memref<1x50x66xf32, #tpu.memory_space<hbm>> -> memref<50x66xf32, #tpu.memory_space<hbm>>
        %dma_wait3A_718 = arith.constant 0 : i32
        %dma_wait3A_719 = arith.constant 0 : i32
        %dma_wait3A_720 = tpu.memref_slice %arg3[%add3A_710, %dma_wait3A_718, %dma_wait3A_719] : memref<4096x50x66xf32, #tpu.memory_space<hbm>> -> memref<1x50x66xf32, #tpu.memory_space<hbm>>
        %dma_wait3A_721 = tpu.memref_squeeze %dma_wait3A_720 : memref<1x50x66xf32, #tpu.memory_space<hbm>> -> memref<50x66xf32, #tpu.memory_space<hbm>>
        %dma_wait3A_722 = arith.constant 150 : i32
        %dma_wait3A_723 = arith.constant 0 : i32
        %dma_wait3A_724 = tpu.memref_slice %arg6[%dma_wait3A_722, %dma_wait3A_723] : memref<200x66xf32, #tpu.memory_space<vmem>> -> memref<50x66xf32, #tpu.memory_space<vmem>>
        tpu.wait_dma2 semaphore(%arg10 : memref<!tpu.dma_semaphore, #tpu.memory_space<semaphore_mem>>) src(%dma_wait3A_724 : memref<50x66xf32, #tpu.memory_space<vmem>>) dst(%dma_wait3A_721 : memref<50x66xf32, #tpu.memory_space<hbm>>)
      } else {
      }
      %scan3A_429 = arith.constant 0 : i32
      %scan3A_430 = arith.constant 0 : i32
      %scan3A_431 = arith.constant 20 : i32
      %scan3A_432 = arith.addi %scan3A_430, %scan3A_431 : i32
      %scan3A_433 = arith.constant 1 : i32
      scf.for %scan3A_657 = %scan3A_430 to %scan3A_432 step %scan3A_433  : i32 {
        %mul3A_658 = arith.constant 10 : i32
        %mul3A_659 = arith.muli %scan3A_657, %mul3A_658 : i32
        %add3A_660 = arith.constant 0 : i32
        %add3A_661 = arith.addi %mul3A_659, %add3A_660 : i32
        %broadcast_in_dim3A_662 = vector.broadcast %add3A_661 : i32 to vector<16xi32>
        %gather3A = tpu.vector_load_idx %arg4[%broadcast_in_dim3A_662, %add3A_10] : memref<200x96xf32, #tpu.memory_space<vmem>>[vector<16xi32>, vector<16xi32>], vector<16xf32>,
        %add3A_663 = arith.constant 0 : i32
        %add3A_664 = arith.addi %mul3A_659, %add3A_663 : i32
        %swap3A = arith.index_cast %add3A_664 : i32 to index
        %swap3A_665 = arith.constant 0 : index
        %swap3A_666 = tpu.vector_load %arg6[%swap3A, %swap3A_665] {strides = array<i32>} : memref<200x66xf32, #tpu.memory_space<vmem>>, vector<16xf32>,
        tpu.vector_store %arg6[%swap3A, %swap3A_665], %gather3A {strides = array<i32>} : memref<200x66xf32, #tpu.memory_space<vmem>>, vector<16xf32>,
        %gather3A_667 = tpu.vector_load_idx %arg4[%broadcast_in_dim3A_662, %add3A_22] : memref<200x96xf32, #tpu.memory_space<vmem>>[vector<16xi32>, vector<16xi32>], vector<16xf32>,
        %add3A_668 = arith.constant 0 : i32
        %add3A_669 = arith.addi %mul3A_659, %add3A_668 : i32
        %swap3A_670 = arith.index_cast %add3A_669 : i32 to index
        %swap3A_671 = arith.constant 16 : index
        %swap3A_672 = tpu.vector_load %arg6[%swap3A_670, %swap3A_671] {strides = array<i32>} : memref<200x66xf32, #tpu.memory_space<vmem>>, vector<16xf32>,
        tpu.vector_store %arg6[%swap3A_670, %swap3A_671], %gather3A_667 {strides = array<i32>} : memref<200x66xf32, #tpu.memory_space<vmem>>, vector<16xf32>,
        %gather3A_673 = tpu.vector_load_idx %arg4[%broadcast_in_dim3A_662, %add3A_43] : memref<200x96xf32, #tpu.memory_space<vmem>>[vector<16xi32>, vector<16xi32>], vector<16xf32>,
        %add3A_674 = arith.constant 0 : i32
        %add3A_675 = arith.addi %mul3A_659, %add3A_674 : i32
        %swap3A_676 = arith.index_cast %add3A_675 : i32 to index
        %swap3A_677 = arith.constant 32 : index
        %swap3A_678 = tpu.vector_load %arg6[%swap3A_676, %swap3A_677] {strides = array<i32>} : memref<200x66xf32, #tpu.memory_space<vmem>>, vector<16xf32>,
        tpu.vector_store %arg6[%swap3A_676, %swap3A_677], %gather3A_673 {strides = array<i32>} : memref<200x66xf32, #tpu.memory_space<vmem>>, vector<16xf32>,
        %gather3A_679 = tpu.vector_load_idx %arg4[%broadcast_in_dim3A_662, %add3A_64] : memref<200x96xf32, #tpu.memory_space<vmem>>[vector<16xi32>, vector<16xi32>], vector<16xf32>,
        %add3A_680 = arith.constant 0 : i32
        %add3A_681 = arith.addi %mul3A_659, %add3A_680 : i32
        %swap3A_682 = arith.index_cast %add3A_681 : i32 to index
        %swap3A_683 = arith.constant 48 : index
        %swap3A_684 = tpu.vector_load %arg6[%swap3A_682, %swap3A_683] {strides = array<i32>} : memref<200x66xf32, #tpu.memory_space<vmem>>, vector<16xf32>,
        tpu.vector_store %arg6[%swap3A_682, %swap3A_683], %gather3A_679 {strides = array<i32>} : memref<200x66xf32, #tpu.memory_space<vmem>>, vector<16xf32>,
        %gather3A_685 = tpu.vector_load_idx %arg4[%broadcast_in_dim3A_662, %add3A_85] : memref<200x96xf32, #tpu.memory_space<vmem>>[vector<16xi32>, vector<16xi32>], vector<16xf32>,
        %add3A_686 = arith.constant 0 : i32
        %add3A_687 = arith.addi %mul3A_659, %add3A_686 : i32
        %swap3A_688 = arith.index_cast %add3A_687 : i32 to index
        %swap3A_689 = arith.constant 50 : index
        %swap3A_690 = tpu.vector_load %arg6[%swap3A_688, %swap3A_689] {strides = array<i32>} : memref<200x66xf32, #tpu.memory_space<vmem>>, vector<16xf32>,
        tpu.vector_store %arg6[%swap3A_688, %swap3A_689], %gather3A_685 {strides = array<i32>} : memref<200x66xf32, #tpu.memory_space<vmem>>, vector<16xf32>,
        %add3A_691 = arith.constant 1 : i32
        %add3A_692 = arith.addi %mul3A_659, %add3A_691 : i32
        %broadcast_in_dim3A_693 = vector.broadcast %add3A_692 : i32 to vector<16xi32>
        %gather3A_694 = tpu.vector_load_idx %arg4[%broadcast_in_dim3A_693, %add3A_10] : memref<200x96xf32, #tpu.memory_space<vmem>>[vector<16xi32>, vector<16xi32>], vector<16xf32>,
        %add3A_695 = arith.constant 1 : i32
        %add3A_696 = arith.addi %mul3A_659, %add3A_695 : i32
        %swap3A_697 = arith.index_cast %add3A_696 : i32 to index
        %swap3A_698 = arith.constant 0 : index
        %swap3A_699 = tpu.vector_load %arg6[%swap3A_697, %swap3A_698] {strides = array<i32>} : memref<200x66xf32, #tpu.memory_space<vmem>>, vector<16xf32>,
        tpu.vector_store %arg6[%swap3A_697, %swap3A_698], %gather3A_694 {strides = array<i32>} : memref<200x66xf32, #tpu.memory_space<vmem>>, vector<16xf32>,
        %gather3A_700 = tpu.vector_load_idx %arg4[%broadcast_in_dim3A_693, %add3A_22] : memref<200x96xf32, #tpu.memory_space<vmem>>[vector<16xi32>, vector<16xi32>], vector<16xf32>,
        %add3A_701 = arith.constant 1 : i32
        %add3A_702 = arith.addi %mul3A_659, %add3A_701 : i32
        %swap3A_703 = arith.index_cast %add3A_702 : i32 to index
        %swap3A_704 = arith.constant 16 : index
        %swap3A_705 = tpu.vector_load %arg6[%swap3A_703, %swap3A_704] {strides = array<i32>} : memref<200x66xf32, #tpu.memory_space<vmem>>, vector<16xf32>,
        tpu.vector_store %arg6[%swap3A_703, %swap3A_704], %gather3A_700 {strides = array<i32>} : memref<200x66xf32, #tpu.memory_space<vmem>>, vector<16xf32>,
        %gather3A_706 = tpu.vector_load_idx %arg4[%broadcast_in_dim3A_693, %add3A_43] : memref<200x96xf32, #tpu.memory_space<vmem>>[vector<16xi32>, vector<16xi32>], vector<16xf32>,
        %add3A_707 = arith.constant 1 : i32
        %add3A_708 = arith.addi %mul3A_659, %add3A_707 : i32
        %swap3A_709 = arith.index_cast %add3A_708 : i32 to index
        %swap3A_710 = arith.constant 32 : index
        %swap3A_711 = tpu.vector_load %arg6[%swap3A_709, %swap3A_710] {strides = array<i32>} : memref<200x66xf32, #tpu.memory_space<vmem>>, vector<16xf32>,
        tpu.vector_store %arg6[%swap3A_709, %swap3A_710], %gather3A_706 {strides = array<i32>} : memref<200x66xf32, #tpu.memory_space<vmem>>, vector<16xf32>,
        %gather3A_712 = tpu.vector_load_idx %arg4[%broadcast_in_dim3A_693, %add3A_64] : memref<200x96xf32, #tpu.memory_space<vmem>>[vector<16xi32>, vector<16xi32>], vector<16xf32>,
        %add3A_713 = arith.constant 1 : i32
        %add3A_714 = arith.addi %mul3A_659, %add3A_713 : i32
        %swap3A_715 = arith.index_cast %add3A_714 : i32 to index
        %swap3A_716 = arith.constant 48 : index
        %swap3A_717 = tpu.vector_load %arg6[%swap3A_715, %swap3A_716] {strides = array<i32>} : memref<200x66xf32, #tpu.memory_space<vmem>>, vector<16xf32>,
        tpu.vector_store %arg6[%swap3A_715, %swap3A_716], %gather3A_712 {strides = array<i32>} : memref<200x66xf32, #tpu.memory_space<vmem>>, vector<16xf32>,
        %gather3A_718 = tpu.vector_load_idx %arg4[%broadcast_in_dim3A_693, %add3A_85] : memref<200x96xf32, #tpu.memory_space<vmem>>[vector<16xi32>, vector<16xi32>], vector<16xf32>,
        %add3A_719 = arith.constant 1 : i32
        %add3A_720 = arith.addi %mul3A_659, %add3A_719 : i32
        %swap3A_721 = arith.index_cast %add3A_720 : i32 to index
        %swap3A_722 = arith.constant 50 : index
        %swap3A_723 = tpu.vector_load %arg6[%swap3A_721, %swap3A_722] {strides = array<i32>} : memref<200x66xf32, #tpu.memory_space<vmem>>, vector<16xf32>,
        tpu.vector_store %arg6[%swap3A_721, %swap3A_722], %gather3A_718 {strides = array<i32>} : memref<200x66xf32, #tpu.memory_space<vmem>>, vector<16xf32>,
        %add3A_724 = arith.constant 2 : i32
        %add3A_725 = arith.addi %mul3A_659, %add3A_724 : i32
        %broadcast_in_dim3A_726 = vector.broadcast %add3A_725 : i32 to vector<16xi32>
        %gather3A_727 = tpu.vector_load_idx %arg4[%broadcast_in_dim3A_726, %add3A_10] : memref<200x96xf32, #tpu.memory_space<vmem>>[vector<16xi32>, vector<16xi32>], vector<16xf32>,
        %add3A_728 = arith.constant 2 : i32
        %add3A_729 = arith.addi %mul3A_659, %add3A_728 : i32
        %swap3A_730 = arith.index_cast %add3A_729 : i32 to index
        %swap3A_731 = arith.constant 0 : index
        %swap3A_732 = tpu.vector_load %arg6[%swap3A_730, %swap3A_731] {strides = array<i32>} : memref<200x66xf32, #tpu.memory_space<vmem>>, vector<16xf32>,
        tpu.vector_store %arg6[%swap3A_730, %swap3A_731], %gather3A_727 {strides = array<i32>} : memref<200x66xf32, #tpu.memory_space<vmem>>, vector<16xf32>,
        %gather3A_733 = tpu.vector_load_idx %arg4[%broadcast_in_dim3A_726, %add3A_22] : memref<200x96xf32, #tpu.memory_space<vmem>>[vector<16xi32>, vector<16xi32>], vector<16xf32>,
        %add3A_734 = arith.constant 2 : i32
        %add3A_735 = arith.addi %mul3A_659, %add3A_734 : i32
        %swap3A_736 = arith.index_cast %add3A_735 : i32 to index
        %swap3A_737 = arith.constant 16 : index
        %swap3A_738 = tpu.vector_load %arg6[%swap3A_736, %swap3A_737] {strides = array<i32>} : memref<200x66xf32, #tpu.memory_space<vmem>>, vector<16xf32>,
        tpu.vector_store %arg6[%swap3A_736, %swap3A_737], %gather3A_733 {strides = array<i32>} : memref<200x66xf32, #tpu.memory_space<vmem>>, vector<16xf32>,
        %gather3A_739 = tpu.vector_load_idx %arg4[%broadcast_in_dim3A_726, %add3A_43] : memref<200x96xf32, #tpu.memory_space<vmem>>[vector<16xi32>, vector<16xi32>], vector<16xf32>,
        %add3A_740 = arith.constant 2 : i32
        %add3A_741 = arith.addi %mul3A_659, %add3A_740 : i32
        %swap3A_742 = arith.index_cast %add3A_741 : i32 to index
        %swap3A_743 = arith.constant 32 : index
        %swap3A_744 = tpu.vector_load %arg6[%swap3A_742, %swap3A_743] {strides = array<i32>} : memref<200x66xf32, #tpu.memory_space<vmem>>, vector<16xf32>,
        tpu.vector_store %arg6[%swap3A_742, %swap3A_743], %gather3A_739 {strides = array<i32>} : memref<200x66xf32, #tpu.memory_space<vmem>>, vector<16xf32>,
        %gather3A_745 = tpu.vector_load_idx %arg4[%broadcast_in_dim3A_726, %add3A_64] : memref<200x96xf32, #tpu.memory_space<vmem>>[vector<16xi32>, vector<16xi32>], vector<16xf32>,
        %add3A_746 = arith.constant 2 : i32
        %add3A_747 = arith.addi %mul3A_659, %add3A_746 : i32
        %swap3A_748 = arith.index_cast %add3A_747 : i32 to index
        %swap3A_749 = arith.constant 48 : index
        %swap3A_750 = tpu.vector_load %arg6[%swap3A_748, %swap3A_749] {strides = array<i32>} : memref<200x66xf32, #tpu.memory_space<vmem>>, vector<16xf32>,
        tpu.vector_store %arg6[%swap3A_748, %swap3A_749], %gather3A_745 {strides = array<i32>} : memref<200x66xf32, #tpu.memory_space<vmem>>, vector<16xf32>,
        %gather3A_751 = tpu.vector_load_idx %arg4[%broadcast_in_dim3A_726, %add3A_85] : memref<200x96xf32, #tpu.memory_space<vmem>>[vector<16xi32>, vector<16xi32>], vector<16xf32>,
        %add3A_752 = arith.constant 2 : i32
        %add3A_753 = arith.addi %mul3A_659, %add3A_752 : i32
        %swap3A_754 = arith.index_cast %add3A_753 : i32 to index
        %swap3A_755 = arith.constant 50 : index
        %swap3A_756 = tpu.vector_load %arg6[%swap3A_754, %swap3A_755] {strides = array<i32>} : memref<200x66xf32, #tpu.memory_space<vmem>>, vector<16xf32>,
        tpu.vector_store %arg6[%swap3A_754, %swap3A_755], %gather3A_751 {strides = array<i32>} : memref<200x66xf32, #tpu.memory_space<vmem>>, vector<16xf32>,
        %add3A_757 = arith.constant 3 : i32
        %add3A_758 = arith.addi %mul3A_659, %add3A_757 : i32
        %broadcast_in_dim3A_759 = vector.broadcast %add3A_758 : i32 to vector<16xi32>
        %gather3A_760 = tpu.vector_load_idx %arg4[%broadcast_in_dim3A_759, %add3A_10] : memref<200x96xf32, #tpu.memory_space<vmem>>[vector<16xi32>, vector<16xi32>], vector<16xf32>,
        %add3A_761 = arith.constant 3 : i32
        %add3A_762 = arith.addi %mul3A_659, %add3A_761 : i32
        %swap3A_763 = arith.index_cast %add3A_762 : i32 to index
        %swap3A_764 = arith.constant 0 : index
        %swap3A_765 = tpu.vector_load %arg6[%swap3A_763, %swap3A_764] {strides = array<i32>} : memref<200x66xf32, #tpu.memory_space<vmem>>, vector<16xf32>,
        tpu.vector_store %arg6[%swap3A_763, %swap3A_764], %gather3A_760 {strides = array<i32>} : memref<200x66xf32, #tpu.memory_space<vmem>>, vector<16xf32>,
        %gather3A_766 = tpu.vector_load_idx %arg4[%broadcast_in_dim3A_759, %add3A_22] : memref<200x96xf32, #tpu.memory_space<vmem>>[vector<16xi32>, vector<16xi32>], vector<16xf32>,
        %add3A_767 = arith.constant 3 : i32
        %add3A_768 = arith.addi %mul3A_659, %add3A_767 : i32
        %swap3A_769 = arith.index_cast %add3A_768 : i32 to index
        %swap3A_770 = arith.constant 16 : index
        %swap3A_771 = tpu.vector_load %arg6[%swap3A_769, %swap3A_770] {strides = array<i32>} : memref<200x66xf32, #tpu.memory_space<vmem>>, vector<16xf32>,
        tpu.vector_store %arg6[%swap3A_769, %swap3A_770], %gather3A_766 {strides = array<i32>} : memref<200x66xf32, #tpu.memory_space<vmem>>, vector<16xf32>,
        %gather3A_772 = tpu.vector_load_idx %arg4[%broadcast_in_dim3A_759, %add3A_43] : memref<200x96xf32, #tpu.memory_space<vmem>>[vector<16xi32>, vector<16xi32>], vector<16xf32>,
        %add3A_773 = arith.constant 3 : i32
        %add3A_774 = arith.addi %mul3A_659, %add3A_773 : i32
        %swap3A_775 = arith.index_cast %add3A_774 : i32 to index
        %swap3A_776 = arith.constant 32 : index
        %swap3A_777 = tpu.vector_load %arg6[%swap3A_775, %swap3A_776] {strides = array<i32>} : memref<200x66xf32, #tpu.memory_space<vmem>>, vector<16xf32>,
        tpu.vector_store %arg6[%swap3A_775, %swap3A_776], %gather3A_772 {strides = array<i32>} : memref<200x66xf32, #tpu.memory_space<vmem>>, vector<16xf32>,
        %gather3A_778 = tpu.vector_load_idx %arg4[%broadcast_in_dim3A_759, %add3A_64] : memref<200x96xf32, #tpu.memory_space<vmem>>[vector<16xi32>, vector<16xi32>], vector<16xf32>,
        %add3A_779 = arith.constant 3 : i32
        %add3A_780 = arith.addi %mul3A_659, %add3A_779 : i32
        %swap3A_781 = arith.index_cast %add3A_780 : i32 to index
        %swap3A_782 = arith.constant 48 : index
        %swap3A_783 = tpu.vector_load %arg6[%swap3A_781, %swap3A_782] {strides = array<i32>} : memref<200x66xf32, #tpu.memory_space<vmem>>, vector<16xf32>,
        tpu.vector_store %arg6[%swap3A_781, %swap3A_782], %gather3A_778 {strides = array<i32>} : memref<200x66xf32, #tpu.memory_space<vmem>>, vector<16xf32>,
        %gather3A_784 = tpu.vector_load_idx %arg4[%broadcast_in_dim3A_759, %add3A_85] : memref<200x96xf32, #tpu.memory_space<vmem>>[vector<16xi32>, vector<16xi32>], vector<16xf32>,
        %add3A_785 = arith.constant 3 : i32
        %add3A_786 = arith.addi %mul3A_659, %add3A_785 : i32
        %swap3A_787 = arith.index_cast %add3A_786 : i32 to index
        %swap3A_788 = arith.constant 50 : index
        %swap3A_789 = tpu.vector_load %arg6[%swap3A_787, %swap3A_788] {strides = array<i32>} : memref<200x66xf32, #tpu.memory_space<vmem>>, vector<16xf32>,
        tpu.vector_store %arg6[%swap3A_787, %swap3A_788], %gather3A_784 {strides = array<i32>} : memref<200x66xf32, #tpu.memory_space<vmem>>, vector<16xf32>,
        %add3A_790 = arith.constant 4 : i32
        %add3A_791 = arith.addi %mul3A_659, %add3A_790 : i32
        %broadcast_in_dim3A_792 = vector.broadcast %add3A_791 : i32 to vector<16xi32>
        %gather3A_793 = tpu.vector_load_idx %arg4[%broadcast_in_dim3A_792, %add3A_10] : memref<200x96xf32, #tpu.memory_space<vmem>>[vector<16xi32>, vector<16xi32>], vector<16xf32>,
        %add3A_794 = arith.constant 4 : i32
        %add3A_795 = arith.addi %mul3A_659, %add3A_794 : i32
        %swap3A_796 = arith.index_cast %add3A_795 : i32 to index
        %swap3A_797 = arith.constant 0 : index
        %swap3A_798 = tpu.vector_load %arg6[%swap3A_796, %swap3A_797] {strides = array<i32>} : memref<200x66xf32, #tpu.memory_space<vmem>>, vector<16xf32>,
        tpu.vector_store %arg6[%swap3A_796, %swap3A_797], %gather3A_793 {strides = array<i32>} : memref<200x66xf32, #tpu.memory_space<vmem>>, vector<16xf32>,
        %gather3A_799 = tpu.vector_load_idx %arg4[%broadcast_in_dim3A_792, %add3A_22] : memref<200x96xf32, #tpu.memory_space<vmem>>[vector<16xi32>, vector<16xi32>], vector<16xf32>,
        %add3A_800 = arith.constant 4 : i32
        %add3A_801 = arith.addi %mul3A_659, %add3A_800 : i32
        %swap3A_802 = arith.index_cast %add3A_801 : i32 to index
        %swap3A_803 = arith.constant 16 : index
        %swap3A_804 = tpu.vector_load %arg6[%swap3A_802, %swap3A_803] {strides = array<i32>} : memref<200x66xf32, #tpu.memory_space<vmem>>, vector<16xf32>,
        tpu.vector_store %arg6[%swap3A_802, %swap3A_803], %gather3A_799 {strides = array<i32>} : memref<200x66xf32, #tpu.memory_space<vmem>>, vector<16xf32>,
        %gather3A_805 = tpu.vector_load_idx %arg4[%broadcast_in_dim3A_792, %add3A_43] : memref<200x96xf32, #tpu.memory_space<vmem>>[vector<16xi32>, vector<16xi32>], vector<16xf32>,
        %add3A_806 = arith.constant 4 : i32
        %add3A_807 = arith.addi %mul3A_659, %add3A_806 : i32
        %swap3A_808 = arith.index_cast %add3A_807 : i32 to index
        %swap3A_809 = arith.constant 32 : index
        %swap3A_810 = tpu.vector_load %arg6[%swap3A_808, %swap3A_809] {strides = array<i32>} : memref<200x66xf32, #tpu.memory_space<vmem>>, vector<16xf32>,
        tpu.vector_store %arg6[%swap3A_808, %swap3A_809], %gather3A_805 {strides = array<i32>} : memref<200x66xf32, #tpu.memory_space<vmem>>, vector<16xf32>,
        %gather3A_811 = tpu.vector_load_idx %arg4[%broadcast_in_dim3A_792, %add3A_64] : memref<200x96xf32, #tpu.memory_space<vmem>>[vector<16xi32>, vector<16xi32>], vector<16xf32>,
        %add3A_812 = arith.constant 4 : i32
        %add3A_813 = arith.addi %mul3A_659, %add3A_812 : i32
        %swap3A_814 = arith.index_cast %add3A_813 : i32 to index
        %swap3A_815 = arith.constant 48 : index
        %swap3A_816 = tpu.vector_load %arg6[%swap3A_814, %swap3A_815] {strides = array<i32>} : memref<200x66xf32, #tpu.memory_space<vmem>>, vector<16xf32>,
        tpu.vector_store %arg6[%swap3A_814, %swap3A_815], %gather3A_811 {strides = array<i32>} : memref<200x66xf32, #tpu.memory_space<vmem>>, vector<16xf32>,
        %gather3A_817 = tpu.vector_load_idx %arg4[%broadcast_in_dim3A_792, %add3A_85] : memref<200x96xf32, #tpu.memory_space<vmem>>[vector<16xi32>, vector<16xi32>], vector<16xf32>,
        %add3A_818 = arith.constant 4 : i32
        %add3A_819 = arith.addi %mul3A_659, %add3A_818 : i32
        %swap3A_820 = arith.index_cast %add3A_819 : i32 to index
        %swap3A_821 = arith.constant 50 : index
        %swap3A_822 = tpu.vector_load %arg6[%swap3A_820, %swap3A_821] {strides = array<i32>} : memref<200x66xf32, #tpu.memory_space<vmem>>, vector<16xf32>,
        tpu.vector_store %arg6[%swap3A_820, %swap3A_821], %gather3A_817 {strides = array<i32>} : memref<200x66xf32, #tpu.memory_space<vmem>>, vector<16xf32>,
        %add3A_823 = arith.constant 5 : i32
        %add3A_824 = arith.addi %mul3A_659, %add3A_823 : i32
        %broadcast_in_dim3A_825 = vector.broadcast %add3A_824 : i32 to vector<16xi32>
        %gather3A_826 = tpu.vector_load_idx %arg4[%broadcast_in_dim3A_825, %add3A_10] : memref<200x96xf32, #tpu.memory_space<vmem>>[vector<16xi32>, vector<16xi32>], vector<16xf32>,
        %add3A_827 = arith.constant 5 : i32
        %add3A_828 = arith.addi %mul3A_659, %add3A_827 : i32
        %swap3A_829 = arith.index_cast %add3A_828 : i32 to index
        %swap3A_830 = arith.constant 0 : index
        %swap3A_831 = tpu.vector_load %arg6[%swap3A_829, %swap3A_830] {strides = array<i32>} : memref<200x66xf32, #tpu.memory_space<vmem>>, vector<16xf32>,
        tpu.vector_store %arg6[%swap3A_829, %swap3A_830], %gather3A_826 {strides = array<i32>} : memref<200x66xf32, #tpu.memory_space<vmem>>, vector<16xf32>,
        %gather3A_832 = tpu.vector_load_idx %arg4[%broadcast_in_dim3A_825, %add3A_22] : memref<200x96xf32, #tpu.memory_space<vmem>>[vector<16xi32>, vector<16xi32>], vector<16xf32>,
        %add3A_833 = arith.constant 5 : i32
        %add3A_834 = arith.addi %mul3A_659, %add3A_833 : i32
        %swap3A_835 = arith.index_cast %add3A_834 : i32 to index
        %swap3A_836 = arith.constant 16 : index
        %swap3A_837 = tpu.vector_load %arg6[%swap3A_835, %swap3A_836] {strides = array<i32>} : memref<200x66xf32, #tpu.memory_space<vmem>>, vector<16xf32>,
        tpu.vector_store %arg6[%swap3A_835, %swap3A_836], %gather3A_832 {strides = array<i32>} : memref<200x66xf32, #tpu.memory_space<vmem>>, vector<16xf32>,
        %gather3A_838 = tpu.vector_load_idx %arg4[%broadcast_in_dim3A_825, %add3A_43] : memref<200x96xf32, #tpu.memory_space<vmem>>[vector<16xi32>, vector<16xi32>], vector<16xf32>,
        %add3A_839 = arith.constant 5 : i32
        %add3A_840 = arith.addi %mul3A_659, %add3A_839 : i32
        %swap3A_841 = arith.index_cast %add3A_840 : i32 to index
        %swap3A_842 = arith.constant 32 : index
        %swap3A_843 = tpu.vector_load %arg6[%swap3A_841, %swap3A_842] {strides = array<i32>} : memref<200x66xf32, #tpu.memory_space<vmem>>, vector<16xf32>,
        tpu.vector_store %arg6[%swap3A_841, %swap3A_842], %gather3A_838 {strides = array<i32>} : memref<200x66xf32, #tpu.memory_space<vmem>>, vector<16xf32>,
        %gather3A_844 = tpu.vector_load_idx %arg4[%broadcast_in_dim3A_825, %add3A_64] : memref<200x96xf32, #tpu.memory_space<vmem>>[vector<16xi32>, vector<16xi32>], vector<16xf32>,
        %add3A_845 = arith.constant 5 : i32
        %add3A_846 = arith.addi %mul3A_659, %add3A_845 : i32
        %swap3A_847 = arith.index_cast %add3A_846 : i32 to index
        %swap3A_848 = arith.constant 48 : index
        %swap3A_849 = tpu.vector_load %arg6[%swap3A_847, %swap3A_848] {strides = array<i32>} : memref<200x66xf32, #tpu.memory_space<vmem>>, vector<16xf32>,
        tpu.vector_store %arg6[%swap3A_847, %swap3A_848], %gather3A_844 {strides = array<i32>} : memref<200x66xf32, #tpu.memory_space<vmem>>, vector<16xf32>,
        %gather3A_850 = tpu.vector_load_idx %arg4[%broadcast_in_dim3A_825, %add3A_85] : memref<200x96xf32, #tpu.memory_space<vmem>>[vector<16xi32>, vector<16xi32>], vector<16xf32>,
        %add3A_851 = arith.constant 5 : i32
        %add3A_852 = arith.addi %mul3A_659, %add3A_851 : i32
        %swap3A_853 = arith.index_cast %add3A_852 : i32 to index
        %swap3A_854 = arith.constant 50 : index
        %swap3A_855 = tpu.vector_load %arg6[%swap3A_853, %swap3A_854] {strides = array<i32>} : memref<200x66xf32, #tpu.memory_space<vmem>>, vector<16xf32>,
        tpu.vector_store %arg6[%swap3A_853, %swap3A_854], %gather3A_850 {strides = array<i32>} : memref<200x66xf32, #tpu.memory_space<vmem>>, vector<16xf32>,
        %add3A_856 = arith.constant 6 : i32
        %add3A_857 = arith.addi %mul3A_659, %add3A_856 : i32
        %broadcast_in_dim3A_858 = vector.broadcast %add3A_857 : i32 to vector<16xi32>
        %gather3A_859 = tpu.vector_load_idx %arg4[%broadcast_in_dim3A_858, %add3A_10] : memref<200x96xf32, #tpu.memory_space<vmem>>[vector<16xi32>, vector<16xi32>], vector<16xf32>,
        %add3A_860 = arith.constant 6 : i32
        %add3A_861 = arith.addi %mul3A_659, %add3A_860 : i32
        %swap3A_862 = arith.index_cast %add3A_861 : i32 to index
        %swap3A_863 = arith.constant 0 : index
        %swap3A_864 = tpu.vector_load %arg6[%swap3A_862, %swap3A_863] {strides = array<i32>} : memref<200x66xf32, #tpu.memory_space<vmem>>, vector<16xf32>,
        tpu.vector_store %arg6[%swap3A_862, %swap3A_863], %gather3A_859 {strides = array<i32>} : memref<200x66xf32, #tpu.memory_space<vmem>>, vector<16xf32>,
        %gather3A_865 = tpu.vector_load_idx %arg4[%broadcast_in_dim3A_858, %add3A_22] : memref<200x96xf32, #tpu.memory_space<vmem>>[vector<16xi32>, vector<16xi32>], vector<16xf32>,
        %add3A_866 = arith.constant 6 : i32
        %add3A_867 = arith.addi %mul3A_659, %add3A_866 : i32
        %swap3A_868 = arith.index_cast %add3A_867 : i32 to index
        %swap3A_869 = arith.constant 16 : index
        %swap3A_870 = tpu.vector_load %arg6[%swap3A_868, %swap3A_869] {strides = array<i32>} : memref<200x66xf32, #tpu.memory_space<vmem>>, vector<16xf32>,
        tpu.vector_store %arg6[%swap3A_868, %swap3A_869], %gather3A_865 {strides = array<i32>} : memref<200x66xf32, #tpu.memory_space<vmem>>, vector<16xf32>,
        %gather3A_871 = tpu.vector_load_idx %arg4[%broadcast_in_dim3A_858, %add3A_43] : memref<200x96xf32, #tpu.memory_space<vmem>>[vector<16xi32>, vector<16xi32>], vector<16xf32>,
        %add3A_872 = arith.constant 6 : i32
        %add3A_873 = arith.addi %mul3A_659, %add3A_872 : i32
        %swap3A_874 = arith.index_cast %add3A_873 : i32 to index
        %swap3A_875 = arith.constant 32 : index
        %swap3A_876 = tpu.vector_load %arg6[%swap3A_874, %swap3A_875] {strides = array<i32>} : memref<200x66xf32, #tpu.memory_space<vmem>>, vector<16xf32>,
        tpu.vector_store %arg6[%swap3A_874, %swap3A_875], %gather3A_871 {strides = array<i32>} : memref<200x66xf32, #tpu.memory_space<vmem>>, vector<16xf32>,
        %gather3A_877 = tpu.vector_load_idx %arg4[%broadcast_in_dim3A_858, %add3A_64] : memref<200x96xf32, #tpu.memory_space<vmem>>[vector<16xi32>, vector<16xi32>], vector<16xf32>,
        %add3A_878 = arith.constant 6 : i32
        %add3A_879 = arith.addi %mul3A_659, %add3A_878 : i32
        %swap3A_880 = arith.index_cast %add3A_879 : i32 to index
        %swap3A_881 = arith.constant 48 : index
        %swap3A_882 = tpu.vector_load %arg6[%swap3A_880, %swap3A_881] {strides = array<i32>} : memref<200x66xf32, #tpu.memory_space<vmem>>, vector<16xf32>,
        tpu.vector_store %arg6[%swap3A_880, %swap3A_881], %gather3A_877 {strides = array<i32>} : memref<200x66xf32, #tpu.memory_space<vmem>>, vector<16xf32>,
        %gather3A_883 = tpu.vector_load_idx %arg4[%broadcast_in_dim3A_858, %add3A_85] : memref<200x96xf32, #tpu.memory_space<vmem>>[vector<16xi32>, vector<16xi32>], vector<16xf32>,
        %add3A_884 = arith.constant 6 : i32
        %add3A_885 = arith.addi %mul3A_659, %add3A_884 : i32
        %swap3A_886 = arith.index_cast %add3A_885 : i32 to index
        %swap3A_887 = arith.constant 50 : index
        %swap3A_888 = tpu.vector_load %arg6[%swap3A_886, %swap3A_887] {strides = array<i32>} : memref<200x66xf32, #tpu.memory_space<vmem>>, vector<16xf32>,
        tpu.vector_store %arg6[%swap3A_886, %swap3A_887], %gather3A_883 {strides = array<i32>} : memref<200x66xf32, #tpu.memory_space<vmem>>, vector<16xf32>,
        %add3A_889 = arith.constant 7 : i32
        %add3A_890 = arith.addi %mul3A_659, %add3A_889 : i32
        %broadcast_in_dim3A_891 = vector.broadcast %add3A_890 : i32 to vector<16xi32>
        %gather3A_892 = tpu.vector_load_idx %arg4[%broadcast_in_dim3A_891, %add3A_10] : memref<200x96xf32, #tpu.memory_space<vmem>>[vector<16xi32>, vector<16xi32>], vector<16xf32>,
        %add3A_893 = arith.constant 7 : i32
        %add3A_894 = arith.addi %mul3A_659, %add3A_893 : i32
        %swap3A_895 = arith.index_cast %add3A_894 : i32 to index
        %swap3A_896 = arith.constant 0 : index
        %swap3A_897 = tpu.vector_load %arg6[%swap3A_895, %swap3A_896] {strides = array<i32>} : memref<200x66xf32, #tpu.memory_space<vmem>>, vector<16xf32>,
        tpu.vector_store %arg6[%swap3A_895, %swap3A_896], %gather3A_892 {strides = array<i32>} : memref<200x66xf32, #tpu.memory_space<vmem>>, vector<16xf32>,
        %gather3A_898 = tpu.vector_load_idx %arg4[%broadcast_in_dim3A_891, %add3A_22] : memref<200x96xf32, #tpu.memory_space<vmem>>[vector<16xi32>, vector<16xi32>], vector<16xf32>,
        %add3A_899 = arith.constant 7 : i32
        %add3A_900 = arith.addi %mul3A_659, %add3A_899 : i32
        %swap3A_901 = arith.index_cast %add3A_900 : i32 to index
        %swap3A_902 = arith.constant 16 : index
        %swap3A_903 = tpu.vector_load %arg6[%swap3A_901, %swap3A_902] {strides = array<i32>} : memref<200x66xf32, #tpu.memory_space<vmem>>, vector<16xf32>,
        tpu.vector_store %arg6[%swap3A_901, %swap3A_902], %gather3A_898 {strides = array<i32>} : memref<200x66xf32, #tpu.memory_space<vmem>>, vector<16xf32>,
        %gather3A_904 = tpu.vector_load_idx %arg4[%broadcast_in_dim3A_891, %add3A_43] : memref<200x96xf32, #tpu.memory_space<vmem>>[vector<16xi32>, vector<16xi32>], vector<16xf32>,
        %add3A_905 = arith.constant 7 : i32
        %add3A_906 = arith.addi %mul3A_659, %add3A_905 : i32
        %swap3A_907 = arith.index_cast %add3A_906 : i32 to index
        %swap3A_908 = arith.constant 32 : index
        %swap3A_909 = tpu.vector_load %arg6[%swap3A_907, %swap3A_908] {strides = array<i32>} : memref<200x66xf32, #tpu.memory_space<vmem>>, vector<16xf32>,
        tpu.vector_store %arg6[%swap3A_907, %swap3A_908], %gather3A_904 {strides = array<i32>} : memref<200x66xf32, #tpu.memory_space<vmem>>, vector<16xf32>,
        %gather3A_910 = tpu.vector_load_idx %arg4[%broadcast_in_dim3A_891, %add3A_64] : memref<200x96xf32, #tpu.memory_space<vmem>>[vector<16xi32>, vector<16xi32>], vector<16xf32>,
        %add3A_911 = arith.constant 7 : i32
        %add3A_912 = arith.addi %mul3A_659, %add3A_911 : i32
        %swap3A_913 = arith.index_cast %add3A_912 : i32 to index
        %swap3A_914 = arith.constant 48 : index
        %swap3A_915 = tpu.vector_load %arg6[%swap3A_913, %swap3A_914] {strides = array<i32>} : memref<200x66xf32, #tpu.memory_space<vmem>>, vector<16xf32>,
        tpu.vector_store %arg6[%swap3A_913, %swap3A_914], %gather3A_910 {strides = array<i32>} : memref<200x66xf32, #tpu.memory_space<vmem>>, vector<16xf32>,
        %gather3A_916 = tpu.vector_load_idx %arg4[%broadcast_in_dim3A_891, %add3A_85] : memref<200x96xf32, #tpu.memory_space<vmem>>[vector<16xi32>, vector<16xi32>], vector<16xf32>,
        %add3A_917 = arith.constant 7 : i32
        %add3A_918 = arith.addi %mul3A_659, %add3A_917 : i32
        %swap3A_919 = arith.index_cast %add3A_918 : i32 to index
        %swap3A_920 = arith.constant 50 : index
        %swap3A_921 = tpu.vector_load %arg6[%swap3A_919, %swap3A_920] {strides = array<i32>} : memref<200x66xf32, #tpu.memory_space<vmem>>, vector<16xf32>,
        tpu.vector_store %arg6[%swap3A_919, %swap3A_920], %gather3A_916 {strides = array<i32>} : memref<200x66xf32, #tpu.memory_space<vmem>>, vector<16xf32>,
        %add3A_922 = arith.constant 8 : i32
        %add3A_923 = arith.addi %mul3A_659, %add3A_922 : i32
        %broadcast_in_dim3A_924 = vector.broadcast %add3A_923 : i32 to vector<16xi32>
        %gather3A_925 = tpu.vector_load_idx %arg4[%broadcast_in_dim3A_924, %add3A_10] : memref<200x96xf32, #tpu.memory_space<vmem>>[vector<16xi32>, vector<16xi32>], vector<16xf32>,
        %add3A_926 = arith.constant 8 : i32
        %add3A_927 = arith.addi %mul3A_659, %add3A_926 : i32
        %swap3A_928 = arith.index_cast %add3A_927 : i32 to index
        %swap3A_929 = arith.constant 0 : index
        %swap3A_930 = tpu.vector_load %arg6[%swap3A_928, %swap3A_929] {strides = array<i32>} : memref<200x66xf32, #tpu.memory_space<vmem>>, vector<16xf32>,
        tpu.vector_store %arg6[%swap3A_928, %swap3A_929], %gather3A_925 {strides = array<i32>} : memref<200x66xf32, #tpu.memory_space<vmem>>, vector<16xf32>,
        %gather3A_931 = tpu.vector_load_idx %arg4[%broadcast_in_dim3A_924, %add3A_22] : memref<200x96xf32, #tpu.memory_space<vmem>>[vector<16xi32>, vector<16xi32>], vector<16xf32>,
        %add3A_932 = arith.constant 8 : i32
        %add3A_933 = arith.addi %mul3A_659, %add3A_932 : i32
        %swap3A_934 = arith.index_cast %add3A_933 : i32 to index
        %swap3A_935 = arith.constant 16 : index
        %swap3A_936 = tpu.vector_load %arg6[%swap3A_934, %swap3A_935] {strides = array<i32>} : memref<200x66xf32, #tpu.memory_space<vmem>>, vector<16xf32>,
        tpu.vector_store %arg6[%swap3A_934, %swap3A_935], %gather3A_931 {strides = array<i32>} : memref<200x66xf32, #tpu.memory_space<vmem>>, vector<16xf32>,
        %gather3A_937 = tpu.vector_load_idx %arg4[%broadcast_in_dim3A_924, %add3A_43] : memref<200x96xf32, #tpu.memory_space<vmem>>[vector<16xi32>, vector<16xi32>], vector<16xf32>,
        %add3A_938 = arith.constant 8 : i32
        %add3A_939 = arith.addi %mul3A_659, %add3A_938 : i32
        %swap3A_940 = arith.index_cast %add3A_939 : i32 to index
        %swap3A_941 = arith.constant 32 : index
        %swap3A_942 = tpu.vector_load %arg6[%swap3A_940, %swap3A_941] {strides = array<i32>} : memref<200x66xf32, #tpu.memory_space<vmem>>, vector<16xf32>,
        tpu.vector_store %arg6[%swap3A_940, %swap3A_941], %gather3A_937 {strides = array<i32>} : memref<200x66xf32, #tpu.memory_space<vmem>>, vector<16xf32>,
        %gather3A_943 = tpu.vector_load_idx %arg4[%broadcast_in_dim3A_924, %add3A_64] : memref<200x96xf32, #tpu.memory_space<vmem>>[vector<16xi32>, vector<16xi32>], vector<16xf32>,
        %add3A_944 = arith.constant 8 : i32
        %add3A_945 = arith.addi %mul3A_659, %add3A_944 : i32
        %swap3A_946 = arith.index_cast %add3A_945 : i32 to index
        %swap3A_947 = arith.constant 48 : index
        %swap3A_948 = tpu.vector_load %arg6[%swap3A_946, %swap3A_947] {strides = array<i32>} : memref<200x66xf32, #tpu.memory_space<vmem>>, vector<16xf32>,
        tpu.vector_store %arg6[%swap3A_946, %swap3A_947], %gather3A_943 {strides = array<i32>} : memref<200x66xf32, #tpu.memory_space<vmem>>, vector<16xf32>,
        %gather3A_949 = tpu.vector_load_idx %arg4[%broadcast_in_dim3A_924, %add3A_85] : memref<200x96xf32, #tpu.memory_space<vmem>>[vector<16xi32>, vector<16xi32>], vector<16xf32>,
        %add3A_950 = arith.constant 8 : i32
        %add3A_951 = arith.addi %mul3A_659, %add3A_950 : i32
        %swap3A_952 = arith.index_cast %add3A_951 : i32 to index
        %swap3A_953 = arith.constant 50 : index
        %swap3A_954 = tpu.vector_load %arg6[%swap3A_952, %swap3A_953] {strides = array<i32>} : memref<200x66xf32, #tpu.memory_space<vmem>>, vector<16xf32>,
        tpu.vector_store %arg6[%swap3A_952, %swap3A_953], %gather3A_949 {strides = array<i32>} : memref<200x66xf32, #tpu.memory_space<vmem>>, vector<16xf32>,
        %add3A_955 = arith.constant 9 : i32
        %add3A_956 = arith.addi %mul3A_659, %add3A_955 : i32
        %broadcast_in_dim3A_957 = vector.broadcast %add3A_956 : i32 to vector<16xi32>
        %gather3A_958 = tpu.vector_load_idx %arg4[%broadcast_in_dim3A_957, %add3A_10] : memref<200x96xf32, #tpu.memory_space<vmem>>[vector<16xi32>, vector<16xi32>], vector<16xf32>,
        %add3A_959 = arith.constant 9 : i32
        %add3A_960 = arith.addi %mul3A_659, %add3A_959 : i32
        %swap3A_961 = arith.index_cast %add3A_960 : i32 to index
        %swap3A_962 = arith.constant 0 : index
        %swap3A_963 = tpu.vector_load %arg6[%swap3A_961, %swap3A_962] {strides = array<i32>} : memref<200x66xf32, #tpu.memory_space<vmem>>, vector<16xf32>,
        tpu.vector_store %arg6[%swap3A_961, %swap3A_962], %gather3A_958 {strides = array<i32>} : memref<200x66xf32, #tpu.memory_space<vmem>>, vector<16xf32>,
        %gather3A_964 = tpu.vector_load_idx %arg4[%broadcast_in_dim3A_957, %add3A_22] : memref<200x96xf32, #tpu.memory_space<vmem>>[vector<16xi32>, vector<16xi32>], vector<16xf32>,
        %add3A_965 = arith.constant 9 : i32
        %add3A_966 = arith.addi %mul3A_659, %add3A_965 : i32
        %swap3A_967 = arith.index_cast %add3A_966 : i32 to index
        %swap3A_968 = arith.constant 16 : index
        %swap3A_969 = tpu.vector_load %arg6[%swap3A_967, %swap3A_968] {strides = array<i32>} : memref<200x66xf32, #tpu.memory_space<vmem>>, vector<16xf32>,
        tpu.vector_store %arg6[%swap3A_967, %swap3A_968], %gather3A_964 {strides = array<i32>} : memref<200x66xf32, #tpu.memory_space<vmem>>, vector<16xf32>,
        %gather3A_970 = tpu.vector_load_idx %arg4[%broadcast_in_dim3A_957, %add3A_43] : memref<200x96xf32, #tpu.memory_space<vmem>>[vector<16xi32>, vector<16xi32>], vector<16xf32>,
        %add3A_971 = arith.constant 9 : i32
        %add3A_972 = arith.addi %mul3A_659, %add3A_971 : i32
        %swap3A_973 = arith.index_cast %add3A_972 : i32 to index
        %swap3A_974 = arith.constant 32 : index
        %swap3A_975 = tpu.vector_load %arg6[%swap3A_973, %swap3A_974] {strides = array<i32>} : memref<200x66xf32, #tpu.memory_space<vmem>>, vector<16xf32>,
        tpu.vector_store %arg6[%swap3A_973, %swap3A_974], %gather3A_970 {strides = array<i32>} : memref<200x66xf32, #tpu.memory_space<vmem>>, vector<16xf32>,
        %gather3A_976 = tpu.vector_load_idx %arg4[%broadcast_in_dim3A_957, %add3A_64] : memref<200x96xf32, #tpu.memory_space<vmem>>[vector<16xi32>, vector<16xi32>], vector<16xf32>,
        %add3A_977 = arith.constant 9 : i32
        %add3A_978 = arith.addi %mul3A_659, %add3A_977 : i32
        %swap3A_979 = arith.index_cast %add3A_978 : i32 to index
        %swap3A_980 = arith.constant 48 : index
        %swap3A_981 = tpu.vector_load %arg6[%swap3A_979, %swap3A_980] {strides = array<i32>} : memref<200x66xf32, #tpu.memory_space<vmem>>, vector<16xf32>,
        tpu.vector_store %arg6[%swap3A_979, %swap3A_980], %gather3A_976 {strides = array<i32>} : memref<200x66xf32, #tpu.memory_space<vmem>>, vector<16xf32>,
        %gather3A_982 = tpu.vector_load_idx %arg4[%broadcast_in_dim3A_957, %add3A_85] : memref<200x96xf32, #tpu.memory_space<vmem>>[vector<16xi32>, vector<16xi32>], vector<16xf32>,
        %add3A_983 = arith.constant 9 : i32
        %add3A_984 = arith.addi %mul3A_659, %add3A_983 : i32
        %swap3A_985 = arith.index_cast %add3A_984 : i32 to index
        %swap3A_986 = arith.constant 50 : index
        %swap3A_987 = tpu.vector_load %arg6[%swap3A_985, %swap3A_986] {strides = array<i32>} : memref<200x66xf32, #tpu.memory_space<vmem>>, vector<16xf32>,
        tpu.vector_store %arg6[%swap3A_985, %swap3A_986], %gather3A_982 {strides = array<i32>} : memref<200x66xf32, #tpu.memory_space<vmem>>, vector<16xf32>,
      }
      %scan3A_434 = arith.constant 20 : i32
      %mul3A_435 = arith.constant 4 : i32
      %mul3A_436 = arith.muli %mul3A_289, %mul3A_435 : i32
      %add3A_437 = arith.addi %mul3A_2, %mul3A_436 : i32
      %add3A_438 = arith.constant 0 : i32
      %add3A_439 = arith.addi %add3A_437, %add3A_438 : i32
      %dma_start3A_440 = arith.constant 0 : i32
      %dma_start3A_441 = arith.constant 0 : i32
      %dma_start3A_442 = tpu.memref_slice %arg6[%dma_start3A_440, %dma_start3A_441] : memref<200x66xf32, #tpu.memory_space<vmem>> -> memref<50x66xf32, #tpu.memory_space<vmem>>
      %dma_start3A_443 = arith.constant 0 : i32
      %dma_start3A_444 = arith.constant 0 : i32
      %dma_start3A_445 = tpu.memref_slice %arg3[%add3A_439, %dma_start3A_443, %dma_start3A_444] : memref<4096x50x66xf32, #tpu.memory_space<hbm>> -> memref<1x50x66xf32, #tpu.memory_space<hbm>>
      %dma_start3A_446 = tpu.memref_squeeze %dma_start3A_445 : memref<1x50x66xf32, #tpu.memory_space<hbm>> -> memref<50x66xf32, #tpu.memory_space<hbm>>
      %dma_start3A_447 = arith.constant 0 : i32
      %dma_start3A_448 = arith.constant 0 : i32
      %dma_start3A_449 = tpu.memref_slice %arg3[%add3A_439, %dma_start3A_447, %dma_start3A_448] : memref<4096x50x66xf32, #tpu.memory_space<hbm>> -> memref<1x50x66xf32, #tpu.memory_space<hbm>>
      %dma_start3A_450 = tpu.memref_squeeze %dma_start3A_449 : memref<1x50x66xf32, #tpu.memory_space<hbm>> -> memref<50x66xf32, #tpu.memory_space<hbm>>
      %dma_start3A_451 = arith.constant 0 : i32
      %dma_start3A_452 = arith.constant 0 : i32
      %dma_start3A_453 = tpu.memref_slice %arg6[%dma_start3A_451, %dma_start3A_452] : memref<200x66xf32, #tpu.memory_space<vmem>> -> memref<50x66xf32, #tpu.memory_space<vmem>>
      tpu.enqueue_dma source(%dma_start3A_453 : memref<50x66xf32, #tpu.memory_space<vmem>>) target(%dma_start3A_450 : memref<50x66xf32, #tpu.memory_space<hbm>>) target_semaphore(%arg10 : memref<!tpu.dma_semaphore, #tpu.memory_space<semaphore_mem>>)
      %add3A_454 = arith.constant 1 : i32
      %add3A_455 = arith.addi %add3A_437, %add3A_454 : i32
      %dma_start3A_456 = arith.constant 50 : i32
      %dma_start3A_457 = arith.constant 0 : i32
      %dma_start3A_458 = tpu.memref_slice %arg6[%dma_start3A_456, %dma_start3A_457] : memref<200x66xf32, #tpu.memory_space<vmem>> -> memref<50x66xf32, #tpu.memory_space<vmem>>
      %dma_start3A_459 = arith.constant 0 : i32
      %dma_start3A_460 = arith.constant 0 : i32
      %dma_start3A_461 = tpu.memref_slice %arg3[%add3A_455, %dma_start3A_459, %dma_start3A_460] : memref<4096x50x66xf32, #tpu.memory_space<hbm>> -> memref<1x50x66xf32, #tpu.memory_space<hbm>>
      %dma_start3A_462 = tpu.memref_squeeze %dma_start3A_461 : memref<1x50x66xf32, #tpu.memory_space<hbm>> -> memref<50x66xf32, #tpu.memory_space<hbm>>
      %dma_start3A_463 = arith.constant 0 : i32
      %dma_start3A_464 = arith.constant 0 : i32
      %dma_start3A_465 = tpu.memref_slice %arg3[%add3A_455, %dma_start3A_463, %dma_start3A_464] : memref<4096x50x66xf32, #tpu.memory_space<hbm>> -> memref<1x50x66xf32, #tpu.memory_space<hbm>>
      %dma_start3A_466 = tpu.memref_squeeze %dma_start3A_465 : memref<1x50x66xf32, #tpu.memory_space<hbm>> -> memref<50x66xf32, #tpu.memory_space<hbm>>
      %dma_start3A_467 = arith.constant 50 : i32
      %dma_start3A_468 = arith.constant 0 : i32
      %dma_start3A_469 = tpu.memref_slice %arg6[%dma_start3A_467, %dma_start3A_468] : memref<200x66xf32, #tpu.memory_space<vmem>> -> memref<50x66xf32, #tpu.memory_space<vmem>>
      tpu.enqueue_dma source(%dma_start3A_469 : memref<50x66xf32, #tpu.memory_space<vmem>>) target(%dma_start3A_466 : memref<50x66xf32, #tpu.memory_space<hbm>>) target_semaphore(%arg10 : memref<!tpu.dma_semaphore, #tpu.memory_space<semaphore_mem>>)
      %add3A_470 = arith.constant 2 : i32
      %add3A_471 = arith.addi %add3A_437, %add3A_470 : i32
      %dma_start3A_472 = arith.constant 100 : i32
      %dma_start3A_473 = arith.constant 0 : i32
      %dma_start3A_474 = tpu.memref_slice %arg6[%dma_start3A_472, %dma_start3A_473] : memref<200x66xf32, #tpu.memory_space<vmem>> -> memref<50x66xf32, #tpu.memory_space<vmem>>
      %dma_start3A_475 = arith.constant 0 : i32
      %dma_start3A_476 = arith.constant 0 : i32
      %dma_start3A_477 = tpu.memref_slice %arg3[%add3A_471, %dma_start3A_475, %dma_start3A_476] : memref<4096x50x66xf32, #tpu.memory_space<hbm>> -> memref<1x50x66xf32, #tpu.memory_space<hbm>>
      %dma_start3A_478 = tpu.memref_squeeze %dma_start3A_477 : memref<1x50x66xf32, #tpu.memory_space<hbm>> -> memref<50x66xf32, #tpu.memory_space<hbm>>
      %dma_start3A_479 = arith.constant 0 : i32
      %dma_start3A_480 = arith.constant 0 : i32
      %dma_start3A_481 = tpu.memref_slice %arg3[%add3A_471, %dma_start3A_479, %dma_start3A_480] : memref<4096x50x66xf32, #tpu.memory_space<hbm>> -> memref<1x50x66xf32, #tpu.memory_space<hbm>>
      %dma_start3A_482 = tpu.memref_squeeze %dma_start3A_481 : memref<1x50x66xf32, #tpu.memory_space<hbm>> -> memref<50x66xf32, #tpu.memory_space<hbm>>
      %dma_start3A_483 = arith.constant 100 : i32
      %dma_start3A_484 = arith.constant 0 : i32
      %dma_start3A_485 = tpu.memref_slice %arg6[%dma_start3A_483, %dma_start3A_484] : memref<200x66xf32, #tpu.memory_space<vmem>> -> memref<50x66xf32, #tpu.memory_space<vmem>>
      tpu.enqueue_dma source(%dma_start3A_485 : memref<50x66xf32, #tpu.memory_space<vmem>>) target(%dma_start3A_482 : memref<50x66xf32, #tpu.memory_space<hbm>>) target_semaphore(%arg10 : memref<!tpu.dma_semaphore, #tpu.memory_space<semaphore_mem>>)
      %add3A_486 = arith.constant 3 : i32
      %add3A_487 = arith.addi %add3A_437, %add3A_486 : i32
      %dma_start3A_488 = arith.constant 150 : i32
      %dma_start3A_489 = arith.constant 0 : i32
      %dma_start3A_490 = tpu.memref_slice %arg6[%dma_start3A_488, %dma_start3A_489] : memref<200x66xf32, #tpu.memory_space<vmem>> -> memref<50x66xf32, #tpu.memory_space<vmem>>
      %dma_start3A_491 = arith.constant 0 : i32
      %dma_start3A_492 = arith.constant 0 : i32
      %dma_start3A_493 = tpu.memref_slice %arg3[%add3A_487, %dma_start3A_491, %dma_start3A_492] : memref<4096x50x66xf32, #tpu.memory_space<hbm>> -> memref<1x50x66xf32, #tpu.memory_space<hbm>>
      %dma_start3A_494 = tpu.memref_squeeze %dma_start3A_493 : memref<1x50x66xf32, #tpu.memory_space<hbm>> -> memref<50x66xf32, #tpu.memory_space<hbm>>
      %dma_start3A_495 = arith.constant 0 : i32
      %dma_start3A_496 = arith.constant 0 : i32
      %dma_start3A_497 = tpu.memref_slice %arg3[%add3A_487, %dma_start3A_495, %dma_start3A_496] : memref<4096x50x66xf32, #tpu.memory_space<hbm>> -> memref<1x50x66xf32, #tpu.memory_space<hbm>>
      %dma_start3A_498 = tpu.memref_squeeze %dma_start3A_497 : memref<1x50x66xf32, #tpu.memory_space<hbm>> -> memref<50x66xf32, #tpu.memory_space<hbm>>
      %dma_start3A_499 = arith.constant 150 : i32
      %dma_start3A_500 = arith.constant 0 : i32
      %dma_start3A_501 = tpu.memref_slice %arg6[%dma_start3A_499, %dma_start3A_500] : memref<200x66xf32, #tpu.memory_space<vmem>> -> memref<50x66xf32, #tpu.memory_space<vmem>>
      tpu.enqueue_dma source(%dma_start3A_501 : memref<50x66xf32, #tpu.memory_space<vmem>>) target(%dma_start3A_498 : memref<50x66xf32, #tpu.memory_space<hbm>>) target_semaphore(%arg10 : memref<!tpu.dma_semaphore, #tpu.memory_space<semaphore_mem>>)
      %add3A_502 = arith.constant 1 : i32
      %add3A_503 = arith.addi %scan3A_287, %add3A_502 : i32
      %lt3A = arith.constant 16 : i32
      %lt3A_504 = arith.cmpi slt, %add3A_503, %lt3A : i32
      %convert_element_type3A_505 = arith.extui %lt3A_504 : i1 to i32
      %cond3A_506 = arith.constant 0 : i32
      %cond3A_507 = arith.cmpi ne, %convert_element_type3A_505, %cond3A_506 : i32
      scf.if %cond3A_507 {
        %add3A_657 = arith.constant 2 : i32
        %add3A_658 = arith.addi %mul3A_289, %add3A_657 : i32
        %mul3A_659 = arith.constant 4 : i32
        %mul3A_660 = arith.muli %add3A_658, %mul3A_659 : i32
        %add3A_661 = arith.addi %mul3A_2, %mul3A_660 : i32
        %add3A_662 = arith.constant 0 : i32
        %add3A_663 = arith.addi %add3A_661, %add3A_662 : i32
        %dma_start3A_664 = arith.constant 0 : i32
        %dma_start3A_665 = arith.constant 0 : i32
        %dma_start3A_666 = tpu.memref_slice %arg4[%dma_start3A_664, %dma_start3A_665] : memref<200x96xf32, #tpu.memory_space<vmem>> -> memref<50x96xf32, #tpu.memory_space<vmem>>
        %dma_start3A_667 = arith.constant 0 : i32
        %dma_start3A_668 = arith.constant 0 : i32
        %dma_start3A_669 = tpu.memref_slice %arg2[%add3A_663, %dma_start3A_667, %dma_start3A_668] : memref<4096x50x96xf32, #tpu.memory_space<hbm>> -> memref<1x50x96xf32, #tpu.memory_space<hbm>>
        %dma_start3A_670 = tpu.memref_squeeze %dma_start3A_669 : memref<1x50x96xf32, #tpu.memory_space<hbm>> -> memref<50x96xf32, #tpu.memory_space<hbm>>
        %dma_start3A_671 = arith.constant 0 : i32
        %dma_start3A_672 = arith.constant 0 : i32
        %dma_start3A_673 = tpu.memref_slice %arg4[%dma_start3A_671, %dma_start3A_672] : memref<200x96xf32, #tpu.memory_space<vmem>> -> memref<50x96xf32, #tpu.memory_space<vmem>>
        %dma_start3A_674 = arith.constant 0 : i32
        %dma_start3A_675 = arith.constant 0 : i32
        %dma_start3A_676 = tpu.memref_slice %arg2[%add3A_663, %dma_start3A_674, %dma_start3A_675] : memref<4096x50x96xf32, #tpu.memory_space<hbm>> -> memref<1x50x96xf32, #tpu.memory_space<hbm>>
        %dma_start3A_677 = tpu.memref_squeeze %dma_start3A_676 : memref<1x50x96xf32, #tpu.memory_space<hbm>> -> memref<50x96xf32, #tpu.memory_space<hbm>>
        tpu.enqueue_dma source(%dma_start3A_677 : memref<50x96xf32, #tpu.memory_space<hbm>>) target(%dma_start3A_673 : memref<50x96xf32, #tpu.memory_space<vmem>>) target_semaphore(%arg8 : memref<!tpu.dma_semaphore, #tpu.memory_space<semaphore_mem>>)
        %add3A_678 = arith.constant 1 : i32
        %add3A_679 = arith.addi %add3A_661, %add3A_678 : i32
        %dma_start3A_680 = arith.constant 50 : i32
        %dma_start3A_681 = arith.constant 0 : i32
        %dma_start3A_682 = tpu.memref_slice %arg4[%dma_start3A_680, %dma_start3A_681] : memref<200x96xf32, #tpu.memory_space<vmem>> -> memref<50x96xf32, #tpu.memory_space<vmem>>
        %dma_start3A_683 = arith.constant 0 : i32
        %dma_start3A_684 = arith.constant 0 : i32
        %dma_start3A_685 = tpu.memref_slice %arg2[%add3A_679, %dma_start3A_683, %dma_start3A_684] : memref<4096x50x96xf32, #tpu.memory_space<hbm>> -> memref<1x50x96xf32, #tpu.memory_space<hbm>>
        %dma_start3A_686 = tpu.memref_squeeze %dma_start3A_685 : memref<1x50x96xf32, #tpu.memory_space<hbm>> -> memref<50x96xf32, #tpu.memory_space<hbm>>
        %dma_start3A_687 = arith.constant 50 : i32
        %dma_start3A_688 = arith.constant 0 : i32
        %dma_start3A_689 = tpu.memref_slice %arg4[%dma_start3A_687, %dma_start3A_688] : memref<200x96xf32, #tpu.memory_space<vmem>> -> memref<50x96xf32, #tpu.memory_space<vmem>>
        %dma_start3A_690 = arith.constant 0 : i32
        %dma_start3A_691 = arith.constant 0 : i32
        %dma_start3A_692 = tpu.memref_slice %arg2[%add3A_679, %dma_start3A_690, %dma_start3A_691] : memref<4096x50x96xf32, #tpu.memory_space<hbm>> -> memref<1x50x96xf32, #tpu.memory_space<hbm>>
        %dma_start3A_693 = tpu.memref_squeeze %dma_start3A_692 : memref<1x50x96xf32, #tpu.memory_space<hbm>> -> memref<50x96xf32, #tpu.memory_space<hbm>>
        tpu.enqueue_dma source(%dma_start3A_693 : memref<50x96xf32, #tpu.memory_space<hbm>>) target(%dma_start3A_689 : memref<50x96xf32, #tpu.memory_space<vmem>>) target_semaphore(%arg8 : memref<!tpu.dma_semaphore, #tpu.memory_space<semaphore_mem>>)
        %add3A_694 = arith.constant 2 : i32
        %add3A_695 = arith.addi %add3A_661, %add3A_694 : i32
        %dma_start3A_696 = arith.constant 100 : i32
        %dma_start3A_697 = arith.constant 0 : i32
        %dma_start3A_698 = tpu.memref_slice %arg4[%dma_start3A_696, %dma_start3A_697] : memref<200x96xf32, #tpu.memory_space<vmem>> -> memref<50x96xf32, #tpu.memory_space<vmem>>
        %dma_start3A_699 = arith.constant 0 : i32
        %dma_start3A_700 = arith.constant 0 : i32
        %dma_start3A_701 = tpu.memref_slice %arg2[%add3A_695, %dma_start3A_699, %dma_start3A_700] : memref<4096x50x96xf32, #tpu.memory_space<hbm>> -> memref<1x50x96xf32, #tpu.memory_space<hbm>>
        %dma_start3A_702 = tpu.memref_squeeze %dma_start3A_701 : memref<1x50x96xf32, #tpu.memory_space<hbm>> -> memref<50x96xf32, #tpu.memory_space<hbm>>
        %dma_start3A_703 = arith.constant 100 : i32
        %dma_start3A_704 = arith.constant 0 : i32
        %dma_start3A_705 = tpu.memref_slice %arg4[%dma_start3A_703, %dma_start3A_704] : memref<200x96xf32, #tpu.memory_space<vmem>> -> memref<50x96xf32, #tpu.memory_space<vmem>>
        %dma_start3A_706 = arith.constant 0 : i32
        %dma_start3A_707 = arith.constant 0 : i32
        %dma_start3A_708 = tpu.memref_slice %arg2[%add3A_695, %dma_start3A_706, %dma_start3A_707] : memref<4096x50x96xf32, #tpu.memory_space<hbm>> -> memref<1x50x96xf32, #tpu.memory_space<hbm>>
        %dma_start3A_709 = tpu.memref_squeeze %dma_start3A_708 : memref<1x50x96xf32, #tpu.memory_space<hbm>> -> memref<50x96xf32, #tpu.memory_space<hbm>>
        tpu.enqueue_dma source(%dma_start3A_709 : memref<50x96xf32, #tpu.memory_space<hbm>>) target(%dma_start3A_705 : memref<50x96xf32, #tpu.memory_space<vmem>>) target_semaphore(%arg8 : memref<!tpu.dma_semaphore, #tpu.memory_space<semaphore_mem>>)
        %add3A_710 = arith.constant 3 : i32
        %add3A_711 = arith.addi %add3A_661, %add3A_710 : i32
        %dma_start3A_712 = arith.constant 150 : i32
        %dma_start3A_713 = arith.constant 0 : i32
        %dma_start3A_714 = tpu.memref_slice %arg4[%dma_start3A_712, %dma_start3A_713] : memref<200x96xf32, #tpu.memory_space<vmem>> -> memref<50x96xf32, #tpu.memory_space<vmem>>
        %dma_start3A_715 = arith.constant 0 : i32
        %dma_start3A_716 = arith.constant 0 : i32
        %dma_start3A_717 = tpu.memref_slice %arg2[%add3A_711, %dma_start3A_715, %dma_start3A_716] : memref<4096x50x96xf32, #tpu.memory_space<hbm>> -> memref<1x50x96xf32, #tpu.memory_space<hbm>>
        %dma_start3A_718 = tpu.memref_squeeze %dma_start3A_717 : memref<1x50x96xf32, #tpu.memory_space<hbm>> -> memref<50x96xf32, #tpu.memory_space<hbm>>
        %dma_start3A_719 = arith.constant 150 : i32
        %dma_start3A_720 = arith.constant 0 : i32
        %dma_start3A_721 = tpu.memref_slice %arg4[%dma_start3A_719, %dma_start3A_720] : memref<200x96xf32, #tpu.memory_space<vmem>> -> memref<50x96xf32, #tpu.memory_space<vmem>>
        %dma_start3A_722 = arith.constant 0 : i32
        %dma_start3A_723 = arith.constant 0 : i32
        %dma_start3A_724 = tpu.memref_slice %arg2[%add3A_711, %dma_start3A_722, %dma_start3A_723] : memref<4096x50x96xf32, #tpu.memory_space<hbm>> -> memref<1x50x96xf32, #tpu.memory_space<hbm>>
        %dma_start3A_725 = tpu.memref_squeeze %dma_start3A_724 : memref<1x50x96xf32, #tpu.memory_space<hbm>> -> memref<50x96xf32, #tpu.memory_space<hbm>>
        tpu.enqueue_dma source(%dma_start3A_725 : memref<50x96xf32, #tpu.memory_space<hbm>>) target(%dma_start3A_721 : memref<50x96xf32, #tpu.memory_space<vmem>>) target_semaphore(%arg8 : memref<!tpu.dma_semaphore, #tpu.memory_space<semaphore_mem>>)
      } else {
      }
      %add3A_508 = arith.constant 1 : i32
      %add3A_509 = arith.addi %mul3A_289, %add3A_508 : i32
      %mul3A_510 = arith.constant 4 : i32
      %mul3A_511 = arith.muli %add3A_509, %mul3A_510 : i32
      %add3A_512 = arith.addi %mul3A_2, %mul3A_511 : i32
      %add3A_513 = arith.constant 0 : i32
      %add3A_514 = arith.addi %add3A_512, %add3A_513 : i32
      %dma_wait3A_515 = arith.constant 0 : i32
      %dma_wait3A_516 = arith.constant 0 : i32
      %dma_wait3A_517 = tpu.memref_slice %arg5[%dma_wait3A_515, %dma_wait3A_516] : memref<200x96xf32, #tpu.memory_space<vmem>> -> memref<50x96xf32, #tpu.memory_space<vmem>>
      %dma_wait3A_518 = arith.constant 0 : i32
      %dma_wait3A_519 = arith.constant 0 : i32
      %dma_wait3A_520 = tpu.memref_slice %arg2[%add3A_514, %dma_wait3A_518, %dma_wait3A_519] : memref<4096x50x96xf32, #tpu.memory_space<hbm>> -> memref<1x50x96xf32, #tpu.memory_space<hbm>>
      %dma_wait3A_521 = tpu.memref_squeeze %dma_wait3A_520 : memref<1x50x96xf32, #tpu.memory_space<hbm>> -> memref<50x96xf32, #tpu.memory_space<hbm>>
      %dma_wait3A_522 = arith.constant 0 : i32
      %dma_wait3A_523 = arith.constant 0 : i32
      %dma_wait3A_524 = tpu.memref_slice %arg5[%dma_wait3A_522, %dma_wait3A_523] : memref<200x96xf32, #tpu.memory_space<vmem>> -> memref<50x96xf32, #tpu.memory_space<vmem>>
      %dma_wait3A_525 = arith.constant 0 : i32
      %dma_wait3A_526 = arith.constant 0 : i32
      %dma_wait3A_527 = tpu.memref_slice %arg2[%add3A_514, %dma_wait3A_525, %dma_wait3A_526] : memref<4096x50x96xf32, #tpu.memory_space<hbm>> -> memref<1x50x96xf32, #tpu.memory_space<hbm>>
      %dma_wait3A_528 = tpu.memref_squeeze %dma_wait3A_527 : memref<1x50x96xf32, #tpu.memory_space<hbm>> -> memref<50x96xf32, #tpu.memory_space<hbm>>
      tpu.wait_dma2 semaphore(%arg9 : memref<!tpu.dma_semaphore, #tpu.memory_space<semaphore_mem>>) src(%dma_wait3A_528 : memref<50x96xf32, #tpu.memory_space<hbm>>) dst(%dma_wait3A_524 : memref<50x96xf32, #tpu.memory_space<vmem>>)
      %add3A_529 = arith.constant 1 : i32
      %add3A_530 = arith.addi %add3A_512, %add3A_529 : i32
      %dma_wait3A_531 = arith.constant 50 : i32
      %dma_wait3A_532 = arith.constant 0 : i32
      %dma_wait3A_533 = tpu.memref_slice %arg5[%dma_wait3A_531, %dma_wait3A_532] : memref<200x96xf32, #tpu.memory_space<vmem>> -> memref<50x96xf32, #tpu.memory_space<vmem>>
      %dma_wait3A_534 = arith.constant 0 : i32
      %dma_wait3A_535 = arith.constant 0 : i32
      %dma_wait3A_536 = tpu.memref_slice %arg2[%add3A_530, %dma_wait3A_534, %dma_wait3A_535] : memref<4096x50x96xf32, #tpu.memory_space<hbm>> -> memref<1x50x96xf32, #tpu.memory_space<hbm>>
      %dma_wait3A_537 = tpu.memref_squeeze %dma_wait3A_536 : memref<1x50x96xf32, #tpu.memory_space<hbm>> -> memref<50x96xf32, #tpu.memory_space<hbm>>
      %dma_wait3A_538 = arith.constant 50 : i32
      %dma_wait3A_539 = arith.constant 0 : i32
      %dma_wait3A_540 = tpu.memref_slice %arg5[%dma_wait3A_538, %dma_wait3A_539] : memref<200x96xf32, #tpu.memory_space<vmem>> -> memref<50x96xf32, #tpu.memory_space<vmem>>
      %dma_wait3A_541 = arith.constant 0 : i32
      %dma_wait3A_542 = arith.constant 0 : i32
      %dma_wait3A_543 = tpu.memref_slice %arg2[%add3A_530, %dma_wait3A_541, %dma_wait3A_542] : memref<4096x50x96xf32, #tpu.memory_space<hbm>> -> memref<1x50x96xf32, #tpu.memory_space<hbm>>
      %dma_wait3A_544 = tpu.memref_squeeze %dma_wait3A_543 : memref<1x50x96xf32, #tpu.memory_space<hbm>> -> memref<50x96xf32, #tpu.memory_space<hbm>>
      tpu.wait_dma2 semaphore(%arg9 : memref<!tpu.dma_semaphore, #tpu.memory_space<semaphore_mem>>) src(%dma_wait3A_544 : memref<50x96xf32, #tpu.memory_space<hbm>>) dst(%dma_wait3A_540 : memref<50x96xf32, #tpu.memory_space<vmem>>)
      %add3A_545 = arith.constant 2 : i32
      %add3A_546 = arith.addi %add3A_512, %add3A_545 : i32
      %dma_wait3A_547 = arith.constant 100 : i32
      %dma_wait3A_548 = arith.constant 0 : i32
      %dma_wait3A_549 = tpu.memref_slice %arg5[%dma_wait3A_547, %dma_wait3A_548] : memref<200x96xf32, #tpu.memory_space<vmem>> -> memref<50x96xf32, #tpu.memory_space<vmem>>
      %dma_wait3A_550 = arith.constant 0 : i32
      %dma_wait3A_551 = arith.constant 0 : i32
      %dma_wait3A_552 = tpu.memref_slice %arg2[%add3A_546, %dma_wait3A_550, %dma_wait3A_551] : memref<4096x50x96xf32, #tpu.memory_space<hbm>> -> memref<1x50x96xf32, #tpu.memory_space<hbm>>
      %dma_wait3A_553 = tpu.memref_squeeze %dma_wait3A_552 : memref<1x50x96xf32, #tpu.memory_space<hbm>> -> memref<50x96xf32, #tpu.memory_space<hbm>>
      %dma_wait3A_554 = arith.constant 100 : i32
      %dma_wait3A_555 = arith.constant 0 : i32
      %dma_wait3A_556 = tpu.memref_slice %arg5[%dma_wait3A_554, %dma_wait3A_555] : memref<200x96xf32, #tpu.memory_space<vmem>> -> memref<50x96xf32, #tpu.memory_space<vmem>>
      %dma_wait3A_557 = arith.constant 0 : i32
      %dma_wait3A_558 = arith.constant 0 : i32
      %dma_wait3A_559 = tpu.memref_slice %arg2[%add3A_546, %dma_wait3A_557, %dma_wait3A_558] : memref<4096x50x96xf32, #tpu.memory_space<hbm>> -> memref<1x50x96xf32, #tpu.memory_space<hbm>>
      %dma_wait3A_560 = tpu.memref_squeeze %dma_wait3A_559 : memref<1x50x96xf32, #tpu.memory_space<hbm>> -> memref<50x96xf32, #tpu.memory_space<hbm>>
      tpu.wait_dma2 semaphore(%arg9 : memref<!tpu.dma_semaphore, #tpu.memory_space<semaphore_mem>>) src(%dma_wait3A_560 : memref<50x96xf32, #tpu.memory_space<hbm>>) dst(%dma_wait3A_556 : memref<50x96xf32, #tpu.memory_space<vmem>>)
      %add3A_561 = arith.constant 3 : i32
      %add3A_562 = arith.addi %add3A_512, %add3A_561 : i32
      %dma_wait3A_563 = arith.constant 150 : i32
      %dma_wait3A_564 = arith.constant 0 : i32
      %dma_wait3A_565 = tpu.memref_slice %arg5[%dma_wait3A_563, %dma_wait3A_564] : memref<200x96xf32, #tpu.memory_space<vmem>> -> memref<50x96xf32, #tpu.memory_space<vmem>>
      %dma_wait3A_566 = arith.constant 0 : i32
      %dma_wait3A_567 = arith.constant 0 : i32
      %dma_wait3A_568 = tpu.memref_slice %arg2[%add3A_562, %dma_wait3A_566, %dma_wait3A_567] : memref<4096x50x96xf32, #tpu.memory_space<hbm>> -> memref<1x50x96xf32, #tpu.memory_space<hbm>>
      %dma_wait3A_569 = tpu.memref_squeeze %dma_wait3A_568 : memref<1x50x96xf32, #tpu.memory_space<hbm>> -> memref<50x96xf32, #tpu.memory_space<hbm>>
      %dma_wait3A_570 = arith.constant 150 : i32
      %dma_wait3A_571 = arith.constant 0 : i32
      %dma_wait3A_572 = tpu.memref_slice %arg5[%dma_wait3A_570, %dma_wait3A_571] : memref<200x96xf32, #tpu.memory_space<vmem>> -> memref<50x96xf32, #tpu.memory_space<vmem>>
      %dma_wait3A_573 = arith.constant 0 : i32
      %dma_wait3A_574 = arith.constant 0 : i32
      %dma_wait3A_575 = tpu.memref_slice %arg2[%add3A_562, %dma_wait3A_573, %dma_wait3A_574] : memref<4096x50x96xf32, #tpu.memory_space<hbm>> -> memref<1x50x96xf32, #tpu.memory_space<hbm>>
      %dma_wait3A_576 = tpu.memref_squeeze %dma_wait3A_575 : memref<1x50x96xf32, #tpu.memory_space<hbm>> -> memref<50x96xf32, #tpu.memory_space<hbm>>
      tpu.wait_dma2 semaphore(%arg9 : memref<!tpu.dma_semaphore, #tpu.memory_space<semaphore_mem>>) src(%dma_wait3A_576 : memref<50x96xf32, #tpu.memory_space<hbm>>) dst(%dma_wait3A_572 : memref<50x96xf32, #tpu.memory_space<vmem>>)
      %ge3A_577 = arith.constant 1 : i32
      %ge3A_578 = arith.cmpi sge, %scan3A_287, %ge3A_577 : i32
      %convert_element_type3A_579 = arith.extui %ge3A_578 : i1 to i32
      %cond3A_580 = arith.constant 0 : i32
      %cond3A_581 = arith.cmpi ne, %convert_element_type3A_579, %cond3A_580 : i32
      scf.if %cond3A_581 {
        %sub3A = arith.constant 1 : i32
        %sub3A_657 = arith.subi %mul3A_289, %sub3A : i32
        %mul3A_658 = arith.constant 4 : i32
        %mul3A_659 = arith.muli %sub3A_657, %mul3A_658 : i32
        %add3A_660 = arith.addi %mul3A_2, %mul3A_659 : i32
        %add3A_661 = arith.constant 0 : i32
        %add3A_662 = arith.addi %add3A_660, %add3A_661 : i32
        %dma_wait3A_663 = arith.constant 0 : i32
        %dma_wait3A_664 = arith.constant 0 : i32
        %dma_wait3A_665 = tpu.memref_slice %arg7[%dma_wait3A_663, %dma_wait3A_664] : memref<200x66xf32, #tpu.memory_space<vmem>> -> memref<50x66xf32, #tpu.memory_space<vmem>>
        %dma_wait3A_666 = arith.constant 0 : i32
        %dma_wait3A_667 = arith.constant 0 : i32
        %dma_wait3A_668 = tpu.memref_slice %arg3[%add3A_662, %dma_wait3A_666, %dma_wait3A_667] : memref<4096x50x66xf32, #tpu.memory_space<hbm>> -> memref<1x50x66xf32, #tpu.memory_space<hbm>>
        %dma_wait3A_669 = tpu.memref_squeeze %dma_wait3A_668 : memref<1x50x66xf32, #tpu.memory_space<hbm>> -> memref<50x66xf32, #tpu.memory_space<hbm>>
        %dma_wait3A_670 = arith.constant 0 : i32
        %dma_wait3A_671 = arith.constant 0 : i32
        %dma_wait3A_672 = tpu.memref_slice %arg3[%add3A_662, %dma_wait3A_670, %dma_wait3A_671] : memref<4096x50x66xf32, #tpu.memory_space<hbm>> -> memref<1x50x66xf32, #tpu.memory_space<hbm>>
        %dma_wait3A_673 = tpu.memref_squeeze %dma_wait3A_672 : memref<1x50x66xf32, #tpu.memory_space<hbm>> -> memref<50x66xf32, #tpu.memory_space<hbm>>
        %dma_wait3A_674 = arith.constant 0 : i32
        %dma_wait3A_675 = arith.constant 0 : i32
        %dma_wait3A_676 = tpu.memref_slice %arg7[%dma_wait3A_674, %dma_wait3A_675] : memref<200x66xf32, #tpu.memory_space<vmem>> -> memref<50x66xf32, #tpu.memory_space<vmem>>
        tpu.wait_dma2 semaphore(%arg11 : memref<!tpu.dma_semaphore, #tpu.memory_space<semaphore_mem>>) src(%dma_wait3A_676 : memref<50x66xf32, #tpu.memory_space<vmem>>) dst(%dma_wait3A_673 : memref<50x66xf32, #tpu.memory_space<hbm>>)
        %add3A_677 = arith.constant 1 : i32
        %add3A_678 = arith.addi %add3A_660, %add3A_677 : i32
        %dma_wait3A_679 = arith.constant 50 : i32
        %dma_wait3A_680 = arith.constant 0 : i32
        %dma_wait3A_681 = tpu.memref_slice %arg7[%dma_wait3A_679, %dma_wait3A_680] : memref<200x66xf32, #tpu.memory_space<vmem>> -> memref<50x66xf32, #tpu.memory_space<vmem>>
        %dma_wait3A_682 = arith.constant 0 : i32
        %dma_wait3A_683 = arith.constant 0 : i32
        %dma_wait3A_684 = tpu.memref_slice %arg3[%add3A_678, %dma_wait3A_682, %dma_wait3A_683] : memref<4096x50x66xf32, #tpu.memory_space<hbm>> -> memref<1x50x66xf32, #tpu.memory_space<hbm>>
        %dma_wait3A_685 = tpu.memref_squeeze %dma_wait3A_684 : memref<1x50x66xf32, #tpu.memory_space<hbm>> -> memref<50x66xf32, #tpu.memory_space<hbm>>
        %dma_wait3A_686 = arith.constant 0 : i32
        %dma_wait3A_687 = arith.constant 0 : i32
        %dma_wait3A_688 = tpu.memref_slice %arg3[%add3A_678, %dma_wait3A_686, %dma_wait3A_687] : memref<4096x50x66xf32, #tpu.memory_space<hbm>> -> memref<1x50x66xf32, #tpu.memory_space<hbm>>
        %dma_wait3A_689 = tpu.memref_squeeze %dma_wait3A_688 : memref<1x50x66xf32, #tpu.memory_space<hbm>> -> memref<50x66xf32, #tpu.memory_space<hbm>>
        %dma_wait3A_690 = arith.constant 50 : i32
        %dma_wait3A_691 = arith.constant 0 : i32
        %dma_wait3A_692 = tpu.memref_slice %arg7[%dma_wait3A_690, %dma_wait3A_691] : memref<200x66xf32, #tpu.memory_space<vmem>> -> memref<50x66xf32, #tpu.memory_space<vmem>>
        tpu.wait_dma2 semaphore(%arg11 : memref<!tpu.dma_semaphore, #tpu.memory_space<semaphore_mem>>) src(%dma_wait3A_692 : memref<50x66xf32, #tpu.memory_space<vmem>>) dst(%dma_wait3A_689 : memref<50x66xf32, #tpu.memory_space<hbm>>)
        %add3A_693 = arith.constant 2 : i32
        %add3A_694 = arith.addi %add3A_660, %add3A_693 : i32
        %dma_wait3A_695 = arith.constant 100 : i32
        %dma_wait3A_696 = arith.constant 0 : i32
        %dma_wait3A_697 = tpu.memref_slice %arg7[%dma_wait3A_695, %dma_wait3A_696] : memref<200x66xf32, #tpu.memory_space<vmem>> -> memref<50x66xf32, #tpu.memory_space<vmem>>
        %dma_wait3A_698 = arith.constant 0 : i32
        %dma_wait3A_699 = arith.constant 0 : i32
        %dma_wait3A_700 = tpu.memref_slice %arg3[%add3A_694, %dma_wait3A_698, %dma_wait3A_699] : memref<4096x50x66xf32, #tpu.memory_space<hbm>> -> memref<1x50x66xf32, #tpu.memory_space<hbm>>
        %dma_wait3A_701 = tpu.memref_squeeze %dma_wait3A_700 : memref<1x50x66xf32, #tpu.memory_space<hbm>> -> memref<50x66xf32, #tpu.memory_space<hbm>>
        %dma_wait3A_702 = arith.constant 0 : i32
        %dma_wait3A_703 = arith.constant 0 : i32
        %dma_wait3A_704 = tpu.memref_slice %arg3[%add3A_694, %dma_wait3A_702, %dma_wait3A_703] : memref<4096x50x66xf32, #tpu.memory_space<hbm>> -> memref<1x50x66xf32, #tpu.memory_space<hbm>>
        %dma_wait3A_705 = tpu.memref_squeeze %dma_wait3A_704 : memref<1x50x66xf32, #tpu.memory_space<hbm>> -> memref<50x66xf32, #tpu.memory_space<hbm>>
        %dma_wait3A_706 = arith.constant 100 : i32
        %dma_wait3A_707 = arith.constant 0 : i32
        %dma_wait3A_708 = tpu.memref_slice %arg7[%dma_wait3A_706, %dma_wait3A_707] : memref<200x66xf32, #tpu.memory_space<vmem>> -> memref<50x66xf32, #tpu.memory_space<vmem>>
        tpu.wait_dma2 semaphore(%arg11 : memref<!tpu.dma_semaphore, #tpu.memory_space<semaphore_mem>>) src(%dma_wait3A_708 : memref<50x66xf32, #tpu.memory_space<vmem>>) dst(%dma_wait3A_705 : memref<50x66xf32, #tpu.memory_space<hbm>>)
        %add3A_709 = arith.constant 3 : i32
        %add3A_710 = arith.addi %add3A_660, %add3A_709 : i32
        %dma_wait3A_711 = arith.constant 150 : i32
        %dma_wait3A_712 = arith.constant 0 : i32
        %dma_wait3A_713 = tpu.memref_slice %arg7[%dma_wait3A_711, %dma_wait3A_712] : memref<200x66xf32, #tpu.memory_space<vmem>> -> memref<50x66xf32, #tpu.memory_space<vmem>>
        %dma_wait3A_714 = arith.constant 0 : i32
        %dma_wait3A_715 = arith.constant 0 : i32
        %dma_wait3A_716 = tpu.memref_slice %arg3[%add3A_710, %dma_wait3A_714, %dma_wait3A_715] : memref<4096x50x66xf32, #tpu.memory_space<hbm>> -> memref<1x50x66xf32, #tpu.memory_space<hbm>>
        %dma_wait3A_717 = tpu.memref_squeeze %dma_wait3A_716 : memref<1x50x66xf32, #tpu.memory_space<hbm>> -> memref<50x66xf32, #tpu.memory_space<hbm>>
        %dma_wait3A_718 = arith.constant 0 : i32
        %dma_wait3A_719 = arith.constant 0 : i32
        %dma_wait3A_720 = tpu.memref_slice %arg3[%add3A_710, %dma_wait3A_718, %dma_wait3A_719] : memref<4096x50x66xf32, #tpu.memory_space<hbm>> -> memref<1x50x66xf32, #tpu.memory_space<hbm>>
        %dma_wait3A_721 = tpu.memref_squeeze %dma_wait3A_720 : memref<1x50x66xf32, #tpu.memory_space<hbm>> -> memref<50x66xf32, #tpu.memory_space<hbm>>
        %dma_wait3A_722 = arith.constant 150 : i32
        %dma_wait3A_723 = arith.constant 0 : i32
        %dma_wait3A_724 = tpu.memref_slice %arg7[%dma_wait3A_722, %dma_wait3A_723] : memref<200x66xf32, #tpu.memory_space<vmem>> -> memref<50x66xf32, #tpu.memory_space<vmem>>
        tpu.wait_dma2 semaphore(%arg11 : memref<!tpu.dma_semaphore, #tpu.memory_space<semaphore_mem>>) src(%dma_wait3A_724 : memref<50x66xf32, #tpu.memory_space<vmem>>) dst(%dma_wait3A_721 : memref<50x66xf32, #tpu.memory_space<hbm>>)
      } else {
      }
      %scan3A_582 = arith.constant 0 : i32
      %scan3A_583 = arith.constant 0 : i32
      %scan3A_584 = arith.constant 20 : i32
      %scan3A_585 = arith.addi %scan3A_583, %scan3A_584 : i32
      %scan3A_586 = arith.constant 1 : i32
      scf.for %scan3A_657 = %scan3A_583 to %scan3A_585 step %scan3A_586  : i32 {
        %mul3A_658 = arith.constant 10 : i32
        %mul3A_659 = arith.muli %scan3A_657, %mul3A_658 : i32
        %add3A_660 = arith.constant 0 : i32
        %add3A_661 = arith.addi %mul3A_659, %add3A_660 : i32
        %broadcast_in_dim3A_662 = vector.broadcast %add3A_661 : i32 to vector<16xi32>
        %gather3A = tpu.vector_load_idx %arg5[%broadcast_in_dim3A_662, %add3A_10] : memref<200x96xf32, #tpu.memory_space<vmem>>[vector<16xi32>, vector<16xi32>], vector<16xf32>,
        %add3A_663 = arith.constant 0 : i32
        %add3A_664 = arith.addi %mul3A_659, %add3A_663 : i32
        %swap3A = arith.index_cast %add3A_664 : i32 to index
        %swap3A_665 = arith.constant 0 : index
        %swap3A_666 = tpu.vector_load %arg7[%swap3A, %swap3A_665] {strides = array<i32>} : memref<200x66xf32, #tpu.memory_space<vmem>>, vector<16xf32>,
        tpu.vector_store %arg7[%swap3A, %swap3A_665], %gather3A {strides = array<i32>} : memref<200x66xf32, #tpu.memory_space<vmem>>, vector<16xf32>,
        %gather3A_667 = tpu.vector_load_idx %arg5[%broadcast_in_dim3A_662, %add3A_22] : memref<200x96xf32, #tpu.memory_space<vmem>>[vector<16xi32>, vector<16xi32>], vector<16xf32>,
        %add3A_668 = arith.constant 0 : i32
        %add3A_669 = arith.addi %mul3A_659, %add3A_668 : i32
        %swap3A_670 = arith.index_cast %add3A_669 : i32 to index
        %swap3A_671 = arith.constant 16 : index
        %swap3A_672 = tpu.vector_load %arg7[%swap3A_670, %swap3A_671] {strides = array<i32>} : memref<200x66xf32, #tpu.memory_space<vmem>>, vector<16xf32>,
        tpu.vector_store %arg7[%swap3A_670, %swap3A_671], %gather3A_667 {strides = array<i32>} : memref<200x66xf32, #tpu.memory_space<vmem>>, vector<16xf32>,
        %gather3A_673 = tpu.vector_load_idx %arg5[%broadcast_in_dim3A_662, %add3A_43] : memref<200x96xf32, #tpu.memory_space<vmem>>[vector<16xi32>, vector<16xi32>], vector<16xf32>,
        %add3A_674 = arith.constant 0 : i32
        %add3A_675 = arith.addi %mul3A_659, %add3A_674 : i32
        %swap3A_676 = arith.index_cast %add3A_675 : i32 to index
        %swap3A_677 = arith.constant 32 : index
        %swap3A_678 = tpu.vector_load %arg7[%swap3A_676, %swap3A_677] {strides = array<i32>} : memref<200x66xf32, #tpu.memory_space<vmem>>, vector<16xf32>,
        tpu.vector_store %arg7[%swap3A_676, %swap3A_677], %gather3A_673 {strides = array<i32>} : memref<200x66xf32, #tpu.memory_space<vmem>>, vector<16xf32>,
        %gather3A_679 = tpu.vector_load_idx %arg5[%broadcast_in_dim3A_662, %add3A_64] : memref<200x96xf32, #tpu.memory_space<vmem>>[vector<16xi32>, vector<16xi32>], vector<16xf32>,
        %add3A_680 = arith.constant 0 : i32
        %add3A_681 = arith.addi %mul3A_659, %add3A_680 : i32
        %swap3A_682 = arith.index_cast %add3A_681 : i32 to index
        %swap3A_683 = arith.constant 48 : index
        %swap3A_684 = tpu.vector_load %arg7[%swap3A_682, %swap3A_683] {strides = array<i32>} : memref<200x66xf32, #tpu.memory_space<vmem>>, vector<16xf32>,
        tpu.vector_store %arg7[%swap3A_682, %swap3A_683], %gather3A_679 {strides = array<i32>} : memref<200x66xf32, #tpu.memory_space<vmem>>, vector<16xf32>,
        %gather3A_685 = tpu.vector_load_idx %arg5[%broadcast_in_dim3A_662, %add3A_85] : memref<200x96xf32, #tpu.memory_space<vmem>>[vector<16xi32>, vector<16xi32>], vector<16xf32>,
        %add3A_686 = arith.constant 0 : i32
        %add3A_687 = arith.addi %mul3A_659, %add3A_686 : i32
        %swap3A_688 = arith.index_cast %add3A_687 : i32 to index
        %swap3A_689 = arith.constant 50 : index
        %swap3A_690 = tpu.vector_load %arg7[%swap3A_688, %swap3A_689] {strides = array<i32>} : memref<200x66xf32, #tpu.memory_space<vmem>>, vector<16xf32>,
        tpu.vector_store %arg7[%swap3A_688, %swap3A_689], %gather3A_685 {strides = array<i32>} : memref<200x66xf32, #tpu.memory_space<vmem>>, vector<16xf32>,
        %add3A_691 = arith.constant 1 : i32
        %add3A_692 = arith.addi %mul3A_659, %add3A_691 : i32
        %broadcast_in_dim3A_693 = vector.broadcast %add3A_692 : i32 to vector<16xi32>
        %gather3A_694 = tpu.vector_load_idx %arg5[%broadcast_in_dim3A_693, %add3A_10] : memref<200x96xf32, #tpu.memory_space<vmem>>[vector<16xi32>, vector<16xi32>], vector<16xf32>,
        %add3A_695 = arith.constant 1 : i32
        %add3A_696 = arith.addi %mul3A_659, %add3A_695 : i32
        %swap3A_697 = arith.index_cast %add3A_696 : i32 to index
        %swap3A_698 = arith.constant 0 : index
        %swap3A_699 = tpu.vector_load %arg7[%swap3A_697, %swap3A_698] {strides = array<i32>} : memref<200x66xf32, #tpu.memory_space<vmem>>, vector<16xf32>,
        tpu.vector_store %arg7[%swap3A_697, %swap3A_698], %gather3A_694 {strides = array<i32>} : memref<200x66xf32, #tpu.memory_space<vmem>>, vector<16xf32>,
        %gather3A_700 = tpu.vector_load_idx %arg5[%broadcast_in_dim3A_693, %add3A_22] : memref<200x96xf32, #tpu.memory_space<vmem>>[vector<16xi32>, vector<16xi32>], vector<16xf32>,
        %add3A_701 = arith.constant 1 : i32
        %add3A_702 = arith.addi %mul3A_659, %add3A_701 : i32
        %swap3A_703 = arith.index_cast %add3A_702 : i32 to index
        %swap3A_704 = arith.constant 16 : index
        %swap3A_705 = tpu.vector_load %arg7[%swap3A_703, %swap3A_704] {strides = array<i32>} : memref<200x66xf32, #tpu.memory_space<vmem>>, vector<16xf32>,
        tpu.vector_store %arg7[%swap3A_703, %swap3A_704], %gather3A_700 {strides = array<i32>} : memref<200x66xf32, #tpu.memory_space<vmem>>, vector<16xf32>,
        %gather3A_706 = tpu.vector_load_idx %arg5[%broadcast_in_dim3A_693, %add3A_43] : memref<200x96xf32, #tpu.memory_space<vmem>>[vector<16xi32>, vector<16xi32>], vector<16xf32>,
        %add3A_707 = arith.constant 1 : i32
        %add3A_708 = arith.addi %mul3A_659, %add3A_707 : i32
        %swap3A_709 = arith.index_cast %add3A_708 : i32 to index
        %swap3A_710 = arith.constant 32 : index
        %swap3A_711 = tpu.vector_load %arg7[%swap3A_709, %swap3A_710] {strides = array<i32>} : memref<200x66xf32, #tpu.memory_space<vmem>>, vector<16xf32>,
        tpu.vector_store %arg7[%swap3A_709, %swap3A_710], %gather3A_706 {strides = array<i32>} : memref<200x66xf32, #tpu.memory_space<vmem>>, vector<16xf32>,
        %gather3A_712 = tpu.vector_load_idx %arg5[%broadcast_in_dim3A_693, %add3A_64] : memref<200x96xf32, #tpu.memory_space<vmem>>[vector<16xi32>, vector<16xi32>], vector<16xf32>,
        %add3A_713 = arith.constant 1 : i32
        %add3A_714 = arith.addi %mul3A_659, %add3A_713 : i32
        %swap3A_715 = arith.index_cast %add3A_714 : i32 to index
        %swap3A_716 = arith.constant 48 : index
        %swap3A_717 = tpu.vector_load %arg7[%swap3A_715, %swap3A_716] {strides = array<i32>} : memref<200x66xf32, #tpu.memory_space<vmem>>, vector<16xf32>,
        tpu.vector_store %arg7[%swap3A_715, %swap3A_716], %gather3A_712 {strides = array<i32>} : memref<200x66xf32, #tpu.memory_space<vmem>>, vector<16xf32>,
        %gather3A_718 = tpu.vector_load_idx %arg5[%broadcast_in_dim3A_693, %add3A_85] : memref<200x96xf32, #tpu.memory_space<vmem>>[vector<16xi32>, vector<16xi32>], vector<16xf32>,
        %add3A_719 = arith.constant 1 : i32
        %add3A_720 = arith.addi %mul3A_659, %add3A_719 : i32
        %swap3A_721 = arith.index_cast %add3A_720 : i32 to index
        %swap3A_722 = arith.constant 50 : index
        %swap3A_723 = tpu.vector_load %arg7[%swap3A_721, %swap3A_722] {strides = array<i32>} : memref<200x66xf32, #tpu.memory_space<vmem>>, vector<16xf32>,
        tpu.vector_store %arg7[%swap3A_721, %swap3A_722], %gather3A_718 {strides = array<i32>} : memref<200x66xf32, #tpu.memory_space<vmem>>, vector<16xf32>,
        %add3A_724 = arith.constant 2 : i32
        %add3A_725 = arith.addi %mul3A_659, %add3A_724 : i32
        %broadcast_in_dim3A_726 = vector.broadcast %add3A_725 : i32 to vector<16xi32>
        %gather3A_727 = tpu.vector_load_idx %arg5[%broadcast_in_dim3A_726, %add3A_10] : memref<200x96xf32, #tpu.memory_space<vmem>>[vector<16xi32>, vector<16xi32>], vector<16xf32>,
        %add3A_728 = arith.constant 2 : i32
        %add3A_729 = arith.addi %mul3A_659, %add3A_728 : i32
        %swap3A_730 = arith.index_cast %add3A_729 : i32 to index
        %swap3A_731 = arith.constant 0 : index
        %swap3A_732 = tpu.vector_load %arg7[%swap3A_730, %swap3A_731] {strides = array<i32>} : memref<200x66xf32, #tpu.memory_space<vmem>>, vector<16xf32>,
        tpu.vector_store %arg7[%swap3A_730, %swap3A_731], %gather3A_727 {strides = array<i32>} : memref<200x66xf32, #tpu.memory_space<vmem>>, vector<16xf32>,
        %gather3A_733 = tpu.vector_load_idx %arg5[%broadcast_in_dim3A_726, %add3A_22] : memref<200x96xf32, #tpu.memory_space<vmem>>[vector<16xi32>, vector<16xi32>], vector<16xf32>,
        %add3A_734 = arith.constant 2 : i32
        %add3A_735 = arith.addi %mul3A_659, %add3A_734 : i32
        %swap3A_736 = arith.index_cast %add3A_735 : i32 to index
        %swap3A_737 = arith.constant 16 : index
        %swap3A_738 = tpu.vector_load %arg7[%swap3A_736, %swap3A_737] {strides = array<i32>} : memref<200x66xf32, #tpu.memory_space<vmem>>, vector<16xf32>,
        tpu.vector_store %arg7[%swap3A_736, %swap3A_737], %gather3A_733 {strides = array<i32>} : memref<200x66xf32, #tpu.memory_space<vmem>>, vector<16xf32>,
        %gather3A_739 = tpu.vector_load_idx %arg5[%broadcast_in_dim3A_726, %add3A_43] : memref<200x96xf32, #tpu.memory_space<vmem>>[vector<16xi32>, vector<16xi32>], vector<16xf32>,
        %add3A_740 = arith.constant 2 : i32
        %add3A_741 = arith.addi %mul3A_659, %add3A_740 : i32
        %swap3A_742 = arith.index_cast %add3A_741 : i32 to index
        %swap3A_743 = arith.constant 32 : index
        %swap3A_744 = tpu.vector_load %arg7[%swap3A_742, %swap3A_743] {strides = array<i32>} : memref<200x66xf32, #tpu.memory_space<vmem>>, vector<16xf32>,
        tpu.vector_store %arg7[%swap3A_742, %swap3A_743], %gather3A_739 {strides = array<i32>} : memref<200x66xf32, #tpu.memory_space<vmem>>, vector<16xf32>,
        %gather3A_745 = tpu.vector_load_idx %arg5[%broadcast_in_dim3A_726, %add3A_64] : memref<200x96xf32, #tpu.memory_space<vmem>>[vector<16xi32>, vector<16xi32>], vector<16xf32>,
        %add3A_746 = arith.constant 2 : i32
        %add3A_747 = arith.addi %mul3A_659, %add3A_746 : i32
        %swap3A_748 = arith.index_cast %add3A_747 : i32 to index
        %swap3A_749 = arith.constant 48 : index
        %swap3A_750 = tpu.vector_load %arg7[%swap3A_748, %swap3A_749] {strides = array<i32>} : memref<200x66xf32, #tpu.memory_space<vmem>>, vector<16xf32>,
        tpu.vector_store %arg7[%swap3A_748, %swap3A_749], %gather3A_745 {strides = array<i32>} : memref<200x66xf32, #tpu.memory_space<vmem>>, vector<16xf32>,
        %gather3A_751 = tpu.vector_load_idx %arg5[%broadcast_in_dim3A_726, %add3A_85] : memref<200x96xf32, #tpu.memory_space<vmem>>[vector<16xi32>, vector<16xi32>], vector<16xf32>,
        %add3A_752 = arith.constant 2 : i32
        %add3A_753 = arith.addi %mul3A_659, %add3A_752 : i32
        %swap3A_754 = arith.index_cast %add3A_753 : i32 to index
        %swap3A_755 = arith.constant 50 : index
        %swap3A_756 = tpu.vector_load %arg7[%swap3A_754, %swap3A_755] {strides = array<i32>} : memref<200x66xf32, #tpu.memory_space<vmem>>, vector<16xf32>,
        tpu.vector_store %arg7[%swap3A_754, %swap3A_755], %gather3A_751 {strides = array<i32>} : memref<200x66xf32, #tpu.memory_space<vmem>>, vector<16xf32>,
        %add3A_757 = arith.constant 3 : i32
        %add3A_758 = arith.addi %mul3A_659, %add3A_757 : i32
        %broadcast_in_dim3A_759 = vector.broadcast %add3A_758 : i32 to vector<16xi32>
        %gather3A_760 = tpu.vector_load_idx %arg5[%broadcast_in_dim3A_759, %add3A_10] : memref<200x96xf32, #tpu.memory_space<vmem>>[vector<16xi32>, vector<16xi32>], vector<16xf32>,
        %add3A_761 = arith.constant 3 : i32
        %add3A_762 = arith.addi %mul3A_659, %add3A_761 : i32
        %swap3A_763 = arith.index_cast %add3A_762 : i32 to index
        %swap3A_764 = arith.constant 0 : index
        %swap3A_765 = tpu.vector_load %arg7[%swap3A_763, %swap3A_764] {strides = array<i32>} : memref<200x66xf32, #tpu.memory_space<vmem>>, vector<16xf32>,
        tpu.vector_store %arg7[%swap3A_763, %swap3A_764], %gather3A_760 {strides = array<i32>} : memref<200x66xf32, #tpu.memory_space<vmem>>, vector<16xf32>,
        %gather3A_766 = tpu.vector_load_idx %arg5[%broadcast_in_dim3A_759, %add3A_22] : memref<200x96xf32, #tpu.memory_space<vmem>>[vector<16xi32>, vector<16xi32>], vector<16xf32>,
        %add3A_767 = arith.constant 3 : i32
        %add3A_768 = arith.addi %mul3A_659, %add3A_767 : i32
        %swap3A_769 = arith.index_cast %add3A_768 : i32 to index
        %swap3A_770 = arith.constant 16 : index
        %swap3A_771 = tpu.vector_load %arg7[%swap3A_769, %swap3A_770] {strides = array<i32>} : memref<200x66xf32, #tpu.memory_space<vmem>>, vector<16xf32>,
        tpu.vector_store %arg7[%swap3A_769, %swap3A_770], %gather3A_766 {strides = array<i32>} : memref<200x66xf32, #tpu.memory_space<vmem>>, vector<16xf32>,
        %gather3A_772 = tpu.vector_load_idx %arg5[%broadcast_in_dim3A_759, %add3A_43] : memref<200x96xf32, #tpu.memory_space<vmem>>[vector<16xi32>, vector<16xi32>], vector<16xf32>,
        %add3A_773 = arith.constant 3 : i32
        %add3A_774 = arith.addi %mul3A_659, %add3A_773 : i32
        %swap3A_775 = arith.index_cast %add3A_774 : i32 to index
        %swap3A_776 = arith.constant 32 : index
        %swap3A_777 = tpu.vector_load %arg7[%swap3A_775, %swap3A_776] {strides = array<i32>} : memref<200x66xf32, #tpu.memory_space<vmem>>, vector<16xf32>,
        tpu.vector_store %arg7[%swap3A_775, %swap3A_776], %gather3A_772 {strides = array<i32>} : memref<200x66xf32, #tpu.memory_space<vmem>>, vector<16xf32>,
        %gather3A_778 = tpu.vector_load_idx %arg5[%broadcast_in_dim3A_759, %add3A_64] : memref<200x96xf32, #tpu.memory_space<vmem>>[vector<16xi32>, vector<16xi32>], vector<16xf32>,
        %add3A_779 = arith.constant 3 : i32
        %add3A_780 = arith.addi %mul3A_659, %add3A_779 : i32
        %swap3A_781 = arith.index_cast %add3A_780 : i32 to index
        %swap3A_782 = arith.constant 48 : index
        %swap3A_783 = tpu.vector_load %arg7[%swap3A_781, %swap3A_782] {strides = array<i32>} : memref<200x66xf32, #tpu.memory_space<vmem>>, vector<16xf32>,
        tpu.vector_store %arg7[%swap3A_781, %swap3A_782], %gather3A_778 {strides = array<i32>} : memref<200x66xf32, #tpu.memory_space<vmem>>, vector<16xf32>,
        %gather3A_784 = tpu.vector_load_idx %arg5[%broadcast_in_dim3A_759, %add3A_85] : memref<200x96xf32, #tpu.memory_space<vmem>>[vector<16xi32>, vector<16xi32>], vector<16xf32>,
        %add3A_785 = arith.constant 3 : i32
        %add3A_786 = arith.addi %mul3A_659, %add3A_785 : i32
        %swap3A_787 = arith.index_cast %add3A_786 : i32 to index
        %swap3A_788 = arith.constant 50 : index
        %swap3A_789 = tpu.vector_load %arg7[%swap3A_787, %swap3A_788] {strides = array<i32>} : memref<200x66xf32, #tpu.memory_space<vmem>>, vector<16xf32>,
        tpu.vector_store %arg7[%swap3A_787, %swap3A_788], %gather3A_784 {strides = array<i32>} : memref<200x66xf32, #tpu.memory_space<vmem>>, vector<16xf32>,
        %add3A_790 = arith.constant 4 : i32
        %add3A_791 = arith.addi %mul3A_659, %add3A_790 : i32
        %broadcast_in_dim3A_792 = vector.broadcast %add3A_791 : i32 to vector<16xi32>
        %gather3A_793 = tpu.vector_load_idx %arg5[%broadcast_in_dim3A_792, %add3A_10] : memref<200x96xf32, #tpu.memory_space<vmem>>[vector<16xi32>, vector<16xi32>], vector<16xf32>,
        %add3A_794 = arith.constant 4 : i32
        %add3A_795 = arith.addi %mul3A_659, %add3A_794 : i32
        %swap3A_796 = arith.index_cast %add3A_795 : i32 to index
        %swap3A_797 = arith.constant 0 : index
        %swap3A_798 = tpu.vector_load %arg7[%swap3A_796, %swap3A_797] {strides = array<i32>} : memref<200x66xf32, #tpu.memory_space<vmem>>, vector<16xf32>,
        tpu.vector_store %arg7[%swap3A_796, %swap3A_797], %gather3A_793 {strides = array<i32>} : memref<200x66xf32, #tpu.memory_space<vmem>>, vector<16xf32>,
        %gather3A_799 = tpu.vector_load_idx %arg5[%broadcast_in_dim3A_792, %add3A_22] : memref<200x96xf32, #tpu.memory_space<vmem>>[vector<16xi32>, vector<16xi32>], vector<16xf32>,
        %add3A_800 = arith.constant 4 : i32
        %add3A_801 = arith.addi %mul3A_659, %add3A_800 : i32
        %swap3A_802 = arith.index_cast %add3A_801 : i32 to index
        %swap3A_803 = arith.constant 16 : index
        %swap3A_804 = tpu.vector_load %arg7[%swap3A_802, %swap3A_803] {strides = array<i32>} : memref<200x66xf32, #tpu.memory_space<vmem>>, vector<16xf32>,
        tpu.vector_store %arg7[%swap3A_802, %swap3A_803], %gather3A_799 {strides = array<i32>} : memref<200x66xf32, #tpu.memory_space<vmem>>, vector<16xf32>,
        %gather3A_805 = tpu.vector_load_idx %arg5[%broadcast_in_dim3A_792, %add3A_43] : memref<200x96xf32, #tpu.memory_space<vmem>>[vector<16xi32>, vector<16xi32>], vector<16xf32>,
        %add3A_806 = arith.constant 4 : i32
        %add3A_807 = arith.addi %mul3A_659, %add3A_806 : i32
        %swap3A_808 = arith.index_cast %add3A_807 : i32 to index
        %swap3A_809 = arith.constant 32 : index
        %swap3A_810 = tpu.vector_load %arg7[%swap3A_808, %swap3A_809] {strides = array<i32>} : memref<200x66xf32, #tpu.memory_space<vmem>>, vector<16xf32>,
        tpu.vector_store %arg7[%swap3A_808, %swap3A_809], %gather3A_805 {strides = array<i32>} : memref<200x66xf32, #tpu.memory_space<vmem>>, vector<16xf32>,
        %gather3A_811 = tpu.vector_load_idx %arg5[%broadcast_in_dim3A_792, %add3A_64] : memref<200x96xf32, #tpu.memory_space<vmem>>[vector<16xi32>, vector<16xi32>], vector<16xf32>,
        %add3A_812 = arith.constant 4 : i32
        %add3A_813 = arith.addi %mul3A_659, %add3A_812 : i32
        %swap3A_814 = arith.index_cast %add3A_813 : i32 to index
        %swap3A_815 = arith.constant 48 : index
        %swap3A_816 = tpu.vector_load %arg7[%swap3A_814, %swap3A_815] {strides = array<i32>} : memref<200x66xf32, #tpu.memory_space<vmem>>, vector<16xf32>,
        tpu.vector_store %arg7[%swap3A_814, %swap3A_815], %gather3A_811 {strides = array<i32>} : memref<200x66xf32, #tpu.memory_space<vmem>>, vector<16xf32>,
        %gather3A_817 = tpu.vector_load_idx %arg5[%broadcast_in_dim3A_792, %add3A_85] : memref<200x96xf32, #tpu.memory_space<vmem>>[vector<16xi32>, vector<16xi32>], vector<16xf32>,
        %add3A_818 = arith.constant 4 : i32
        %add3A_819 = arith.addi %mul3A_659, %add3A_818 : i32
        %swap3A_820 = arith.index_cast %add3A_819 : i32 to index
        %swap3A_821 = arith.constant 50 : index
        %swap3A_822 = tpu.vector_load %arg7[%swap3A_820, %swap3A_821] {strides = array<i32>} : memref<200x66xf32, #tpu.memory_space<vmem>>, vector<16xf32>,
        tpu.vector_store %arg7[%swap3A_820, %swap3A_821], %gather3A_817 {strides = array<i32>} : memref<200x66xf32, #tpu.memory_space<vmem>>, vector<16xf32>,
        %add3A_823 = arith.constant 5 : i32
        %add3A_824 = arith.addi %mul3A_659, %add3A_823 : i32
        %broadcast_in_dim3A_825 = vector.broadcast %add3A_824 : i32 to vector<16xi32>
        %gather3A_826 = tpu.vector_load_idx %arg5[%broadcast_in_dim3A_825, %add3A_10] : memref<200x96xf32, #tpu.memory_space<vmem>>[vector<16xi32>, vector<16xi32>], vector<16xf32>,
        %add3A_827 = arith.constant 5 : i32
        %add3A_828 = arith.addi %mul3A_659, %add3A_827 : i32
        %swap3A_829 = arith.index_cast %add3A_828 : i32 to index
        %swap3A_830 = arith.constant 0 : index
        %swap3A_831 = tpu.vector_load %arg7[%swap3A_829, %swap3A_830] {strides = array<i32>} : memref<200x66xf32, #tpu.memory_space<vmem>>, vector<16xf32>,
        tpu.vector_store %arg7[%swap3A_829, %swap3A_830], %gather3A_826 {strides = array<i32>} : memref<200x66xf32, #tpu.memory_space<vmem>>, vector<16xf32>,
        %gather3A_832 = tpu.vector_load_idx %arg5[%broadcast_in_dim3A_825, %add3A_22] : memref<200x96xf32, #tpu.memory_space<vmem>>[vector<16xi32>, vector<16xi32>], vector<16xf32>,
        %add3A_833 = arith.constant 5 : i32
        %add3A_834 = arith.addi %mul3A_659, %add3A_833 : i32
        %swap3A_835 = arith.index_cast %add3A_834 : i32 to index
        %swap3A_836 = arith.constant 16 : index
        %swap3A_837 = tpu.vector_load %arg7[%swap3A_835, %swap3A_836] {strides = array<i32>} : memref<200x66xf32, #tpu.memory_space<vmem>>, vector<16xf32>,
        tpu.vector_store %arg7[%swap3A_835, %swap3A_836], %gather3A_832 {strides = array<i32>} : memref<200x66xf32, #tpu.memory_space<vmem>>, vector<16xf32>,
        %gather3A_838 = tpu.vector_load_idx %arg5[%broadcast_in_dim3A_825, %add3A_43] : memref<200x96xf32, #tpu.memory_space<vmem>>[vector<16xi32>, vector<16xi32>], vector<16xf32>,
        %add3A_839 = arith.constant 5 : i32
        %add3A_840 = arith.addi %mul3A_659, %add3A_839 : i32
        %swap3A_841 = arith.index_cast %add3A_840 : i32 to index
        %swap3A_842 = arith.constant 32 : index
        %swap3A_843 = tpu.vector_load %arg7[%swap3A_841, %swap3A_842] {strides = array<i32>} : memref<200x66xf32, #tpu.memory_space<vmem>>, vector<16xf32>,
        tpu.vector_store %arg7[%swap3A_841, %swap3A_842], %gather3A_838 {strides = array<i32>} : memref<200x66xf32, #tpu.memory_space<vmem>>, vector<16xf32>,
        %gather3A_844 = tpu.vector_load_idx %arg5[%broadcast_in_dim3A_825, %add3A_64] : memref<200x96xf32, #tpu.memory_space<vmem>>[vector<16xi32>, vector<16xi32>], vector<16xf32>,
        %add3A_845 = arith.constant 5 : i32
        %add3A_846 = arith.addi %mul3A_659, %add3A_845 : i32
        %swap3A_847 = arith.index_cast %add3A_846 : i32 to index
        %swap3A_848 = arith.constant 48 : index
        %swap3A_849 = tpu.vector_load %arg7[%swap3A_847, %swap3A_848] {strides = array<i32>} : memref<200x66xf32, #tpu.memory_space<vmem>>, vector<16xf32>,
        tpu.vector_store %arg7[%swap3A_847, %swap3A_848], %gather3A_844 {strides = array<i32>} : memref<200x66xf32, #tpu.memory_space<vmem>>, vector<16xf32>,
        %gather3A_850 = tpu.vector_load_idx %arg5[%broadcast_in_dim3A_825, %add3A_85] : memref<200x96xf32, #tpu.memory_space<vmem>>[vector<16xi32>, vector<16xi32>], vector<16xf32>,
        %add3A_851 = arith.constant 5 : i32
        %add3A_852 = arith.addi %mul3A_659, %add3A_851 : i32
        %swap3A_853 = arith.index_cast %add3A_852 : i32 to index
        %swap3A_854 = arith.constant 50 : index
        %swap3A_855 = tpu.vector_load %arg7[%swap3A_853, %swap3A_854] {strides = array<i32>} : memref<200x66xf32, #tpu.memory_space<vmem>>, vector<16xf32>,
        tpu.vector_store %arg7[%swap3A_853, %swap3A_854], %gather3A_850 {strides = array<i32>} : memref<200x66xf32, #tpu.memory_space<vmem>>, vector<16xf32>,
        %add3A_856 = arith.constant 6 : i32
        %add3A_857 = arith.addi %mul3A_659, %add3A_856 : i32
        %broadcast_in_dim3A_858 = vector.broadcast %add3A_857 : i32 to vector<16xi32>
        %gather3A_859 = tpu.vector_load_idx %arg5[%broadcast_in_dim3A_858, %add3A_10] : memref<200x96xf32, #tpu.memory_space<vmem>>[vector<16xi32>, vector<16xi32>], vector<16xf32>,
        %add3A_860 = arith.constant 6 : i32
        %add3A_861 = arith.addi %mul3A_659, %add3A_860 : i32
        %swap3A_862 = arith.index_cast %add3A_861 : i32 to index
        %swap3A_863 = arith.constant 0 : index
        %swap3A_864 = tpu.vector_load %arg7[%swap3A_862, %swap3A_863] {strides = array<i32>} : memref<200x66xf32, #tpu.memory_space<vmem>>, vector<16xf32>,
        tpu.vector_store %arg7[%swap3A_862, %swap3A_863], %gather3A_859 {strides = array<i32>} : memref<200x66xf32, #tpu.memory_space<vmem>>, vector<16xf32>,
        %gather3A_865 = tpu.vector_load_idx %arg5[%broadcast_in_dim3A_858, %add3A_22] : memref<200x96xf32, #tpu.memory_space<vmem>>[vector<16xi32>, vector<16xi32>], vector<16xf32>,
        %add3A_866 = arith.constant 6 : i32
        %add3A_867 = arith.addi %mul3A_659, %add3A_866 : i32
        %swap3A_868 = arith.index_cast %add3A_867 : i32 to index
        %swap3A_869 = arith.constant 16 : index
        %swap3A_870 = tpu.vector_load %arg7[%swap3A_868, %swap3A_869] {strides = array<i32>} : memref<200x66xf32, #tpu.memory_space<vmem>>, vector<16xf32>,
        tpu.vector_store %arg7[%swap3A_868, %swap3A_869], %gather3A_865 {strides = array<i32>} : memref<200x66xf32, #tpu.memory_space<vmem>>, vector<16xf32>,
        %gather3A_871 = tpu.vector_load_idx %arg5[%broadcast_in_dim3A_858, %add3A_43] : memref<200x96xf32, #tpu.memory_space<vmem>>[vector<16xi32>, vector<16xi32>], vector<16xf32>,
        %add3A_872 = arith.constant 6 : i32
        %add3A_873 = arith.addi %mul3A_659, %add3A_872 : i32
        %swap3A_874 = arith.index_cast %add3A_873 : i32 to index
        %swap3A_875 = arith.constant 32 : index
        %swap3A_876 = tpu.vector_load %arg7[%swap3A_874, %swap3A_875] {strides = array<i32>} : memref<200x66xf32, #tpu.memory_space<vmem>>, vector<16xf32>,
        tpu.vector_store %arg7[%swap3A_874, %swap3A_875], %gather3A_871 {strides = array<i32>} : memref<200x66xf32, #tpu.memory_space<vmem>>, vector<16xf32>,
        %gather3A_877 = tpu.vector_load_idx %arg5[%broadcast_in_dim3A_858, %add3A_64] : memref<200x96xf32, #tpu.memory_space<vmem>>[vector<16xi32>, vector<16xi32>], vector<16xf32>,
        %add3A_878 = arith.constant 6 : i32
        %add3A_879 = arith.addi %mul3A_659, %add3A_878 : i32
        %swap3A_880 = arith.index_cast %add3A_879 : i32 to index
        %swap3A_881 = arith.constant 48 : index
        %swap3A_882 = tpu.vector_load %arg7[%swap3A_880, %swap3A_881] {strides = array<i32>} : memref<200x66xf32, #tpu.memory_space<vmem>>, vector<16xf32>,
        tpu.vector_store %arg7[%swap3A_880, %swap3A_881], %gather3A_877 {strides = array<i32>} : memref<200x66xf32, #tpu.memory_space<vmem>>, vector<16xf32>,
        %gather3A_883 = tpu.vector_load_idx %arg5[%broadcast_in_dim3A_858, %add3A_85] : memref<200x96xf32, #tpu.memory_space<vmem>>[vector<16xi32>, vector<16xi32>], vector<16xf32>,
        %add3A_884 = arith.constant 6 : i32
        %add3A_885 = arith.addi %mul3A_659, %add3A_884 : i32
        %swap3A_886 = arith.index_cast %add3A_885 : i32 to index
        %swap3A_887 = arith.constant 50 : index
        %swap3A_888 = tpu.vector_load %arg7[%swap3A_886, %swap3A_887] {strides = array<i32>} : memref<200x66xf32, #tpu.memory_space<vmem>>, vector<16xf32>,
        tpu.vector_store %arg7[%swap3A_886, %swap3A_887], %gather3A_883 {strides = array<i32>} : memref<200x66xf32, #tpu.memory_space<vmem>>, vector<16xf32>,
        %add3A_889 = arith.constant 7 : i32
        %add3A_890 = arith.addi %mul3A_659, %add3A_889 : i32
        %broadcast_in_dim3A_891 = vector.broadcast %add3A_890 : i32 to vector<16xi32>
        %gather3A_892 = tpu.vector_load_idx %arg5[%broadcast_in_dim3A_891, %add3A_10] : memref<200x96xf32, #tpu.memory_space<vmem>>[vector<16xi32>, vector<16xi32>], vector<16xf32>,
        %add3A_893 = arith.constant 7 : i32
        %add3A_894 = arith.addi %mul3A_659, %add3A_893 : i32
        %swap3A_895 = arith.index_cast %add3A_894 : i32 to index
        %swap3A_896 = arith.constant 0 : index
        %swap3A_897 = tpu.vector_load %arg7[%swap3A_895, %swap3A_896] {strides = array<i32>} : memref<200x66xf32, #tpu.memory_space<vmem>>, vector<16xf32>,
        tpu.vector_store %arg7[%swap3A_895, %swap3A_896], %gather3A_892 {strides = array<i32>} : memref<200x66xf32, #tpu.memory_space<vmem>>, vector<16xf32>,
        %gather3A_898 = tpu.vector_load_idx %arg5[%broadcast_in_dim3A_891, %add3A_22] : memref<200x96xf32, #tpu.memory_space<vmem>>[vector<16xi32>, vector<16xi32>], vector<16xf32>,
        %add3A_899 = arith.constant 7 : i32
        %add3A_900 = arith.addi %mul3A_659, %add3A_899 : i32
        %swap3A_901 = arith.index_cast %add3A_900 : i32 to index
        %swap3A_902 = arith.constant 16 : index
        %swap3A_903 = tpu.vector_load %arg7[%swap3A_901, %swap3A_902] {strides = array<i32>} : memref<200x66xf32, #tpu.memory_space<vmem>>, vector<16xf32>,
        tpu.vector_store %arg7[%swap3A_901, %swap3A_902], %gather3A_898 {strides = array<i32>} : memref<200x66xf32, #tpu.memory_space<vmem>>, vector<16xf32>,
        %gather3A_904 = tpu.vector_load_idx %arg5[%broadcast_in_dim3A_891, %add3A_43] : memref<200x96xf32, #tpu.memory_space<vmem>>[vector<16xi32>, vector<16xi32>], vector<16xf32>,
        %add3A_905 = arith.constant 7 : i32
        %add3A_906 = arith.addi %mul3A_659, %add3A_905 : i32
        %swap3A_907 = arith.index_cast %add3A_906 : i32 to index
        %swap3A_908 = arith.constant 32 : index
        %swap3A_909 = tpu.vector_load %arg7[%swap3A_907, %swap3A_908] {strides = array<i32>} : memref<200x66xf32, #tpu.memory_space<vmem>>, vector<16xf32>,
        tpu.vector_store %arg7[%swap3A_907, %swap3A_908], %gather3A_904 {strides = array<i32>} : memref<200x66xf32, #tpu.memory_space<vmem>>, vector<16xf32>,
        %gather3A_910 = tpu.vector_load_idx %arg5[%broadcast_in_dim3A_891, %add3A_64] : memref<200x96xf32, #tpu.memory_space<vmem>>[vector<16xi32>, vector<16xi32>], vector<16xf32>,
        %add3A_911 = arith.constant 7 : i32
        %add3A_912 = arith.addi %mul3A_659, %add3A_911 : i32
        %swap3A_913 = arith.index_cast %add3A_912 : i32 to index
        %swap3A_914 = arith.constant 48 : index
        %swap3A_915 = tpu.vector_load %arg7[%swap3A_913, %swap3A_914] {strides = array<i32>} : memref<200x66xf32, #tpu.memory_space<vmem>>, vector<16xf32>,
        tpu.vector_store %arg7[%swap3A_913, %swap3A_914], %gather3A_910 {strides = array<i32>} : memref<200x66xf32, #tpu.memory_space<vmem>>, vector<16xf32>,
        %gather3A_916 = tpu.vector_load_idx %arg5[%broadcast_in_dim3A_891, %add3A_85] : memref<200x96xf32, #tpu.memory_space<vmem>>[vector<16xi32>, vector<16xi32>], vector<16xf32>,
        %add3A_917 = arith.constant 7 : i32
        %add3A_918 = arith.addi %mul3A_659, %add3A_917 : i32
        %swap3A_919 = arith.index_cast %add3A_918 : i32 to index
        %swap3A_920 = arith.constant 50 : index
        %swap3A_921 = tpu.vector_load %arg7[%swap3A_919, %swap3A_920] {strides = array<i32>} : memref<200x66xf32, #tpu.memory_space<vmem>>, vector<16xf32>,
        tpu.vector_store %arg7[%swap3A_919, %swap3A_920], %gather3A_916 {strides = array<i32>} : memref<200x66xf32, #tpu.memory_space<vmem>>, vector<16xf32>,
        %add3A_922 = arith.constant 8 : i32
        %add3A_923 = arith.addi %mul3A_659, %add3A_922 : i32
        %broadcast_in_dim3A_924 = vector.broadcast %add3A_923 : i32 to vector<16xi32>
        %gather3A_925 = tpu.vector_load_idx %arg5[%broadcast_in_dim3A_924, %add3A_10] : memref<200x96xf32, #tpu.memory_space<vmem>>[vector<16xi32>, vector<16xi32>], vector<16xf32>,
        %add3A_926 = arith.constant 8 : i32
        %add3A_927 = arith.addi %mul3A_659, %add3A_926 : i32
        %swap3A_928 = arith.index_cast %add3A_927 : i32 to index
        %swap3A_929 = arith.constant 0 : index
        %swap3A_930 = tpu.vector_load %arg7[%swap3A_928, %swap3A_929] {strides = array<i32>} : memref<200x66xf32, #tpu.memory_space<vmem>>, vector<16xf32>,
        tpu.vector_store %arg7[%swap3A_928, %swap3A_929], %gather3A_925 {strides = array<i32>} : memref<200x66xf32, #tpu.memory_space<vmem>>, vector<16xf32>,
        %gather3A_931 = tpu.vector_load_idx %arg5[%broadcast_in_dim3A_924, %add3A_22] : memref<200x96xf32, #tpu.memory_space<vmem>>[vector<16xi32>, vector<16xi32>], vector<16xf32>,
        %add3A_932 = arith.constant 8 : i32
        %add3A_933 = arith.addi %mul3A_659, %add3A_932 : i32
        %swap3A_934 = arith.index_cast %add3A_933 : i32 to index
        %swap3A_935 = arith.constant 16 : index
        %swap3A_936 = tpu.vector_load %arg7[%swap3A_934, %swap3A_935] {strides = array<i32>} : memref<200x66xf32, #tpu.memory_space<vmem>>, vector<16xf32>,
        tpu.vector_store %arg7[%swap3A_934, %swap3A_935], %gather3A_931 {strides = array<i32>} : memref<200x66xf32, #tpu.memory_space<vmem>>, vector<16xf32>,
        %gather3A_937 = tpu.vector_load_idx %arg5[%broadcast_in_dim3A_924, %add3A_43] : memref<200x96xf32, #tpu.memory_space<vmem>>[vector<16xi32>, vector<16xi32>], vector<16xf32>,
        %add3A_938 = arith.constant 8 : i32
        %add3A_939 = arith.addi %mul3A_659, %add3A_938 : i32
        %swap3A_940 = arith.index_cast %add3A_939 : i32 to index
        %swap3A_941 = arith.constant 32 : index
        %swap3A_942 = tpu.vector_load %arg7[%swap3A_940, %swap3A_941] {strides = array<i32>} : memref<200x66xf32, #tpu.memory_space<vmem>>, vector<16xf32>,
        tpu.vector_store %arg7[%swap3A_940, %swap3A_941], %gather3A_937 {strides = array<i32>} : memref<200x66xf32, #tpu.memory_space<vmem>>, vector<16xf32>,
        %gather3A_943 = tpu.vector_load_idx %arg5[%broadcast_in_dim3A_924, %add3A_64] : memref<200x96xf32, #tpu.memory_space<vmem>>[vector<16xi32>, vector<16xi32>], vector<16xf32>,
        %add3A_944 = arith.constant 8 : i32
        %add3A_945 = arith.addi %mul3A_659, %add3A_944 : i32
        %swap3A_946 = arith.index_cast %add3A_945 : i32 to index
        %swap3A_947 = arith.constant 48 : index
        %swap3A_948 = tpu.vector_load %arg7[%swap3A_946, %swap3A_947] {strides = array<i32>} : memref<200x66xf32, #tpu.memory_space<vmem>>, vector<16xf32>,
        tpu.vector_store %arg7[%swap3A_946, %swap3A_947], %gather3A_943 {strides = array<i32>} : memref<200x66xf32, #tpu.memory_space<vmem>>, vector<16xf32>,
        %gather3A_949 = tpu.vector_load_idx %arg5[%broadcast_in_dim3A_924, %add3A_85] : memref<200x96xf32, #tpu.memory_space<vmem>>[vector<16xi32>, vector<16xi32>], vector<16xf32>,
        %add3A_950 = arith.constant 8 : i32
        %add3A_951 = arith.addi %mul3A_659, %add3A_950 : i32
        %swap3A_952 = arith.index_cast %add3A_951 : i32 to index
        %swap3A_953 = arith.constant 50 : index
        %swap3A_954 = tpu.vector_load %arg7[%swap3A_952, %swap3A_953] {strides = array<i32>} : memref<200x66xf32, #tpu.memory_space<vmem>>, vector<16xf32>,
        tpu.vector_store %arg7[%swap3A_952, %swap3A_953], %gather3A_949 {strides = array<i32>} : memref<200x66xf32, #tpu.memory_space<vmem>>, vector<16xf32>,
        %add3A_955 = arith.constant 9 : i32
        %add3A_956 = arith.addi %mul3A_659, %add3A_955 : i32
        %broadcast_in_dim3A_957 = vector.broadcast %add3A_956 : i32 to vector<16xi32>
        %gather3A_958 = tpu.vector_load_idx %arg5[%broadcast_in_dim3A_957, %add3A_10] : memref<200x96xf32, #tpu.memory_space<vmem>>[vector<16xi32>, vector<16xi32>], vector<16xf32>,
        %add3A_959 = arith.constant 9 : i32
        %add3A_960 = arith.addi %mul3A_659, %add3A_959 : i32
        %swap3A_961 = arith.index_cast %add3A_960 : i32 to index
        %swap3A_962 = arith.constant 0 : index
        %swap3A_963 = tpu.vector_load %arg7[%swap3A_961, %swap3A_962] {strides = array<i32>} : memref<200x66xf32, #tpu.memory_space<vmem>>, vector<16xf32>,
        tpu.vector_store %arg7[%swap3A_961, %swap3A_962], %gather3A_958 {strides = array<i32>} : memref<200x66xf32, #tpu.memory_space<vmem>>, vector<16xf32>,
        %gather3A_964 = tpu.vector_load_idx %arg5[%broadcast_in_dim3A_957, %add3A_22] : memref<200x96xf32, #tpu.memory_space<vmem>>[vector<16xi32>, vector<16xi32>], vector<16xf32>,
        %add3A_965 = arith.constant 9 : i32
        %add3A_966 = arith.addi %mul3A_659, %add3A_965 : i32
        %swap3A_967 = arith.index_cast %add3A_966 : i32 to index
        %swap3A_968 = arith.constant 16 : index
        %swap3A_969 = tpu.vector_load %arg7[%swap3A_967, %swap3A_968] {strides = array<i32>} : memref<200x66xf32, #tpu.memory_space<vmem>>, vector<16xf32>,
        tpu.vector_store %arg7[%swap3A_967, %swap3A_968], %gather3A_964 {strides = array<i32>} : memref<200x66xf32, #tpu.memory_space<vmem>>, vector<16xf32>,
        %gather3A_970 = tpu.vector_load_idx %arg5[%broadcast_in_dim3A_957, %add3A_43] : memref<200x96xf32, #tpu.memory_space<vmem>>[vector<16xi32>, vector<16xi32>], vector<16xf32>,
        %add3A_971 = arith.constant 9 : i32
        %add3A_972 = arith.addi %mul3A_659, %add3A_971 : i32
        %swap3A_973 = arith.index_cast %add3A_972 : i32 to index
        %swap3A_974 = arith.constant 32 : index
        %swap3A_975 = tpu.vector_load %arg7[%swap3A_973, %swap3A_974] {strides = array<i32>} : memref<200x66xf32, #tpu.memory_space<vmem>>, vector<16xf32>,
        tpu.vector_store %arg7[%swap3A_973, %swap3A_974], %gather3A_970 {strides = array<i32>} : memref<200x66xf32, #tpu.memory_space<vmem>>, vector<16xf32>,
        %gather3A_976 = tpu.vector_load_idx %arg5[%broadcast_in_dim3A_957, %add3A_64] : memref<200x96xf32, #tpu.memory_space<vmem>>[vector<16xi32>, vector<16xi32>], vector<16xf32>,
        %add3A_977 = arith.constant 9 : i32
        %add3A_978 = arith.addi %mul3A_659, %add3A_977 : i32
        %swap3A_979 = arith.index_cast %add3A_978 : i32 to index
        %swap3A_980 = arith.constant 48 : index
        %swap3A_981 = tpu.vector_load %arg7[%swap3A_979, %swap3A_980] {strides = array<i32>} : memref<200x66xf32, #tpu.memory_space<vmem>>, vector<16xf32>,
        tpu.vector_store %arg7[%swap3A_979, %swap3A_980], %gather3A_976 {strides = array<i32>} : memref<200x66xf32, #tpu.memory_space<vmem>>, vector<16xf32>,
        %gather3A_982 = tpu.vector_load_idx %arg5[%broadcast_in_dim3A_957, %add3A_85] : memref<200x96xf32, #tpu.memory_space<vmem>>[vector<16xi32>, vector<16xi32>], vector<16xf32>,
        %add3A_983 = arith.constant 9 : i32
        %add3A_984 = arith.addi %mul3A_659, %add3A_983 : i32
        %swap3A_985 = arith.index_cast %add3A_984 : i32 to index
        %swap3A_986 = arith.constant 50 : index
        %swap3A_987 = tpu.vector_load %arg7[%swap3A_985, %swap3A_986] {strides = array<i32>} : memref<200x66xf32, #tpu.memory_space<vmem>>, vector<16xf32>,
        tpu.vector_store %arg7[%swap3A_985, %swap3A_986], %gather3A_982 {strides = array<i32>} : memref<200x66xf32, #tpu.memory_space<vmem>>, vector<16xf32>,
      }
      %scan3A_587 = arith.constant 20 : i32
      %add3A_588 = arith.constant 1 : i32
      %add3A_589 = arith.addi %mul3A_289, %add3A_588 : i32
      %mul3A_590 = arith.constant 4 : i32
      %mul3A_591 = arith.muli %add3A_589, %mul3A_590 : i32
      %add3A_592 = arith.addi %mul3A_2, %mul3A_591 : i32
      %add3A_593 = arith.constant 0 : i32
      %add3A_594 = arith.addi %add3A_592, %add3A_593 : i32
      %dma_start3A_595 = arith.constant 0 : i32
      %dma_start3A_596 = arith.constant 0 : i32
      %dma_start3A_597 = tpu.memref_slice %arg7[%dma_start3A_595, %dma_start3A_596] : memref<200x66xf32, #tpu.memory_space<vmem>> -> memref<50x66xf32, #tpu.memory_space<vmem>>
      %dma_start3A_598 = arith.constant 0 : i32
      %dma_start3A_599 = arith.constant 0 : i32
      %dma_start3A_600 = tpu.memref_slice %arg3[%add3A_594, %dma_start3A_598, %dma_start3A_599] : memref<4096x50x66xf32, #tpu.memory_space<hbm>> -> memref<1x50x66xf32, #tpu.memory_space<hbm>>
      %dma_start3A_601 = tpu.memref_squeeze %dma_start3A_600 : memref<1x50x66xf32, #tpu.memory_space<hbm>> -> memref<50x66xf32, #tpu.memory_space<hbm>>
      %dma_start3A_602 = arith.constant 0 : i32
      %dma_start3A_603 = arith.constant 0 : i32
      %dma_start3A_604 = tpu.memref_slice %arg3[%add3A_594, %dma_start3A_602, %dma_start3A_603] : memref<4096x50x66xf32, #tpu.memory_space<hbm>> -> memref<1x50x66xf32, #tpu.memory_space<hbm>>
      %dma_start3A_605 = tpu.memref_squeeze %dma_start3A_604 : memref<1x50x66xf32, #tpu.memory_space<hbm>> -> memref<50x66xf32, #tpu.memory_space<hbm>>
      %dma_start3A_606 = arith.constant 0 : i32
      %dma_start3A_607 = arith.constant 0 : i32
      %dma_start3A_608 = tpu.memref_slice %arg7[%dma_start3A_606, %dma_start3A_607] : memref<200x66xf32, #tpu.memory_space<vmem>> -> memref<50x66xf32, #tpu.memory_space<vmem>>
      tpu.enqueue_dma source(%dma_start3A_608 : memref<50x66xf32, #tpu.memory_space<vmem>>) target(%dma_start3A_605 : memref<50x66xf32, #tpu.memory_space<hbm>>) target_semaphore(%arg11 : memref<!tpu.dma_semaphore, #tpu.memory_space<semaphore_mem>>)
      %add3A_609 = arith.constant 1 : i32
      %add3A_610 = arith.addi %add3A_592, %add3A_609 : i32
      %dma_start3A_611 = arith.constant 50 : i32
      %dma_start3A_612 = arith.constant 0 : i32
      %dma_start3A_613 = tpu.memref_slice %arg7[%dma_start3A_611, %dma_start3A_612] : memref<200x66xf32, #tpu.memory_space<vmem>> -> memref<50x66xf32, #tpu.memory_space<vmem>>
      %dma_start3A_614 = arith.constant 0 : i32
      %dma_start3A_615 = arith.constant 0 : i32
      %dma_start3A_616 = tpu.memref_slice %arg3[%add3A_610, %dma_start3A_614, %dma_start3A_615] : memref<4096x50x66xf32, #tpu.memory_space<hbm>> -> memref<1x50x66xf32, #tpu.memory_space<hbm>>
      %dma_start3A_617 = tpu.memref_squeeze %dma_start3A_616 : memref<1x50x66xf32, #tpu.memory_space<hbm>> -> memref<50x66xf32, #tpu.memory_space<hbm>>
      %dma_start3A_618 = arith.constant 0 : i32
      %dma_start3A_619 = arith.constant 0 : i32
      %dma_start3A_620 = tpu.memref_slice %arg3[%add3A_610, %dma_start3A_618, %dma_start3A_619] : memref<4096x50x66xf32, #tpu.memory_space<hbm>> -> memref<1x50x66xf32, #tpu.memory_space<hbm>>
      %dma_start3A_621 = tpu.memref_squeeze %dma_start3A_620 : memref<1x50x66xf32, #tpu.memory_space<hbm>> -> memref<50x66xf32, #tpu.memory_space<hbm>>
      %dma_start3A_622 = arith.constant 50 : i32
      %dma_start3A_623 = arith.constant 0 : i32
      %dma_start3A_624 = tpu.memref_slice %arg7[%dma_start3A_622, %dma_start3A_623] : memref<200x66xf32, #tpu.memory_space<vmem>> -> memref<50x66xf32, #tpu.memory_space<vmem>>
      tpu.enqueue_dma source(%dma_start3A_624 : memref<50x66xf32, #tpu.memory_space<vmem>>) target(%dma_start3A_621 : memref<50x66xf32, #tpu.memory_space<hbm>>) target_semaphore(%arg11 : memref<!tpu.dma_semaphore, #tpu.memory_space<semaphore_mem>>)
      %add3A_625 = arith.constant 2 : i32
      %add3A_626 = arith.addi %add3A_592, %add3A_625 : i32
      %dma_start3A_627 = arith.constant 100 : i32
      %dma_start3A_628 = arith.constant 0 : i32
      %dma_start3A_629 = tpu.memref_slice %arg7[%dma_start3A_627, %dma_start3A_628] : memref<200x66xf32, #tpu.memory_space<vmem>> -> memref<50x66xf32, #tpu.memory_space<vmem>>
      %dma_start3A_630 = arith.constant 0 : i32
      %dma_start3A_631 = arith.constant 0 : i32
      %dma_start3A_632 = tpu.memref_slice %arg3[%add3A_626, %dma_start3A_630, %dma_start3A_631] : memref<4096x50x66xf32, #tpu.memory_space<hbm>> -> memref<1x50x66xf32, #tpu.memory_space<hbm>>
      %dma_start3A_633 = tpu.memref_squeeze %dma_start3A_632 : memref<1x50x66xf32, #tpu.memory_space<hbm>> -> memref<50x66xf32, #tpu.memory_space<hbm>>
      %dma_start3A_634 = arith.constant 0 : i32
      %dma_start3A_635 = arith.constant 0 : i32
      %dma_start3A_636 = tpu.memref_slice %arg3[%add3A_626, %dma_start3A_634, %dma_start3A_635] : memref<4096x50x66xf32, #tpu.memory_space<hbm>> -> memref<1x50x66xf32, #tpu.memory_space<hbm>>
      %dma_start3A_637 = tpu.memref_squeeze %dma_start3A_636 : memref<1x50x66xf32, #tpu.memory_space<hbm>> -> memref<50x66xf32, #tpu.memory_space<hbm>>
      %dma_start3A_638 = arith.constant 100 : i32
      %dma_start3A_639 = arith.constant 0 : i32
      %dma_start3A_640 = tpu.memref_slice %arg7[%dma_start3A_638, %dma_start3A_639] : memref<200x66xf32, #tpu.memory_space<vmem>> -> memref<50x66xf32, #tpu.memory_space<vmem>>
      tpu.enqueue_dma source(%dma_start3A_640 : memref<50x66xf32, #tpu.memory_space<vmem>>) target(%dma_start3A_637 : memref<50x66xf32, #tpu.memory_space<hbm>>) target_semaphore(%arg11 : memref<!tpu.dma_semaphore, #tpu.memory_space<semaphore_mem>>)
      %add3A_641 = arith.constant 3 : i32
      %add3A_642 = arith.addi %add3A_592, %add3A_641 : i32
      %dma_start3A_643 = arith.constant 150 : i32
      %dma_start3A_644 = arith.constant 0 : i32
      %dma_start3A_645 = tpu.memref_slice %arg7[%dma_start3A_643, %dma_start3A_644] : memref<200x66xf32, #tpu.memory_space<vmem>> -> memref<50x66xf32, #tpu.memory_space<vmem>>
      %dma_start3A_646 = arith.constant 0 : i32
      %dma_start3A_647 = arith.constant 0 : i32
      %dma_start3A_648 = tpu.memref_slice %arg3[%add3A_642, %dma_start3A_646, %dma_start3A_647] : memref<4096x50x66xf32, #tpu.memory_space<hbm>> -> memref<1x50x66xf32, #tpu.memory_space<hbm>>
      %dma_start3A_649 = tpu.memref_squeeze %dma_start3A_648 : memref<1x50x66xf32, #tpu.memory_space<hbm>> -> memref<50x66xf32, #tpu.memory_space<hbm>>
      %dma_start3A_650 = arith.constant 0 : i32
      %dma_start3A_651 = arith.constant 0 : i32
      %dma_start3A_652 = tpu.memref_slice %arg3[%add3A_642, %dma_start3A_650, %dma_start3A_651] : memref<4096x50x66xf32, #tpu.memory_space<hbm>> -> memref<1x50x66xf32, #tpu.memory_space<hbm>>
      %dma_start3A_653 = tpu.memref_squeeze %dma_start3A_652 : memref<1x50x66xf32, #tpu.memory_space<hbm>> -> memref<50x66xf32, #tpu.memory_space<hbm>>
      %dma_start3A_654 = arith.constant 150 : i32
      %dma_start3A_655 = arith.constant 0 : i32
      %dma_start3A_656 = tpu.memref_slice %arg7[%dma_start3A_654, %dma_start3A_655] : memref<200x66xf32, #tpu.memory_space<vmem>> -> memref<50x66xf32, #tpu.memory_space<vmem>>
      tpu.enqueue_dma source(%dma_start3A_656 : memref<50x66xf32, #tpu.memory_space<vmem>>) target(%dma_start3A_653 : memref<50x66xf32, #tpu.memory_space<hbm>>) target_semaphore(%arg11 : memref<!tpu.dma_semaphore, #tpu.memory_space<semaphore_mem>>)
    }
    %scan3A_155 = arith.constant 16 : i32
    %add3A_156 = arith.constant 120 : i32
    %add3A_157 = arith.addi %mul3A_2, %add3A_156 : i32
    %add3A_158 = arith.constant 0 : i32
    %add3A_159 = arith.addi %add3A_157, %add3A_158 : i32
    %dma_wait3A = arith.constant 0 : i32
    %dma_wait3A_160 = arith.constant 0 : i32
    %dma_wait3A_161 = tpu.memref_slice %arg6[%dma_wait3A, %dma_wait3A_160] : memref<200x66xf32, #tpu.memory_space<vmem>> -> memref<50x66xf32, #tpu.memory_space<vmem>>
    %dma_wait3A_162 = arith.constant 0 : i32
    %dma_wait3A_163 = arith.constant 0 : i32
    %dma_wait3A_164 = tpu.memref_slice %arg3[%add3A_159, %dma_wait3A_162, %dma_wait3A_163] : memref<4096x50x66xf32, #tpu.memory_space<hbm>> -> memref<1x50x66xf32, #tpu.memory_space<hbm>>
    %dma_wait3A_165 = tpu.memref_squeeze %dma_wait3A_164 : memref<1x50x66xf32, #tpu.memory_space<hbm>> -> memref<50x66xf32, #tpu.memory_space<hbm>>
    %dma_wait3A_166 = arith.constant 0 : i32
    %dma_wait3A_167 = arith.constant 0 : i32
    %dma_wait3A_168 = tpu.memref_slice %arg3[%add3A_159, %dma_wait3A_166, %dma_wait3A_167] : memref<4096x50x66xf32, #tpu.memory_space<hbm>> -> memref<1x50x66xf32, #tpu.memory_space<hbm>>
    %dma_wait3A_169 = tpu.memref_squeeze %dma_wait3A_168 : memref<1x50x66xf32, #tpu.memory_space<hbm>> -> memref<50x66xf32, #tpu.memory_space<hbm>>
    %dma_wait3A_170 = arith.constant 0 : i32
    %dma_wait3A_171 = arith.constant 0 : i32
    %dma_wait3A_172 = tpu.memref_slice %arg6[%dma_wait3A_170, %dma_wait3A_171] : memref<200x66xf32, #tpu.memory_space<vmem>> -> memref<50x66xf32, #tpu.memory_space<vmem>>
    tpu.wait_dma2 semaphore(%arg10 : memref<!tpu.dma_semaphore, #tpu.memory_space<semaphore_mem>>) src(%dma_wait3A_172 : memref<50x66xf32, #tpu.memory_space<vmem>>) dst(%dma_wait3A_169 : memref<50x66xf32, #tpu.memory_space<hbm>>)
    %add3A_173 = arith.constant 1 : i32
    %add3A_174 = arith.addi %add3A_157, %add3A_173 : i32
    %dma_wait3A_175 = arith.constant 50 : i32
    %dma_wait3A_176 = arith.constant 0 : i32
    %dma_wait3A_177 = tpu.memref_slice %arg6[%dma_wait3A_175, %dma_wait3A_176] : memref<200x66xf32, #tpu.memory_space<vmem>> -> memref<50x66xf32, #tpu.memory_space<vmem>>
    %dma_wait3A_178 = arith.constant 0 : i32
    %dma_wait3A_179 = arith.constant 0 : i32
    %dma_wait3A_180 = tpu.memref_slice %arg3[%add3A_174, %dma_wait3A_178, %dma_wait3A_179] : memref<4096x50x66xf32, #tpu.memory_space<hbm>> -> memref<1x50x66xf32, #tpu.memory_space<hbm>>
    %dma_wait3A_181 = tpu.memref_squeeze %dma_wait3A_180 : memref<1x50x66xf32, #tpu.memory_space<hbm>> -> memref<50x66xf32, #tpu.memory_space<hbm>>
    %dma_wait3A_182 = arith.constant 0 : i32
    %dma_wait3A_183 = arith.constant 0 : i32
    %dma_wait3A_184 = tpu.memref_slice %arg3[%add3A_174, %dma_wait3A_182, %dma_wait3A_183] : memref<4096x50x66xf32, #tpu.memory_space<hbm>> -> memref<1x50x66xf32, #tpu.memory_space<hbm>>
    %dma_wait3A_185 = tpu.memref_squeeze %dma_wait3A_184 : memref<1x50x66xf32, #tpu.memory_space<hbm>> -> memref<50x66xf32, #tpu.memory_space<hbm>>
    %dma_wait3A_186 = arith.constant 50 : i32
    %dma_wait3A_187 = arith.constant 0 : i32
    %dma_wait3A_188 = tpu.memref_slice %arg6[%dma_wait3A_186, %dma_wait3A_187] : memref<200x66xf32, #tpu.memory_space<vmem>> -> memref<50x66xf32, #tpu.memory_space<vmem>>
    tpu.wait_dma2 semaphore(%arg10 : memref<!tpu.dma_semaphore, #tpu.memory_space<semaphore_mem>>) src(%dma_wait3A_188 : memref<50x66xf32, #tpu.memory_space<vmem>>) dst(%dma_wait3A_185 : memref<50x66xf32, #tpu.memory_space<hbm>>)
    %add3A_189 = arith.constant 2 : i32
    %add3A_190 = arith.addi %add3A_157, %add3A_189 : i32
    %dma_wait3A_191 = arith.constant 100 : i32
    %dma_wait3A_192 = arith.constant 0 : i32
    %dma_wait3A_193 = tpu.memref_slice %arg6[%dma_wait3A_191, %dma_wait3A_192] : memref<200x66xf32, #tpu.memory_space<vmem>> -> memref<50x66xf32, #tpu.memory_space<vmem>>
    %dma_wait3A_194 = arith.constant 0 : i32
    %dma_wait3A_195 = arith.constant 0 : i32
    %dma_wait3A_196 = tpu.memref_slice %arg3[%add3A_190, %dma_wait3A_194, %dma_wait3A_195] : memref<4096x50x66xf32, #tpu.memory_space<hbm>> -> memref<1x50x66xf32, #tpu.memory_space<hbm>>
    %dma_wait3A_197 = tpu.memref_squeeze %dma_wait3A_196 : memref<1x50x66xf32, #tpu.memory_space<hbm>> -> memref<50x66xf32, #tpu.memory_space<hbm>>
    %dma_wait3A_198 = arith.constant 0 : i32
    %dma_wait3A_199 = arith.constant 0 : i32
    %dma_wait3A_200 = tpu.memref_slice %arg3[%add3A_190, %dma_wait3A_198, %dma_wait3A_199] : memref<4096x50x66xf32, #tpu.memory_space<hbm>> -> memref<1x50x66xf32, #tpu.memory_space<hbm>>
    %dma_wait3A_201 = tpu.memref_squeeze %dma_wait3A_200 : memref<1x50x66xf32, #tpu.memory_space<hbm>> -> memref<50x66xf32, #tpu.memory_space<hbm>>
    %dma_wait3A_202 = arith.constant 100 : i32
    %dma_wait3A_203 = arith.constant 0 : i32
    %dma_wait3A_204 = tpu.memref_slice %arg6[%dma_wait3A_202, %dma_wait3A_203] : memref<200x66xf32, #tpu.memory_space<vmem>> -> memref<50x66xf32, #tpu.memory_space<vmem>>
    tpu.wait_dma2 semaphore(%arg10 : memref<!tpu.dma_semaphore, #tpu.memory_space<semaphore_mem>>) src(%dma_wait3A_204 : memref<50x66xf32, #tpu.memory_space<vmem>>) dst(%dma_wait3A_201 : memref<50x66xf32, #tpu.memory_space<hbm>>)
    %add3A_205 = arith.constant 3 : i32
    %add3A_206 = arith.addi %add3A_157, %add3A_205 : i32
    %dma_wait3A_207 = arith.constant 150 : i32
    %dma_wait3A_208 = arith.constant 0 : i32
    %dma_wait3A_209 = tpu.memref_slice %arg6[%dma_wait3A_207, %dma_wait3A_208] : memref<200x66xf32, #tpu.memory_space<vmem>> -> memref<50x66xf32, #tpu.memory_space<vmem>>
    %dma_wait3A_210 = arith.constant 0 : i32
    %dma_wait3A_211 = arith.constant 0 : i32
    %dma_wait3A_212 = tpu.memref_slice %arg3[%add3A_206, %dma_wait3A_210, %dma_wait3A_211] : memref<4096x50x66xf32, #tpu.memory_space<hbm>> -> memref<1x50x66xf32, #tpu.memory_space<hbm>>
    %dma_wait3A_213 = tpu.memref_squeeze %dma_wait3A_212 : memref<1x50x66xf32, #tpu.memory_space<hbm>> -> memref<50x66xf32, #tpu.memory_space<hbm>>
    %dma_wait3A_214 = arith.constant 0 : i32
    %dma_wait3A_215 = arith.constant 0 : i32
    %dma_wait3A_216 = tpu.memref_slice %arg3[%add3A_206, %dma_wait3A_214, %dma_wait3A_215] : memref<4096x50x66xf32, #tpu.memory_space<hbm>> -> memref<1x50x66xf32, #tpu.memory_space<hbm>>
    %dma_wait3A_217 = tpu.memref_squeeze %dma_wait3A_216 : memref<1x50x66xf32, #tpu.memory_space<hbm>> -> memref<50x66xf32, #tpu.memory_space<hbm>>
    %dma_wait3A_218 = arith.constant 150 : i32
    %dma_wait3A_219 = arith.constant 0 : i32
    %dma_wait3A_220 = tpu.memref_slice %arg6[%dma_wait3A_218, %dma_wait3A_219] : memref<200x66xf32, #tpu.memory_space<vmem>> -> memref<50x66xf32, #tpu.memory_space<vmem>>
    tpu.wait_dma2 semaphore(%arg10 : memref<!tpu.dma_semaphore, #tpu.memory_space<semaphore_mem>>) src(%dma_wait3A_220 : memref<50x66xf32, #tpu.memory_space<vmem>>) dst(%dma_wait3A_217 : memref<50x66xf32, #tpu.memory_space<hbm>>)
    %add3A_221 = arith.constant 124 : i32
    %add3A_222 = arith.addi %mul3A_2, %add3A_221 : i32
    %add3A_223 = arith.constant 0 : i32
    %add3A_224 = arith.addi %add3A_222, %add3A_223 : i32
    %dma_wait3A_225 = arith.constant 0 : i32
    %dma_wait3A_226 = arith.constant 0 : i32
    %dma_wait3A_227 = tpu.memref_slice %arg7[%dma_wait3A_225, %dma_wait3A_226] : memref<200x66xf32, #tpu.memory_space<vmem>> -> memref<50x66xf32, #tpu.memory_space<vmem>>
    %dma_wait3A_228 = arith.constant 0 : i32
    %dma_wait3A_229 = arith.constant 0 : i32
    %dma_wait3A_230 = tpu.memref_slice %arg3[%add3A_224, %dma_wait3A_228, %dma_wait3A_229] : memref<4096x50x66xf32, #tpu.memory_space<hbm>> -> memref<1x50x66xf32, #tpu.memory_space<hbm>>
    %dma_wait3A_231 = tpu.memref_squeeze %dma_wait3A_230 : memref<1x50x66xf32, #tpu.memory_space<hbm>> -> memref<50x66xf32, #tpu.memory_space<hbm>>
    %dma_wait3A_232 = arith.constant 0 : i32
    %dma_wait3A_233 = arith.constant 0 : i32
    %dma_wait3A_234 = tpu.memref_slice %arg3[%add3A_224, %dma_wait3A_232, %dma_wait3A_233] : memref<4096x50x66xf32, #tpu.memory_space<hbm>> -> memref<1x50x66xf32, #tpu.memory_space<hbm>>
    %dma_wait3A_235 = tpu.memref_squeeze %dma_wait3A_234 : memref<1x50x66xf32, #tpu.memory_space<hbm>> -> memref<50x66xf32, #tpu.memory_space<hbm>>
    %dma_wait3A_236 = arith.constant 0 : i32
    %dma_wait3A_237 = arith.constant 0 : i32
    %dma_wait3A_238 = tpu.memref_slice %arg7[%dma_wait3A_236, %dma_wait3A_237] : memref<200x66xf32, #tpu.memory_space<vmem>> -> memref<50x66xf32, #tpu.memory_space<vmem>>
    tpu.wait_dma2 semaphore(%arg11 : memref<!tpu.dma_semaphore, #tpu.memory_space<semaphore_mem>>) src(%dma_wait3A_238 : memref<50x66xf32, #tpu.memory_space<vmem>>) dst(%dma_wait3A_235 : memref<50x66xf32, #tpu.memory_space<hbm>>)
    %add3A_239 = arith.constant 1 : i32
    %add3A_240 = arith.addi %add3A_222, %add3A_239 : i32
    %dma_wait3A_241 = arith.constant 50 : i32
    %dma_wait3A_242 = arith.constant 0 : i32
    %dma_wait3A_243 = tpu.memref_slice %arg7[%dma_wait3A_241, %dma_wait3A_242] : memref<200x66xf32, #tpu.memory_space<vmem>> -> memref<50x66xf32, #tpu.memory_space<vmem>>
    %dma_wait3A_244 = arith.constant 0 : i32
    %dma_wait3A_245 = arith.constant 0 : i32
    %dma_wait3A_246 = tpu.memref_slice %arg3[%add3A_240, %dma_wait3A_244, %dma_wait3A_245] : memref<4096x50x66xf32, #tpu.memory_space<hbm>> -> memref<1x50x66xf32, #tpu.memory_space<hbm>>
    %dma_wait3A_247 = tpu.memref_squeeze %dma_wait3A_246 : memref<1x50x66xf32, #tpu.memory_space<hbm>> -> memref<50x66xf32, #tpu.memory_space<hbm>>
    %dma_wait3A_248 = arith.constant 0 : i32
    %dma_wait3A_249 = arith.constant 0 : i32
    %dma_wait3A_250 = tpu.memref_slice %arg3[%add3A_240, %dma_wait3A_248, %dma_wait3A_249] : memref<4096x50x66xf32, #tpu.memory_space<hbm>> -> memref<1x50x66xf32, #tpu.memory_space<hbm>>
    %dma_wait3A_251 = tpu.memref_squeeze %dma_wait3A_250 : memref<1x50x66xf32, #tpu.memory_space<hbm>> -> memref<50x66xf32, #tpu.memory_space<hbm>>
    %dma_wait3A_252 = arith.constant 50 : i32
    %dma_wait3A_253 = arith.constant 0 : i32
    %dma_wait3A_254 = tpu.memref_slice %arg7[%dma_wait3A_252, %dma_wait3A_253] : memref<200x66xf32, #tpu.memory_space<vmem>> -> memref<50x66xf32, #tpu.memory_space<vmem>>
    tpu.wait_dma2 semaphore(%arg11 : memref<!tpu.dma_semaphore, #tpu.memory_space<semaphore_mem>>) src(%dma_wait3A_254 : memref<50x66xf32, #tpu.memory_space<vmem>>) dst(%dma_wait3A_251 : memref<50x66xf32, #tpu.memory_space<hbm>>)
    %add3A_255 = arith.constant 2 : i32
    %add3A_256 = arith.addi %add3A_222, %add3A_255 : i32
    %dma_wait3A_257 = arith.constant 100 : i32
    %dma_wait3A_258 = arith.constant 0 : i32
    %dma_wait3A_259 = tpu.memref_slice %arg7[%dma_wait3A_257, %dma_wait3A_258] : memref<200x66xf32, #tpu.memory_space<vmem>> -> memref<50x66xf32, #tpu.memory_space<vmem>>
    %dma_wait3A_260 = arith.constant 0 : i32
    %dma_wait3A_261 = arith.constant 0 : i32
    %dma_wait3A_262 = tpu.memref_slice %arg3[%add3A_256, %dma_wait3A_260, %dma_wait3A_261] : memref<4096x50x66xf32, #tpu.memory_space<hbm>> -> memref<1x50x66xf32, #tpu.memory_space<hbm>>
    %dma_wait3A_263 = tpu.memref_squeeze %dma_wait3A_262 : memref<1x50x66xf32, #tpu.memory_space<hbm>> -> memref<50x66xf32, #tpu.memory_space<hbm>>
    %dma_wait3A_264 = arith.constant 0 : i32
    %dma_wait3A_265 = arith.constant 0 : i32
    %dma_wait3A_266 = tpu.memref_slice %arg3[%add3A_256, %dma_wait3A_264, %dma_wait3A_265] : memref<4096x50x66xf32, #tpu.memory_space<hbm>> -> memref<1x50x66xf32, #tpu.memory_space<hbm>>
    %dma_wait3A_267 = tpu.memref_squeeze %dma_wait3A_266 : memref<1x50x66xf32, #tpu.memory_space<hbm>> -> memref<50x66xf32, #tpu.memory_space<hbm>>
    %dma_wait3A_268 = arith.constant 100 : i32
    %dma_wait3A_269 = arith.constant 0 : i32
    %dma_wait3A_270 = tpu.memref_slice %arg7[%dma_wait3A_268, %dma_wait3A_269] : memref<200x66xf32, #tpu.memory_space<vmem>> -> memref<50x66xf32, #tpu.memory_space<vmem>>
    tpu.wait_dma2 semaphore(%arg11 : memref<!tpu.dma_semaphore, #tpu.memory_space<semaphore_mem>>) src(%dma_wait3A_270 : memref<50x66xf32, #tpu.memory_space<vmem>>) dst(%dma_wait3A_267 : memref<50x66xf32, #tpu.memory_space<hbm>>)
    %add3A_271 = arith.constant 3 : i32
    %add3A_272 = arith.addi %add3A_222, %add3A_271 : i32
    %dma_wait3A_273 = arith.constant 150 : i32
    %dma_wait3A_274 = arith.constant 0 : i32
    %dma_wait3A_275 = tpu.memref_slice %arg7[%dma_wait3A_273, %dma_wait3A_274] : memref<200x66xf32, #tpu.memory_space<vmem>> -> memref<50x66xf32, #tpu.memory_space<vmem>>
    %dma_wait3A_276 = arith.constant 0 : i32
    %dma_wait3A_277 = arith.constant 0 : i32
    %dma_wait3A_278 = tpu.memref_slice %arg3[%add3A_272, %dma_wait3A_276, %dma_wait3A_277] : memref<4096x50x66xf32, #tpu.memory_space<hbm>> -> memref<1x50x66xf32, #tpu.memory_space<hbm>>
    %dma_wait3A_279 = tpu.memref_squeeze %dma_wait3A_278 : memref<1x50x66xf32, #tpu.memory_space<hbm>> -> memref<50x66xf32, #tpu.memory_space<hbm>>
    %dma_wait3A_280 = arith.constant 0 : i32
    %dma_wait3A_281 = arith.constant 0 : i32
    %dma_wait3A_282 = tpu.memref_slice %arg3[%add3A_272, %dma_wait3A_280, %dma_wait3A_281] : memref<4096x50x66xf32, #tpu.memory_space<hbm>> -> memref<1x50x66xf32, #tpu.memory_space<hbm>>
    %dma_wait3A_283 = tpu.memref_squeeze %dma_wait3A_282 : memref<1x50x66xf32, #tpu.memory_space<hbm>> -> memref<50x66xf32, #tpu.memory_space<hbm>>
    %dma_wait3A_284 = arith.constant 150 : i32
    %dma_wait3A_285 = arith.constant 0 : i32
    %dma_wait3A_286 = tpu.memref_slice %arg7[%dma_wait3A_284, %dma_wait3A_285] : memref<200x66xf32, #tpu.memory_space<vmem>> -> memref<50x66xf32, #tpu.memory_space<vmem>>
    tpu.wait_dma2 semaphore(%arg11 : memref<!tpu.dma_semaphore, #tpu.memory_space<semaphore_mem>>) src(%dma_wait3A_286 : memref<50x66xf32, #tpu.memory_space<vmem>>) dst(%dma_wait3A_283 : memref<50x66xf32, #tpu.memory_space<hbm>>)
    return
  }
}

</mosaic_0001>

<sc_bundles>
// kernel: kernel.3.cloned.1.call-start
scs
__scs_entry_jumppad:
0x0: {  	(pc) =	sbr.rel $0x88, $3  }
0x1: {  	(tag) =	ssettag $0x0;
	lr =	simm.s32 $0x1  }
0x2: {  	[smem:$0x3FA0] =	sst lr;
	_ =	strace $0xD0000000  }
0x3: {  	_ = 	snop  }
0x4: {  	_ = 	snop  }
0x5: {  	_ = 	snop  }
0x6: {  	_ = 	snop  }
0x7: {  	_ = 	snop  }
__scs_overlays_trampoline_lowered:
0x8: {  	[smem:$0x3FAF] =	sst s0  }
0x9: {  	[smem:$0x3FB0] =	sst s1  }
0xa: {  	[smem:$0x3FB1] =	sst s2  }
0xb: {  	[smem:$0x3FB2] =	sst s3  }
0xc: {  	[smem:$0x3FB3] =	sst s4  }
0xd: {  	[smem:$0x3FB4] =	sst s5  }
0xe: {  	[smem:$0x3FB5] =	sst s6  }
0xf: {  	[smem:$0x3FB6] =	sst s7  }
0x10: {  	[smem:$0x3FB7] =	sst s8  }
0x11: {  	[smem:$0x3FB8] =	sst s9;
	s0 =	simm.s32 @!p0 $0x0  }
0x12: {  	s1 =	sld [smem:$0x3F9E];
	s0 =	simm.s32 @p0 $0x1  }
0x13: {  	[smem:$0x3FB9] =	sst s0;
	s0 =	simm.s32 @!p1 $0x0  }
0x14: {  	s2 =	sld [smem:$0x3F9D];
	s0 =	simm.s32 @p1 $0x1  }
0x15: {  	[smem:$0x3FBA] =	sst s0;
	s0 =	simm.s32 @!p2 $0x0  }
0x16: {  	s3 =	sld [smem:$0x3FDB];
	s0 =	simm.s32 @p2 $0x1  }
0x17: {  	s4 =	simm.s32 $0x1BF5;
	[smem:$0x3FBC] =	sst s0  }
0x18: {  	s0 =	sld [smem:$0x3F9F];
	_ =	swait.ge [sflag:s4], $0x0  }
0x19: {  	s7 =	sld [smem:$0x3FA0]  }
0x1a: {  	s8 =	sadd.s32 $0xFFFFE003, lr  }
0x1b: {  	s9 =	sadd.s32 $0xFFFFFEF7, lr;
	s5 =	simm.s32 $0xFFFFFFFF;
	p2 =	slt.u32 s8, $0xFFFFF086  }
0x1c: {  	p1 =	slt.u32 s9, $0xF7A;
	s5 =	simm.s32 @!p2 $0x0  }
0x1d: {  	s5 =	simm.s32 @p1 $0x1;
	p0 =	seq.s32 s7, s2  }
0x1e: {  	s7 =	smul.u32 @!p0 $0xF7A, s2;
	p2 =	seq.s32 @!p0 s5, $0x0  }
0x1f: {  	s9 =	smul.u32 $0xF7A, s1;
	s8 =	simm.s32 @!p0 $0x1BF5;
	p2 =	por !p2, p0  }
0x20: {  	[sflag:s8] =	ssyncset.s32 @!p0 $0xFFFFF086;
	s6 =	sadd.s32 @!p0 s3, s7;
	s7 =	simm.s32 @!p0 $0x108  }
0x21: {  	s3 =	sadd.s32 s3, s9;
	s6 =	sadd.s32 @!p0 $0x88, s6;
	s7 =	simm.s32 @p2 $0x1082  }
0x22: {  	[simem:s7], [sflag:s8] =	dma.local @!p0 [hbm:s6], $0xF7A  }
0x23: {  	s9 =	sor.u32 $0xD0000000, s2;
	s6 =	simm.s32 $0x108;
	_ =	swait.ge @!p0 [sflag:s8], $0x0  }
0x24: {  	s3 =	sadd.s32 $0x88, s3;
	s6 =	simm.s32 @!p1 $0x1082;
	[sflag:s4] =	ssyncset.s32 $0xFFFFF086  }
0x25: {  	[simem:s6], [sflag:s4] =	dma.local [hbm:s3], $0xF7A  }
0x26: {  	[smem:$0x3FA0] =	sst s1;
	(tag) =	ssettag s2;
	_ =	strace s9  }
0x27: {  	s1 =	sld [smem:$0x3FB0]  }
0x28: {  	s2 =	sld [smem:$0x3FB1]  }
0x29: {  	s4 =	sld [smem:$0x3FB3]  }
0x2a: {  	p0 =	seq.s32 s5, $0x0;
	s5 =	sld [smem:$0x3FB4]  }
0x2b: {  	s6 =	sld [smem:$0x3FB5]  }
0x2c: {  	s7 =	sld [smem:$0x3FB6]  }
0x2d: {  	s3 =	simm.s32 $0x108;
	s8 =	sld [smem:$0x3FB7]  }
0x2e: {  	s3 =	simm.s32 @!p0 $0x1082;
	s9 =	sld [smem:$0x3FB8]  }
0x2f: {  	lr =	sadd.s32 s0, s3;
	s0 =	sld [smem:$0x3FAF]  }
0x30: {  	s3 =	sld [smem:$0x3FB2]  }
0x31: {  	[smem:$0x3FBB] =	sst s10  }
0x32: {  	s10 =	sld [smem:$0x3FB9];
	_ =	sdelay $0x3  }
0x33: {  	p0 =	seq.s32 s10, $0x1;
	s10 =	sld [smem:$0x3FBB];
	_ =	sdelay $0x3  }
0x34: {  	[smem:$0x3FBB] =	sst s10  }
0x35: {  	s10 =	sld [smem:$0x3FBA];
	_ =	sdelay $0x3  }
0x36: {  	p1 =	seq.s32 s10, $0x1;
	s10 =	sld [smem:$0x3FBB];
	_ =	sdelay $0x3  }
0x37: {  	[smem:$0x3FBB] =	sst s10  }
0x38: {  	s10 =	sld [smem:$0x3FBC]  }
0x39: {  	_ = 	snop;
	(pc) =	sbr.ind lr, $3  }
0x3a: {  	_ = 	snop  }
0x3b: {  	_ = 	snop  }
0x3c: {  	p2 =	seq.s32 s10, $0x1;
	s10 =	sld [smem:$0x3FBB]  }
0x3d: {  	_ =	shalt  }
0x3e: {  	_ =	shalt  }
0x3f: {  	_ =	shalt  }
0x40: {  	_ =	shalt  }
0x41: {  	_ =	shalt  }
0x42: {  	_ =	shalt  }
0x43: {  	_ =	shalt  }
0x44: {  	_ =	shalt  }
0x45: {  	_ =	shalt  }
0x46: {  	_ =	shalt  }
0x47: {  	_ =	shalt  }
0x48: {  	_ =	shalt  }
0x49: {  	_ =	shalt  }
0x4a: {  	_ =	shalt  }
0x4b: {  	_ =	shalt  }
0x4c: {  	_ =	shalt  }
0x4d: {  	_ =	shalt  }
0x4e: {  	_ =	shalt  }
0x4f: {  	_ =	shalt  }
0x50: {  	_ =	shalt  }
0x51: {  	_ =	shalt  }
0x52: {  	_ =	shalt  }
0x53: {  	_ =	shalt  }
0x54: {  	_ =	shalt  }
0x55: {  	_ =	shalt  }
0x56: {  	_ =	shalt  }
0x57: {  	_ =	shalt  }
0x58: {  	_ =	shalt  }
0x59: {  	_ =	shalt  }
0x5a: {  	_ =	shalt  }
0x5b: {  	_ =	shalt  }
0x5c: {  	_ =	shalt  }
0x5d: {  	_ =	shalt  }
0x5e: {  	_ =	shalt  }
0x5f: {  	_ =	shalt  }
0x60: {  	_ =	shalt  }
0x61: {  	_ =	shalt  }
0x62: {  	_ =	shalt  }
0x63: {  	_ =	shalt  }
0x64: {  	_ =	shalt  }
0x65: {  	_ =	shalt  }
0x66: {  	_ =	shalt  }
0x67: {  	_ =	shalt  }
0x68: {  	_ =	shalt  }
0x69: {  	_ =	shalt  }
0x6a: {  	_ =	shalt  }
0x6b: {  	_ =	shalt  }
0x6c: {  	_ =	shalt  }
0x6d: {  	_ =	shalt  }
0x6e: {  	_ =	shalt  }
0x6f: {  	_ =	shalt  }
0x70: {  	_ =	shalt  }
0x71: {  	_ =	shalt  }
0x72: {  	_ =	shalt  }
0x73: {  	_ =	shalt  }
0x74: {  	_ =	shalt  }
0x75: {  	_ =	shalt  }
0x76: {  	_ =	shalt  }
0x77: {  	_ =	shalt  }
0x78: {  	_ =	shalt  }
0x79: {  	_ =	shalt  }
0x7a: {  	_ =	shalt  }
0x7b: {  	_ =	shalt  }
0x7c: {  	_ =	shalt  }
0x7d: {  	_ =	shalt  }
0x7e: {  	_ =	shalt  }
0x7f: {  	_ =	shalt  }
0x80: {  	_ =	shalt  }
0x81: {  	_ =	shalt  }
0x82: {  	_ =	shalt  }
0x83: {  	_ =	shalt  }
0x84: {  	_ =	shalt  }
0x85: {  	_ =	shalt  }
0x86: {  	_ =	shalt  }
0x87: {  	_ =	shalt  }
.Lfunc_end0:
.L_simem_size_0:
called_computation_lowered:
.L_overlay_start_0:
0x88: {  	s2 =	sld [smem:$0x3FD9]  }
0x89: {  	s3 =	sld [smem:$0x3FFE];
	_ =	sdelay $0x1  }
0x8a: {  	s1 =	srdreg.scid  }
0x8b: {  	s0 =	sand.u32 $0x1, s1  }
0x8c: {  	s16 =	sshll.u32 s0, $0xA;
	s2 =	sadd.s32 s3, s2  }
0x8d: {  	s2 =	sadd.s32 s2, s16  }
0x8e: {  	[smem:$0x3FC7] =	sst s2  }
0x8f: {  	_ = 	snop  }
0x90: {  	(tm) =	ssettm $0x1  }
0x91: {  	s17 =	sld [smem:$0x3FFB];
	_ =	sdelay $0x3  }
0x92: {  	_ =	strace s17  }
0x93: {  	s2 =	sld [smem:$0x3FFC];
	_ =	sdelay $0x3  }
0x94: {  	_ =	strace s2  }
0x95: {  	s2 =	sld [smem:$0x3FFD];
	_ =	sdelay $0x3  }
0x96: {  	_ =	strace s2  }
0x97: {  	_ =	strace $0x8FFFFFFF  }
0x98: {  	s18 =	sld [smem:$0x3FDB];
	_ =	sdelay $0x1  }
0x99: {  	s19 =	simm.s32 $_scs_section_size  }
0x9a: {  	s4 =	simm.s32 $_size__tile_overlayer_lowered;
	s5 =	simm.s32 $_tile_overlayer_lowered  }
0x9b: {  	s22 =	simm.s32 $0x1BFF;
	s21 =	sshll.u32 s5, $0x1;
	s2 =	sadd.s32 s19, s18  }
0x9c: {  	s6 =	simm.s32 $0x0;
	s20 =	sshll.u32 s4, $0x1;
	s4 =	sadd.s32 s21, s2  }
0x9d: {  	[timem:s6], [sflag:s22] =	dma.local [hbm:s4], s20  }
0x9e: {  	_ =	swait.ge [sflag:s22], s20  }
0x9f: {  	s3 =	ssub.s32 $0x0, s20;
	[sflag:s22] =	ssyncset.done $0x0  }
0xa0: {  	[sflag:s22] =	ssyncadd.s32 s3;
	_ =	sdelay $0x1  }
0xa1: {  	s23 =	simm.s32 $0x1B8B  }
0xa2: {  	_ =	swait.ge [sflag:s23], $0x1  }
0xa3: {  	[sflag:s23] =	ssyncset.done $0x0  }
0xa4: {  	s25 =	simm.s32 $0x1B8E;
	s24 =	sld [smem:$0x3FFE];
	[sflag:s23] =	ssyncadd.s32 $0xFFFFFFFF  }
0xa5: {  	s26 =	simm.s32 $execute0_lowered;
	[smem:$0x3FD2] =	sst s25  }
0xa6: {  	s4 =	sshll.u32 s26, $0x1;
	_ =	strace $0x80000046;
	[dreg:$0x1] =	wrdreg $0xFFFFFFFF  }
0xa7: {  	s28 =	simm.s32 $_size_execute0_lowered;
	s2 =	sadd.s32 s2, s4;
	[dreg:$0x0] =	wrdreg $0x0  }
0xa8: {  	s4 =	sshll.u32 s28, $0x1;
	[dreg:$0x2] =	wrdreg s2  }
0xa9: {  	[dreg:$0x3] =	wrdreg s4  }
0xaa: {  	[dreg:$0x4] =	wrdreg $0xC0  }
0xab: {  	_ =	task [dreg:s6], $0x5FFFF  }
0xac: {  	[dreg:$0x1] =	wrdreg $0xFFFFFFFF  }
0xad: {  	[dreg:$0x0] =	wrdreg $0x60  }
0xae: {  	[dreg:$0x2] =	wrdreg s24  }
0xaf: {  	[dreg:$0x3] =	wrdreg $0x9  }
0xb0: {  	_ =	task.clear_ibuf [dreg:s6], $0x4FFFF;
	_ =	strace $0x90000046  }
0xb1: {  	s29 =	simm.s32 $0x9;
	_ =	strace $0x80000048  }
0xb2: {  	_ =	swait.ge [sflag:s29], $0x1  }
0xb3: {  	[sflag:s29] =	ssyncadd.s32 $0xFFFFFFFF  }
0xb4: {  	_ =	strace $0x90000048  }
0xb5: {  	_ =	sfence  }
0xb6: {  	s30 =	sld [smem:$0x0];
	_ =	sdelay $0x2  }
0xb7: {  	s31 =	sshll.u32 s1, $0xD;
	s1 =	sshrl.u32 s1, $0x2  }
0xb8: {  	s3 =	sand.u32 $0x4000, s31;
	s1 =	sadd.s32 s1, s30  }
0xb9: {  	s0 =	sor.u32 s3, s0;
	s1 =	sshll.u32 s1, $0x11  }
0xba: {  	s0 =	sor.u32 s1, s0  }
0xbb: {  	s0 =	sadd.s32 $0x8F2B, s0  }
0xbc: {  	[sflag:s0] =	ssyncadd.remote.s32 $0x1  }
0xbd: {  	_ =	sfence.sel $0xFFFF  }
0xbe: {  	[dreg:$0x0] =	wrdreg $0xFFFFFFFF;
	(pc) =	sbr.abs _section_cstart, $3  }
0xbf: {  	[dreg:$0x1] =	wrdreg $0xFFFFFFFF  }
0xc0: {  	_ =	task.clear_ibuf [dreg:s6], $0x2FFFF;
	_ =	strace $0x9FFFFFFF  }
0xc1: {  	(tm) =	ssettm $0x7FFFFFFF  }
tec
execute0_lowered:
.L_overlay_start_1:
0x0: {  	(tag) =	ssettag $0x1  }
0x1: {  	v0 =	vimm.s32 $0xDCBA9876;
	v1 =	vimm.s32 $0x11100F0E  }
0x2: {  	v2 =	vimm.s32 $0x18171615;
	v3 =	vimm.s32 $0x27262524;
	v4 =	vimm.s32 $0x2B2A2928  }
0x3: {  	vm0 =	vcmask $0x1F10;
	v5 =	vimm.s32 $0x41403F3B;
	v6 =	vimm.s32 $0x2F2E2D2C  }
0x4: {  	v7 =	vimm.s32 $0x36353433;
	v8 =	vimm.s32 $0x4F4E4D4C;
	v0 =	vunpack.c.l.s4.s8 v0  }
0x5: {  	s0 =	srdreg.scid;
	v9 =	vimm.s32 $0x58575352;
	v10 =	vimm.s32 $0x5C5B5A59;
	v11 =	vimm.s32 $0x4D4C4B44  }
0x6: {  	s2 =	stileid.u32;
	s1 =	rddreg [dreg:$0x0];
	s14 =	simm.s32 $0x6400;
	v1 =	vunpack.c.0.s8.s32 v1;
	v2 =	vunpack.c.0.s8.s32 v2;
	v0 =	vunpack.c.0.s8.s32 v0  }
0x7: {  	s17 =	simm.s32 $0x9600;
	s18 =	simm.s32 $0xAF00;
	v12 =	vimm.s32 $0x51504F4E;
	s22 =	simm.s32 $0xC800;
	v3 =	vunpack.c.0.s8.s32 v3;
	v4 =	vunpack.c.0.s8.s32 v4  }
0x8: {  	s21 =	simm.s32 $0x1;
	s23 =	simm.s32 $0xE100;
	s24 =	simm.s32 $0xFA00;
	v1 =	vsel vm0, v2, v1;
	v2 =	vimm.s32 $0x1C1B1A19;
	v0 =	vand.u32 $0xF, v0  }
0x9: {  	s28 =	simm.s32 $0x12C00;
	s29 =	simm.s32 $0x14500;
	s30 =	simm.s32 $0x15E00;
	v0 =	vcombine.low v0, v1;
	v1 =	vsel vm0, v4, v3;
	v3 =	vimm.s32 $0x201F1E1D  }
0xa: {  	s31 =	simm.s32 $0x17700;
	s0 =	sand.u32 $0x1, s0;
	s3 =	sshll.u32 s2, $0x8;
	v2 =	vunpack.c.0.s8.s32 v2;
	v4 =	vimm.s32 $0x3A393837;
	v3 =	vunpack.c.0.s8.s32 v3  }
0xb: {  	s2 =	simm.s32 $0x0;
	v5 =	vunpack.c.0.s8.s32 v5;
	v8 =	vunpack.c.0.s8.s32 v8;
	s4 =	sshll.u32 s0, $0x7;
	s0 =	ssub.s32 $0x2, s0;
	v4 =	vunpack.c.0.s8.s32 v4  }
0xc: {  	s5 =	sadd.s32 $0x380400, s1;
	v9 =	vunpack.c.0.s8.s32 v9;
	s3 =	sor.u32 s4, s3;
	s25 =	sshrl.u32 s0, $0x1;
	v2 =	vsel vm0, v3, v2;
	v3 =	vunpack.c.0.s8.s32 v6  }
0xd: {  	s7 =	sadd.s32 $0x780, s1;
	s6 =	smul.u32 $0x380, s3;
	s0 =	ssub.s32 s0, s25;
	v6 =	vunpack.c.0.s8.s32 v7;
	v4 =	vsel vm0, v5, v4;
	v5 =	vimm.s32 $0x53525150  }
0xe: {  	v10 =	vunpack.c.0.s8.s32 v10;
	[smem:$0x7FF] =	sst s2;
	s4 =	sadd.s32 $0x400, s1;
	s0 =	smax.u32 s0, $0x1;
	v7 =	vimm.s32 $0x5A595857;
	v5 =	vunpack.c.0.s8.s32 v5  }
0xf: {  	_ =	strace $0x80000047;
	s8 =	sadd.s32 s4, s6;
	[dreg:$0x6] =	wrdreg s0;
	v3 =	vsel vm0, v6, v3;
	v6 =	vunpack.c.0.s8.s32 v7;
	v7 =	vimm.s32 $0x4B444342  }
0x10: {  	v11 =	vunpack.c.0.s8.s32 v11;
	v12 =	vunpack.c.0.s8.s32 v12;
	s19 =	sor.u32 $0x8, s3;
	s26 =	sadd.s32 s6, s7;
	[dreg:$0x2] =	wrdreg s8;
	v7 =	vunpack.c.0.s8.s32 v7  }
0x11: {  	s25 =	simm.s32 $0x11300;
	s9 =	sadd.s32 $0x700, s8;
	[dreg:$0x5] =	wrdreg s26;
	v1 =	vcombine.low v2, v1;
	v2 =	vcombine.low v3, v4;
	v3 =	vsel vm0, v6, v5  }
0x12: {  	s6 =	simm.s32 $0x0;
	s8 =	sadd.s32 $0xA80, s8;
	[dreg:$0x3] =	wrdreg s9;
	v5 =	vsel vm0, v10, v9;
	v6 =	vsel vm0, v12, v11;
	v4 =	vsel vm0, v8, v7  }
0x13: {  	s26 =	simm.s32 $0x2;
	s9 =	sadd.s32 $0x380780, s1;
	[dreg:$0x4] =	wrdreg s8;
	v3 =	vcombine.low v4, v3;
	v4 =	vcombine.low v6, v5  }
.LBB2_1:
0x14: {  	[dreg:$0x7] =	wrdreg s6  }
0x15: {  	s0 =	rddreg [dreg:$0x2]  }
0x16: {  	[tilespmem:s2], [sflag:$0x1] =	stream.linear.gather [hbm4b:s0+s2], $0x1900, $0x38;
	[tilespmem:$0x19000] =	vst v63  }
0x17: {  	s12 =	simm.s32 $0x1900;
	s1 =	rddreg [dreg:$0x5]  }
0x18: {  	[tilespmem:s12], [sflag:$0x1] =	stream.linear.gather [hbm4b:s1+s2], $0x1900, $0x38;
	[tilespmem:$0x19000] =	vst v63  }
0x19: {  	s13 =	rddreg [dreg:$0x3];
	s15 =	simm.s32 $0x3200  }
0x1a: {  	[tilespmem:s15], [sflag:$0x1] =	stream.linear.gather [hbm4b:s13+s2], $0x1900, $0x38;
	[tilespmem:$0x19000] =	vst v63  }
0x1b: {  	s16 =	rddreg [dreg:$0x4];
	s20 =	simm.s32 $0x4B00;
	s15 =	simm.s32 $0x0  }
0x1c: {  	[tilespmem:s20], [sflag:$0x1] =	stream.linear.gather [hbm4b:s16+s2], $0x1900, $0x38;
	[tilespmem:$0x19000] =	vst v63  }
.LBB2_2:
0x1d: {  	s20 =	sshll.u32 s15, $0x3  }
0x1e: {  	s6 =	sor.u32 s20, s3  }
0x1f: {  	s0 =	sor.u32 $0x4, s6  }
0x20: {  	s12 =	smul.u32 $0x380, s0  }
0x21: {  	s0 =	smul.u32 $0x1C00, s0;
	_ =	sdelay $0x1  }
0x22: {  	s1 =	sadd.s32 s4, s12;
	s0 =	sshrl.u32 s0, $0x3  }
0x23: {  	[tilespmem:s14], [sflag:$0x2] =	stream.linear.gather [hbm4b:s1+s2], $0x1900, $0x38;
	[tilespmem:$0x19000] =	vst v63  }
0x24: {  	s13 =	sadd.s32 $0x380, s0  }
0x25: {  	s8 =	simm.s32 $0x7D00;
	s10 =	sadd.s32 s4, s13  }
0x26: {  	[tilespmem:s8], [sflag:$0x2] =	stream.linear.gather [hbm4b:s10+s2], $0x1900, $0x38;
	[tilespmem:$0x19000] =	vst v63  }
0x27: {  	s8 =	sadd.s32 $0x700, s0  }
0x28: {  	s10 =	sadd.s32 $0xA80, s0;
	s11 =	sadd.s32 s4, s8  }
0x29: {  	[tilespmem:s17], [sflag:$0x2] =	stream.linear.gather [hbm4b:s11+s2], $0x1900, $0x38;
	[tilespmem:$0x19000] =	vst v63  }
0x2a: {  	s0 =	sadd.s32 s4, s10  }
0x2b: {  	[tilespmem:s18], [sflag:$0x2] =	stream.linear.gather [hbm4b:s0+s2], $0x1900, $0x38;
	[tilespmem:$0x19000] =	vst v63  }
0x2c: {  	_ =	swait.ge [sflag:s21], $0x1900  }
0x2d: {  	[sflag:s21] =	ssyncset.done $0x0  }
0x2e: {  	[sflag:s21] =	ssyncadd.s32 $0xFFFFE700  }
0x2f: {  	_ =	swait.ge [sflag:s21], $0x1900  }
0x30: {  	[sflag:s21] =	ssyncset.done $0x0  }
0x31: {  	[sflag:s21] =	ssyncadd.s32 $0xFFFFE700  }
0x32: {  	_ =	swait.ge [sflag:s21], $0x1900  }
0x33: {  	[sflag:s21] =	ssyncset.done $0x0  }
0x34: {  	[sflag:s21] =	ssyncadd.s32 $0xFFFFE700  }
0x35: {  	_ =	swait.ge [sflag:s21], $0x1900  }
0x36: {  	p0 =	seq.s32 s15, $0x0;
	[sflag:s21] =	ssyncset.done $0x0  }
0x37: {  	s0 =	simm.s32 @!p0 $0x3;
	[sflag:s21] =	ssyncadd.s32 $0xFFFFE700  }
0x38: {  	_ =	swait.ge @!p0 [sflag:s0], $0x1900  }
0x39: {  	[sflag:s0] =	ssyncset.done @!p0 $0x0  }
0x3a: {  	[sflag:s0] =	ssyncadd.s32 @!p0 $0xFFFFE700  }
0x3b: {  	_ =	swait.ge @!p0 [sflag:s0], $0x1900  }
0x3c: {  	[sflag:s0] =	ssyncset.done @!p0 $0x0  }
0x3d: {  	[sflag:s0] =	ssyncadd.s32 @!p0 $0xFFFFE700  }
0x3e: {  	s11 =	simm.s32 $0x0;
	_ =	swait.ge @!p0 [sflag:s0], $0x1900  }
0x3f: {  	v5 =	vor.u32 s11, v0;
	[sflag:s0] =	ssyncset.done @!p0 $0x0  }
0x40: {  	[sflag:s0] =	ssyncadd.s32 @!p0 $0xFFFFE700  }
0x41: {  	_ =	swait.ge @!p0 [sflag:s0], $0x1900  }
0x42: {  	[sflag:s0] =	ssyncset.done @!p0 $0x0  }
0x43: {  	[sflag:s0] =	ssyncadd.s32 @!p0 $0xFFFFE700  }
0x44: {  	v5 =	vld.idx.msk [tilespmem:v5+s2+$0x0], $0xffff  }
0x45: {  	v6 =	vor.u32 s11, v1;
	_ =	sdelay $0x2  }
0x46: {  	s1 =	simm.s32 $0xCA80  }
0x47: {  	[tilespmem:s1+$0xFFFFFD80] =	vst v5  }
0x48: {  	v5 =	vld.idx.msk [tilespmem:v6+s2+$0x0], $0xffff  }
0x49: {  	v6 =	vor.u32 s11, v2;
	_ =	sdelay $0x3  }
0x4a: {  	[tilespmem:s1+$0xFFFFFD90] =	vst v5  }
0x4b: {  	v5 =	vld.idx.msk [tilespmem:v6+s2+$0x0], $0xffff  }
0x4c: {  	v6 =	vor.u32 s11, v3;
	_ =	sdelay $0x3  }
0x4d: {  	[tilespmem:s1+$0xFFFFFDA0] =	vst v5  }
0x4e: {  	v5 =	vld.idx.msk [tilespmem:v6+s2+$0x0], $0xffff  }
0x4f: {  	v6 =	vor.u32 s11, v4;
	_ =	sdelay $0x3  }
0x50: {  	[tilespmem:s1+$0xFFFFFDB0] =	vst v5  }
0x51: {  	s16 =	simm.s32 $0x80;
	v5 =	vld.idx.msk [tilespmem:v6+s2+$0x0], $0xffff  }
0x52: {  	v6 =	vor.u32 s16, v0;
	_ =	sdelay $0x3  }
0x53: {  	[tilespmem:s1+$0xFFFFFDB2] =	vst v5  }
0x54: {  	v5 =	vld.idx.msk [tilespmem:v6+s2+$0x0], $0xffff  }
0x55: {  	v6 =	vor.u32 s16, v1;
	_ =	sdelay $0x3  }
0x56: {  	[tilespmem:s1+$0xFFFFFE00] =	vst v5  }
0x57: {  	v5 =	vld.idx.msk [tilespmem:v6+s2+$0x0], $0xffff  }
0x58: {  	v6 =	vor.u32 s16, v2;
	_ =	sdelay $0x3  }
0x59: {  	[tilespmem:s1+$0xFFFFFE10] =	vst v5  }
0x5a: {  	v5 =	vld.idx.msk [tilespmem:v6+s2+$0x0], $0xffff  }
0x5b: {  	v6 =	vor.u32 s16, v3;
	_ =	sdelay $0x3  }
0x5c: {  	[tilespmem:s1+$0xFFFFFE20] =	vst v5  }
0x5d: {  	v5 =	vld.idx.msk [tilespmem:v6+s2+$0x0], $0xffff  }
0x5e: {  	v6 =	vor.u32 s16, v4;
	_ =	sdelay $0x3  }
0x5f: {  	[tilespmem:s1+$0xFFFFFE30] =	vst v5  }
0x60: {  	s11 =	simm.s32 $0x100;
	v5 =	vld.idx.msk [tilespmem:v6+s2+$0x0], $0xffff  }
0x61: {  	v6 =	vor.u32 s11, v0;
	_ =	sdelay $0x3  }
0x62: {  	[tilespmem:s1+$0xFFFFFE32] =	vst v5  }
0x63: {  	v5 =	vld.idx.msk [tilespmem:v6+s2+$0x0], $0xffff  }
0x64: {  	v6 =	vor.u32 s11, v1;
	_ =	sdelay $0x3  }
0x65: {  	[tilespmem:s1+$0xFFFFFE80] =	vst v5  }
0x66: {  	v5 =	vld.idx.msk [tilespmem:v6+s2+$0x0], $0xffff  }
0x67: {  	v6 =	vor.u32 s11, v2;
	_ =	sdelay $0x3  }
0x68: {  	[tilespmem:s1+$0xFFFFFE90] =	vst v5  }
0x69: {  	v5 =	vld.idx.msk [tilespmem:v6+s2+$0x0], $0xffff  }
0x6a: {  	v6 =	vor.u32 s11, v3;
	_ =	sdelay $0x3  }
0x6b: {  	[tilespmem:s1+$0xFFFFFEA0] =	vst v5  }
0x6c: {  	v5 =	vld.idx.msk [tilespmem:v6+s2+$0x0], $0xffff  }
0x6d: {  	v6 =	vor.u32 s11, v4;
	_ =	sdelay $0x3  }
0x6e: {  	[tilespmem:s1+$0xFFFFFEB0] =	vst v5  }
0x6f: {  	s16 =	simm.s32 $0x180;
	v5 =	vld.idx.msk [tilespmem:v6+s2+$0x0], $0xffff  }
0x70: {  	v6 =	vor.u32 s16, v0;
	_ =	sdelay $0x3  }
0x71: {  	[tilespmem:s1+$0xFFFFFEB2] =	vst v5  }
0x72: {  	v5 =	vld.idx.msk [tilespmem:v6+s2+$0x0], $0xffff  }
0x73: {  	v6 =	vor.u32 s16, v1;
	_ =	sdelay $0x3  }
0x74: {  	[tilespmem:s1+$0xFFFFFF00] =	vst v5  }
0x75: {  	v5 =	vld.idx.msk [tilespmem:v6+s2+$0x0], $0xffff  }
0x76: {  	v6 =	vor.u32 s16, v2;
	_ =	sdelay $0x3  }
0x77: {  	[tilespmem:s1+$0xFFFFFF10] =	vst v5  }
0x78: {  	v5 =	vld.idx.msk [tilespmem:v6+s2+$0x0], $0xffff  }
0x79: {  	v6 =	vor.u32 s16, v3;
	_ =	sdelay $0x3  }
0x7a: {  	[tilespmem:s1+$0xFFFFFF20] =	vst v5  }
0x7b: {  	v5 =	vld.idx.msk [tilespmem:v6+s2+$0x0], $0xffff  }
0x7c: {  	v6 =	vor.u32 s16, v4;
	_ =	sdelay $0x3  }
0x7d: {  	[tilespmem:s1+$0xFFFFFF30] =	vst v5  }
0x7e: {  	s11 =	simm.s32 $0x200;
	v5 =	vld.idx.msk [tilespmem:v6+s2+$0x0], $0xffff  }
0x7f: {  	v6 =	vor.u32 s11, v0;
	_ =	sdelay $0x3  }
0x80: {  	[tilespmem:s1+$0xFFFFFF32] =	vst v5  }
0x81: {  	v5 =	vld.idx.msk [tilespmem:v6+s2+$0x0], $0xffff  }
0x82: {  	v6 =	vor.u32 s11, v1;
	_ =	sdelay $0x3  }
0x83: {  	[tilespmem:s1+$0xFFFFFF80] =	vst v5  }
0x84: {  	v5 =	vld.idx.msk [tilespmem:v6+s2+$0x0], $0xffff  }
0x85: {  	v6 =	vor.u32 s11, v2;
	_ =	sdelay $0x3  }
0x86: {  	[tilespmem:s1+$0xFFFFFF90] =	vst v5  }
0x87: {  	v5 =	vld.idx.msk [tilespmem:v6+s2+$0x0], $0xffff  }
0x88: {  	v6 =	vor.u32 s11, v3;
	_ =	sdelay $0x3  }
0x89: {  	[tilespmem:s1+$0xFFFFFFA0] =	vst v5  }
0x8a: {  	v5 =	vld.idx.msk [tilespmem:v6+s2+$0x0], $0xffff  }
0x8b: {  	v6 =	vor.u32 s11, v4;
	_ =	sdelay $0x3  }
0x8c: {  	[tilespmem:s1+$0xFFFFFFB0] =	vst v5  }
0x8d: {  	s16 =	simm.s32 $0x280;
	v5 =	vld.idx.msk [tilespmem:v6+s2+$0x0], $0xffff  }
0x8e: {  	v6 =	vor.u32 s16, v0;
	_ =	sdelay $0x3  }
0x8f: {  	[tilespmem:s1+$0xFFFFFFB2] =	vst v5  }
0x90: {  	v5 =	vld.idx.msk [tilespmem:v6+s2+$0x0], $0xffff  }
0x91: {  	v6 =	vor.u32 s16, v1;
	_ =	sdelay $0x3  }
0x92: {  	[tilespmem:s1+$0x0] =	vst v5  }
0x93: {  	v5 =	vld.idx.msk [tilespmem:v6+s2+$0x0], $0xffff  }
0x94: {  	v6 =	vor.u32 s16, v2;
	_ =	sdelay $0x3  }
0x95: {  	[tilespmem:s1+$0x10] =	vst v5  }
0x96: {  	v5 =	vld.idx.msk [tilespmem:v6+s2+$0x0], $0xffff  }
0x97: {  	v6 =	vor.u32 s16, v3;
	_ =	sdelay $0x3  }
0x98: {  	[tilespmem:s1+$0x20] =	vst v5  }
0x99: {  	v5 =	vld.idx.msk [tilespmem:v6+s2+$0x0], $0xffff  }
0x9a: {  	v6 =	vor.u32 s16, v4;
	_ =	sdelay $0x3  }
0x9b: {  	[tilespmem:s1+$0x30] =	vst v5  }
0x9c: {  	s11 =	simm.s32 $0x300;
	v5 =	vld.idx.msk [tilespmem:v6+s2+$0x0], $0xffff  }
0x9d: {  	v6 =	vor.u32 s11, v0;
	_ =	sdelay $0x3  }
0x9e: {  	[tilespmem:s1+$0x32] =	vst v5  }
0x9f: {  	v5 =	vld.idx.msk [tilespmem:v6+s2+$0x0], $0xffff  }
0xa0: {  	v6 =	vor.u32 s11, v1;
	_ =	sdelay $0x3  }
0xa1: {  	[tilespmem:s1+$0x80] =	vst v5  }
0xa2: {  	v5 =	vld.idx.msk [tilespmem:v6+s2+$0x0], $0xffff  }
0xa3: {  	v6 =	vor.u32 s11, v2;
	_ =	sdelay $0x3  }
0xa4: {  	[tilespmem:s1+$0x90] =	vst v5  }
0xa5: {  	v5 =	vld.idx.msk [tilespmem:v6+s2+$0x0], $0xffff  }
0xa6: {  	v6 =	vor.u32 s11, v3;
	_ =	sdelay $0x3  }
0xa7: {  	[tilespmem:s1+$0xA0] =	vst v5  }
0xa8: {  	v5 =	vld.idx.msk [tilespmem:v6+s2+$0x0], $0xffff  }
0xa9: {  	v6 =	vor.u32 s11, v4;
	_ =	sdelay $0x3  }
0xaa: {  	[tilespmem:s1+$0xB0] =	vst v5  }
0xab: {  	s16 =	simm.s32 $0x380;
	v5 =	vld.idx.msk [tilespmem:v6+s2+$0x0], $0xffff  }
0xac: {  	v6 =	vor.u32 s16, v0;
	_ =	sdelay $0x3  }
0xad: {  	[tilespmem:s1+$0xB2] =	vst v5  }
0xae: {  	v5 =	vld.idx.msk [tilespmem:v6+s2+$0x0], $0xffff  }
0xaf: {  	v6 =	vor.u32 s16, v1;
	_ =	sdelay $0x3  }
0xb0: {  	[tilespmem:s1+$0x100] =	vst v5  }
0xb1: {  	v5 =	vld.idx.msk [tilespmem:v6+s2+$0x0], $0xffff  }
0xb2: {  	v6 =	vor.u32 s16, v2;
	_ =	sdelay $0x3  }
0xb3: {  	[tilespmem:s1+$0x110] =	vst v5  }
0xb4: {  	v5 =	vld.idx.msk [tilespmem:v6+s2+$0x0], $0xffff  }
0xb5: {  	v6 =	vor.u32 s16, v3;
	_ =	sdelay $0x3  }
0xb6: {  	[tilespmem:s1+$0x120] =	vst v5  }
0xb7: {  	v5 =	vld.idx.msk [tilespmem:v6+s2+$0x0], $0xffff  }
0xb8: {  	v6 =	vor.u32 s16, v4;
	_ =	sdelay $0x3  }
0xb9: {  	[tilespmem:s1+$0x130] =	vst v5  }
0xba: {  	s11 =	simm.s32 $0x400;
	v5 =	vld.idx.msk [tilespmem:v6+s2+$0x0], $0xffff  }
0xbb: {  	v6 =	vor.u32 s11, v0;
	_ =	sdelay $0x3  }
0xbc: {  	[tilespmem:s1+$0x132] =	vst v5  }
0xbd: {  	v5 =	vld.idx.msk [tilespmem:v6+s2+$0x0], $0xffff  }
0xbe: {  	v6 =	vor.u32 s11, v1;
	_ =	sdelay $0x3  }
0xbf: {  	[tilespmem:s1+$0x180] =	vst v5  }
0xc0: {  	v5 =	vld.idx.msk [tilespmem:v6+s2+$0x0], $0xffff  }
0xc1: {  	v6 =	vor.u32 s11, v2;
	_ =	sdelay $0x3  }
0xc2: {  	[tilespmem:s1+$0x190] =	vst v5  }
0xc3: {  	v5 =	vld.idx.msk [tilespmem:v6+s2+$0x0], $0xffff  }
0xc4: {  	v6 =	vor.u32 s11, v3;
	_ =	sdelay $0x3  }
0xc5: {  	[tilespmem:s1+$0x1A0] =	vst v5  }
0xc6: {  	v5 =	vld.idx.msk [tilespmem:v6+s2+$0x0], $0xffff  }
0xc7: {  	v6 =	vor.u32 s11, v4;
	_ =	sdelay $0x3  }
0xc8: {  	[tilespmem:s1+$0x1B0] =	vst v5  }
0xc9: {  	s16 =	simm.s32 $0x480;
	v5 =	vld.idx.msk [tilespmem:v6+s2+$0x0], $0xffff  }
0xca: {  	v6 =	vor.u32 s16, v0;
	_ =	sdelay $0x3  }
0xcb: {  	[tilespmem:s1+$0x1B2] =	vst v5  }
0xcc: {  	v5 =	vld.idx.msk [tilespmem:v6+s2+$0x0], $0xffff  }
0xcd: {  	v6 =	vor.u32 s16, v1;
	_ =	sdelay $0x3  }
0xce: {  	[tilespmem:s1+$0x200] =	vst v5  }
0xcf: {  	v5 =	vld.idx.msk [tilespmem:v6+s2+$0x0], $0xffff  }
0xd0: {  	v6 =	vor.u32 s16, v2;
	_ =	sdelay $0x3  }
0xd1: {  	[tilespmem:s1+$0x210] =	vst v5  }
0xd2: {  	v5 =	vld.idx.msk [tilespmem:v6+s2+$0x0], $0xffff  }
0xd3: {  	v6 =	vor.u32 s16, v3;
	_ =	sdelay $0x3  }
0xd4: {  	[tilespmem:s1+$0x220] =	vst v5  }
0xd5: {  	v5 =	vld.idx.msk [tilespmem:v6+s2+$0x0], $0xffff  }
0xd6: {  	v6 =	vor.u32 s16, v4;
	_ =	sdelay $0x3  }
0xd7: {  	[tilespmem:s1+$0x230] =	vst v5  }
0xd8: {  	s0 =	simm.s32 $0x980;
	s11 =	simm.s32 $0x1D;
	v5 =	vld.idx.msk [tilespmem:v6+s2+$0x0], $0xffff  }
.LBB2_3:
0xd9: {  	p1 =	sne.s32 s11, $0xC7;
	s16 =	sadd.s32 $0xFFFFFB80, s0  }
0xda: {  	v6 =	vor.u32 s16, v0;
	_ =	sdelay $0x3  }
0xdb: {  	[tilespmem:s1+$0x232] =	vst v5  }
0xdc: {  	v5 =	vld.idx.msk [tilespmem:v6+s2+$0x0], $0xffff;
	_ =	sdelay $0x1  }
0xdd: {  	v6 =	vor.u32 s16, v1;
	_ =	sdelay $0x2  }
0xde: {  	s1 =	sadd.s32 $0x500, s1  }
0xdf: {  	[tilespmem:s1+$0xFFFFFD80] =	vst v5  }
0xe0: {  	v5 =	vld.idx.msk [tilespmem:v6+s2+$0x0], $0xffff;
	_ =	sdelay $0x1  }
0xe1: {  	v6 =	vor.u32 s16, v2;
	_ =	sdelay $0x3  }
0xe2: {  	[tilespmem:s1+$0xFFFFFD90] =	vst v5  }
0xe3: {  	v5 =	vld.idx.msk [tilespmem:v6+s2+$0x0], $0xffff;
	_ =	sdelay $0x1  }
0xe4: {  	v6 =	vor.u32 s16, v3;
	_ =	sdelay $0x3  }
0xe5: {  	[tilespmem:s1+$0xFFFFFDA0] =	vst v5  }
0xe6: {  	v5 =	vld.idx.msk [tilespmem:v6+s2+$0x0], $0xffff;
	_ =	sdelay $0x1  }
0xe7: {  	v6 =	vor.u32 s16, v4;
	_ =	sdelay $0x3  }
0xe8: {  	[tilespmem:s1+$0xFFFFFDB0] =	vst v5  }
0xe9: {  	v5 =	vld.idx.msk [tilespmem:v6+s2+$0x0], $0xffff  }
0xea: {  	s16 =	sadd.s32 $0xFFFFFC00, s0  }
0xeb: {  	v6 =	vor.u32 s16, v0;
	_ =	sdelay $0x3  }
0xec: {  	[tilespmem:s1+$0xFFFFFDB2] =	vst v5  }
0xed: {  	v5 =	vld.idx.msk [tilespmem:v6+s2+$0x0], $0xffff;
	_ =	sdelay $0x1  }
0xee: {  	v6 =	vor.u32 s16, v1;
	_ =	sdelay $0x3  }
0xef: {  	[tilespmem:s1+$0xFFFFFE00] =	vst v5  }
0xf0: {  	v5 =	vld.idx.msk [tilespmem:v6+s2+$0x0], $0xffff;
	_ =	sdelay $0x1  }
0xf1: {  	v6 =	vor.u32 s16, v2;
	_ =	sdelay $0x3  }
0xf2: {  	[tilespmem:s1+$0xFFFFFE10] =	vst v5  }
0xf3: {  	v5 =	vld.idx.msk [tilespmem:v6+s2+$0x0], $0xffff;
	_ =	sdelay $0x1  }
0xf4: {  	v6 =	vor.u32 s16, v3;
	_ =	sdelay $0x3  }
0xf5: {  	[tilespmem:s1+$0xFFFFFE20] =	vst v5  }
0xf6: {  	v5 =	vld.idx.msk [tilespmem:v6+s2+$0x0], $0xffff;
	_ =	sdelay $0x1  }
0xf7: {  	v6 =	vor.u32 s16, v4;
	_ =	sdelay $0x3  }
0xf8: {  	[tilespmem:s1+$0xFFFFFE30] =	vst v5  }
0xf9: {  	v5 =	vld.idx.msk [tilespmem:v6+s2+$0x0], $0xffff  }
0xfa: {  	s16 =	sadd.s32 $0xFFFFFC80, s0  }
0xfb: {  	v6 =	vor.u32 s16, v0;
	_ =	sdelay $0x3  }
0xfc: {  	[tilespmem:s1+$0xFFFFFE32] =	vst v5  }
0xfd: {  	v5 =	vld.idx.msk [tilespmem:v6+s2+$0x0], $0xffff;
	_ =	sdelay $0x1  }
0xfe: {  	v6 =	vor.u32 s16, v1;
	_ =	sdelay $0x3  }
0xff: {  	[tilespmem:s1+$0xFFFFFE80] =	vst v5  }
0x100: {  	v5 =	vld.idx.msk [tilespmem:v6+s2+$0x0], $0xffff;
	_ =	sdelay $0x1  }
0x101: {  	v6 =	vor.u32 s16, v2;
	_ =	sdelay $0x3  }
0x102: {  	[tilespmem:s1+$0xFFFFFE90] =	vst v5  }
0x103: {  	v5 =	vld.idx.msk [tilespmem:v6+s2+$0x0], $0xffff;
	_ =	sdelay $0x1  }
0x104: {  	v6 =	vor.u32 s16, v3;
	_ =	sdelay $0x3  }
0x105: {  	[tilespmem:s1+$0xFFFFFEA0] =	vst v5  }
0x106: {  	v5 =	vld.idx.msk [tilespmem:v6+s2+$0x0], $0xffff;
	_ =	sdelay $0x1  }
0x107: {  	v6 =	vor.u32 s16, v4;
	_ =	sdelay $0x3  }
0x108: {  	[tilespmem:s1+$0xFFFFFEB0] =	vst v5  }
0x109: {  	v5 =	vld.idx.msk [tilespmem:v6+s2+$0x0], $0xffff  }
0x10a: {  	s16 =	sadd.s32 $0xFFFFFD00, s0  }
0x10b: {  	v6 =	vor.u32 s16, v0;
	_ =	sdelay $0x3  }
0x10c: {  	[tilespmem:s1+$0xFFFFFEB2] =	vst v5  }
0x10d: {  	v5 =	vld.idx.msk [tilespmem:v6+s2+$0x0], $0xffff;
	_ =	sdelay $0x1  }
0x10e: {  	v6 =	vor.u32 s16, v1;
	_ =	sdelay $0x3  }
0x10f: {  	[tilespmem:s1+$0xFFFFFF00] =	vst v5  }
0x110: {  	v5 =	vld.idx.msk [tilespmem:v6+s2+$0x0], $0xffff;
	_ =	sdelay $0x1  }
0x111: {  	v6 =	vor.u32 s16, v2;
	_ =	sdelay $0x3  }
0x112: {  	[tilespmem:s1+$0xFFFFFF10] =	vst v5  }
0x113: {  	v5 =	vld.idx.msk [tilespmem:v6+s2+$0x0], $0xffff;
	_ =	sdelay $0x1  }
0x114: {  	v6 =	vor.u32 s16, v3;
	_ =	sdelay $0x3  }
0x115: {  	[tilespmem:s1+$0xFFFFFF20] =	vst v5  }
0x116: {  	v5 =	vld.idx.msk [tilespmem:v6+s2+$0x0], $0xffff;
	_ =	sdelay $0x1  }
0x117: {  	v6 =	vor.u32 s16, v4;
	_ =	sdelay $0x3  }
0x118: {  	[tilespmem:s1+$0xFFFFFF30] =	vst v5  }
0x119: {  	v5 =	vld.idx.msk [tilespmem:v6+s2+$0x0], $0xffff  }
0x11a: {  	s16 =	sadd.s32 $0xFFFFFD80, s0  }
0x11b: {  	v6 =	vor.u32 s16, v0;
	_ =	sdelay $0x3  }
0x11c: {  	[tilespmem:s1+$0xFFFFFF32] =	vst v5  }
0x11d: {  	v5 =	vld.idx.msk [tilespmem:v6+s2+$0x0], $0xffff;
	_ =	sdelay $0x1  }
0x11e: {  	v6 =	vor.u32 s16, v1;
	_ =	sdelay $0x3  }
0x11f: {  	[tilespmem:s1+$0xFFFFFF80] =	vst v5  }
0x120: {  	v5 =	vld.idx.msk [tilespmem:v6+s2+$0x0], $0xffff;
	_ =	sdelay $0x1  }
0x121: {  	v6 =	vor.u32 s16, v2;
	_ =	sdelay $0x3  }
0x122: {  	[tilespmem:s1+$0xFFFFFF90] =	vst v5  }
0x123: {  	v5 =	vld.idx.msk [tilespmem:v6+s2+$0x0], $0xffff;
	_ =	sdelay $0x1  }
0x124: {  	v6 =	vor.u32 s16, v3;
	_ =	sdelay $0x3  }
0x125: {  	[tilespmem:s1+$0xFFFFFFA0] =	vst v5  }
0x126: {  	v5 =	vld.idx.msk [tilespmem:v6+s2+$0x0], $0xffff;
	_ =	sdelay $0x1  }
0x127: {  	v6 =	vor.u32 s16, v4;
	_ =	sdelay $0x3  }
0x128: {  	[tilespmem:s1+$0xFFFFFFB0] =	vst v5  }
0x129: {  	v5 =	vld.idx.msk [tilespmem:v6+s2+$0x0], $0xffff  }
0x12a: {  	s16 =	sadd.s32 $0xFFFFFE00, s0  }
0x12b: {  	v6 =	vor.u32 s16, v0;
	_ =	sdelay $0x3  }
0x12c: {  	[tilespmem:s1+$0xFFFFFFB2] =	vst v5  }
0x12d: {  	v5 =	vld.idx.msk [tilespmem:v6+s2+$0x0], $0xffff;
	_ =	sdelay $0x1  }
0x12e: {  	v6 =	vor.u32 s16, v1;
	_ =	sdelay $0x3  }
0x12f: {  	[tilespmem:s1+$0x0] =	vst v5  }
0x130: {  	v5 =	vld.idx.msk [tilespmem:v6+s2+$0x0], $0xffff;
	_ =	sdelay $0x1  }
0x131: {  	v6 =	vor.u32 s16, v2;
	_ =	sdelay $0x3  }
0x132: {  	[tilespmem:s1+$0x10] =	vst v5  }
0x133: {  	v5 =	vld.idx.msk [tilespmem:v6+s2+$0x0], $0xffff;
	_ =	sdelay $0x1  }
0x134: {  	v6 =	vor.u32 s16, v3;
	_ =	sdelay $0x3  }
0x135: {  	[tilespmem:s1+$0x20] =	vst v5  }
0x136: {  	v5 =	vld.idx.msk [tilespmem:v6+s2+$0x0], $0xffff;
	_ =	sdelay $0x1  }
0x137: {  	v6 =	vor.u32 s16, v4;
	_ =	sdelay $0x3  }
0x138: {  	[tilespmem:s1+$0x30] =	vst v5  }
0x139: {  	v5 =	vld.idx.msk [tilespmem:v6+s2+$0x0], $0xffff  }
0x13a: {  	s16 =	sadd.s32 $0xFFFFFE80, s0  }
0x13b: {  	v6 =	vor.u32 s16, v0;
	_ =	sdelay $0x3  }
0x13c: {  	[tilespmem:s1+$0x32] =	vst v5  }
0x13d: {  	v5 =	vld.idx.msk [tilespmem:v6+s2+$0x0], $0xffff;
	_ =	sdelay $0x1  }
0x13e: {  	v6 =	vor.u32 s16, v1;
	_ =	sdelay $0x3  }
0x13f: {  	[tilespmem:s1+$0x80] =	vst v5  }
0x140: {  	v5 =	vld.idx.msk [tilespmem:v6+s2+$0x0], $0xffff;
	_ =	sdelay $0x1  }
0x141: {  	v6 =	vor.u32 s16, v2;
	_ =	sdelay $0x3  }
0x142: {  	[tilespmem:s1+$0x90] =	vst v5  }
0x143: {  	v5 =	vld.idx.msk [tilespmem:v6+s2+$0x0], $0xffff;
	_ =	sdelay $0x1  }
0x144: {  	v6 =	vor.u32 s16, v3;
	_ =	sdelay $0x3  }
0x145: {  	[tilespmem:s1+$0xA0] =	vst v5  }
0x146: {  	v5 =	vld.idx.msk [tilespmem:v6+s2+$0x0], $0xffff;
	_ =	sdelay $0x1  }
0x147: {  	v6 =	vor.u32 s16, v4;
	_ =	sdelay $0x3  }
0x148: {  	[tilespmem:s1+$0xB0] =	vst v5  }
0x149: {  	v5 =	vld.idx.msk [tilespmem:v6+s2+$0x0], $0xffff  }
0x14a: {  	s16 =	sadd.s32 $0xFFFFFF00, s0  }
0x14b: {  	v6 =	vor.u32 s16, v0;
	_ =	sdelay $0x3  }
0x14c: {  	[tilespmem:s1+$0xB2] =	vst v5  }
0x14d: {  	v5 =	vld.idx.msk [tilespmem:v6+s2+$0x0], $0xffff;
	_ =	sdelay $0x1  }
0x14e: {  	v6 =	vor.u32 s16, v1;
	_ =	sdelay $0x3  }
0x14f: {  	[tilespmem:s1+$0x100] =	vst v5  }
0x150: {  	v5 =	vld.idx.msk [tilespmem:v6+s2+$0x0], $0xffff;
	_ =	sdelay $0x1  }
0x151: {  	v6 =	vor.u32 s16, v2;
	_ =	sdelay $0x3  }
0x152: {  	[tilespmem:s1+$0x110] =	vst v5  }
0x153: {  	v5 =	vld.idx.msk [tilespmem:v6+s2+$0x0], $0xffff;
	_ =	sdelay $0x1  }
0x154: {  	v6 =	vor.u32 s16, v3;
	_ =	sdelay $0x3  }
0x155: {  	[tilespmem:s1+$0x120] =	vst v5  }
0x156: {  	v5 =	vld.idx.msk [tilespmem:v6+s2+$0x0], $0xffff;
	_ =	sdelay $0x1  }
0x157: {  	v6 =	vor.u32 s16, v4;
	_ =	sdelay $0x3  }
0x158: {  	[tilespmem:s1+$0x130] =	vst v5  }
0x159: {  	v5 =	vld.idx.msk [tilespmem:v6+s2+$0x0], $0xffff  }
0x15a: {  	s16 =	sadd.s32 $0xFFFFFF80, s0  }
0x15b: {  	v6 =	vor.u32 s16, v0;
	_ =	sdelay $0x3  }
0x15c: {  	[tilespmem:s1+$0x132] =	vst v5  }
0x15d: {  	v5 =	vld.idx.msk [tilespmem:v6+s2+$0x0], $0xffff;
	_ =	sdelay $0x1  }
0x15e: {  	v6 =	vor.u32 s16, v1;
	_ =	sdelay $0x3  }
0x15f: {  	[tilespmem:s1+$0x180] =	vst v5  }
0x160: {  	v5 =	vld.idx.msk [tilespmem:v6+s2+$0x0], $0xffff;
	_ =	sdelay $0x1  }
0x161: {  	v6 =	vor.u32 s16, v2;
	_ =	sdelay $0x3  }
0x162: {  	[tilespmem:s1+$0x190] =	vst v5  }
0x163: {  	v5 =	vld.idx.msk [tilespmem:v6+s2+$0x0], $0xffff;
	_ =	sdelay $0x1  }
0x164: {  	v6 =	vor.u32 s16, v3;
	_ =	sdelay $0x3  }
0x165: {  	[tilespmem:s1+$0x1A0] =	vst v5  }
0x166: {  	v5 =	vld.idx.msk [tilespmem:v6+s2+$0x0], $0xffff;
	_ =	sdelay $0x1  }
0x167: {  	v6 =	vor.u32 s16, v4;
	_ =	sdelay $0x3  }
0x168: {  	[tilespmem:s1+$0x1B0] =	vst v5  }
0x169: {  	v5 =	vld.idx.msk [tilespmem:v6+s2+$0x0], $0xffff;
	_ =	sdelay $0x1  }
0x16a: {  	v6 =	vor.u32 s0, v0;
	_ =	sdelay $0x3  }
0x16b: {  	[tilespmem:s1+$0x1B2] =	vst v5  }
0x16c: {  	v5 =	vld.idx.msk [tilespmem:v6+s2+$0x0], $0xffff;
	_ =	sdelay $0x1  }
0x16d: {  	v6 =	vor.u32 s0, v1;
	_ =	sdelay $0x3  }
0x16e: {  	[tilespmem:s1+$0x200] =	vst v5  }
0x16f: {  	v5 =	vld.idx.msk [tilespmem:v6+s2+$0x0], $0xffff;
	_ =	sdelay $0x1  }
0x170: {  	v6 =	vor.u32 s0, v2;
	_ =	sdelay $0x3  }
0x171: {  	[tilespmem:s1+$0x210] =	vst v5  }
0x172: {  	v5 =	vld.idx.msk [tilespmem:v6+s2+$0x0], $0xffff;
	_ =	sdelay $0x1  }
0x173: {  	v6 =	vor.u32 s0, v3;
	_ =	sdelay $0x3  }
0x174: {  	[tilespmem:s1+$0x220] =	vst v5  }
0x175: {  	v5 =	vld.idx.msk [tilespmem:v6+s2+$0x0], $0xffff;
	_ =	sdelay $0x1  }
0x176: {  	v6 =	vor.u32 s0, v4  }
.Ltmp0:
0x177: {  	(pc) =	sbr.rel @p1 .LBB2_3-.Ltmp0, $3  }
0x178: {  	_ =	sdelay $0x1  }
0x179: {  	[tilespmem:s1+$0x230] =	vst v5  }
0x17a: {  	s0 =	sshll.u32 s11, $0x7;
	s11 =	sadd.s32 $0xA, s11;
	v5 =	vld.idx.msk [tilespmem:v6+s2+$0x0], $0xffff  }
0x17b: {  	s11 =	sadd.s32 $0xFFFFFB80, s0  }
0x17c: {  	v6 =	vor.u32 s11, v0;
	_ =	sdelay $0x3  }
0x17d: {  	[tilespmem:s1+$0x232] =	vst v5  }
0x17e: {  	v5 =	vld.idx.msk [tilespmem:v6+s2+$0x0], $0xffff  }
0x17f: {  	v6 =	vor.u32 s11, v1;
	_ =	sdelay $0x2  }
0x180: {  	s1 =	sadd.s32 $0x500, s1  }
0x181: {  	[tilespmem:s1+$0xFFFFFD80] =	vst v5  }
0x182: {  	v5 =	vld.idx.msk [tilespmem:v6+s2+$0x0], $0xffff  }
0x183: {  	v6 =	vor.u32 s11, v2;
	_ =	sdelay $0x3  }
0x184: {  	[tilespmem:s1+$0xFFFFFD90] =	vst v5  }
0x185: {  	v5 =	vld.idx.msk [tilespmem:v6+s2+$0x0], $0xffff  }
0x186: {  	v6 =	vor.u32 s11, v3;
	_ =	sdelay $0x3  }
0x187: {  	[tilespmem:s1+$0xFFFFFDA0] =	vst v5  }
0x188: {  	v5 =	vld.idx.msk [tilespmem:v6+s2+$0x0], $0xffff  }
0x189: {  	v6 =	vor.u32 s11, v4;
	_ =	sdelay $0x3  }
0x18a: {  	[tilespmem:s1+$0xFFFFFDB0] =	vst v5  }
0x18b: {  	s16 =	sadd.s32 $0xFFFFFC00, s0;
	v5 =	vld.idx.msk [tilespmem:v6+s2+$0x0], $0xffff  }
0x18c: {  	v6 =	vor.u32 s16, v0;
	_ =	sdelay $0x3  }
0x18d: {  	[tilespmem:s1+$0xFFFFFDB2] =	vst v5  }
0x18e: {  	v5 =	vld.idx.msk [tilespmem:v6+s2+$0x0], $0xffff  }
0x18f: {  	v6 =	vor.u32 s16, v1;
	_ =	sdelay $0x3  }
0x190: {  	[tilespmem:s1+$0xFFFFFE00] =	vst v5  }
0x191: {  	v5 =	vld.idx.msk [tilespmem:v6+s2+$0x0], $0xffff  }
0x192: {  	v6 =	vor.u32 s16, v2;
	_ =	sdelay $0x3  }
0x193: {  	[tilespmem:s1+$0xFFFFFE10] =	vst v5  }
0x194: {  	v5 =	vld.idx.msk [tilespmem:v6+s2+$0x0], $0xffff  }
0x195: {  	v6 =	vor.u32 s16, v3;
	_ =	sdelay $0x3  }
0x196: {  	[tilespmem:s1+$0xFFFFFE20] =	vst v5  }
0x197: {  	v5 =	vld.idx.msk [tilespmem:v6+s2+$0x0], $0xffff  }
0x198: {  	v6 =	vor.u32 s16, v4;
	_ =	sdelay $0x3  }
0x199: {  	[tilespmem:s1+$0xFFFFFE30] =	vst v5  }
0x19a: {  	s16 =	sadd.s32 $0xFFFFFC80, s0;
	v5 =	vld.idx.msk [tilespmem:v6+s2+$0x0], $0xffff  }
0x19b: {  	v6 =	vor.u32 s16, v0;
	_ =	sdelay $0x3  }
0x19c: {  	[tilespmem:s1+$0xFFFFFE32] =	vst v5  }
0x19d: {  	v5 =	vld.idx.msk [tilespmem:v6+s2+$0x0], $0xffff  }
0x19e: {  	v6 =	vor.u32 s16, v1;
	_ =	sdelay $0x3  }
0x19f: {  	[tilespmem:s1+$0xFFFFFE80] =	vst v5  }
0x1a0: {  	v5 =	vld.idx.msk [tilespmem:v6+s2+$0x0], $0xffff  }
0x1a1: {  	v6 =	vor.u32 s16, v2;
	_ =	sdelay $0x3  }
0x1a2: {  	[tilespmem:s1+$0xFFFFFE90] =	vst v5  }
0x1a3: {  	v5 =	vld.idx.msk [tilespmem:v6+s2+$0x0], $0xffff  }
0x1a4: {  	v6 =	vor.u32 s16, v3;
	_ =	sdelay $0x3  }
0x1a5: {  	[tilespmem:s1+$0xFFFFFEA0] =	vst v5  }
0x1a6: {  	v5 =	vld.idx.msk [tilespmem:v6+s2+$0x0], $0xffff  }
0x1a7: {  	v6 =	vor.u32 s16, v4;
	_ =	sdelay $0x3  }
0x1a8: {  	[tilespmem:s1+$0xFFFFFEB0] =	vst v5  }
0x1a9: {  	s16 =	sadd.s32 $0xFFFFFD00, s0;
	v5 =	vld.idx.msk [tilespmem:v6+s2+$0x0], $0xffff  }
0x1aa: {  	v6 =	vor.u32 s16, v0;
	_ =	sdelay $0x3  }
0x1ab: {  	[tilespmem:s1+$0xFFFFFEB2] =	vst v5  }
0x1ac: {  	v5 =	vld.idx.msk [tilespmem:v6+s2+$0x0], $0xffff  }
0x1ad: {  	v6 =	vor.u32 s16, v1;
	_ =	sdelay $0x3  }
0x1ae: {  	[tilespmem:s1+$0xFFFFFF00] =	vst v5  }
0x1af: {  	v5 =	vld.idx.msk [tilespmem:v6+s2+$0x0], $0xffff  }
0x1b0: {  	v6 =	vor.u32 s16, v2;
	_ =	sdelay $0x3  }
0x1b1: {  	[tilespmem:s1+$0xFFFFFF10] =	vst v5  }
0x1b2: {  	v5 =	vld.idx.msk [tilespmem:v6+s2+$0x0], $0xffff  }
0x1b3: {  	v6 =	vor.u32 s16, v3;
	_ =	sdelay $0x3  }
0x1b4: {  	[tilespmem:s1+$0xFFFFFF20] =	vst v5  }
0x1b5: {  	v5 =	vld.idx.msk [tilespmem:v6+s2+$0x0], $0xffff  }
0x1b6: {  	v6 =	vor.u32 s16, v4;
	_ =	sdelay $0x3  }
0x1b7: {  	[tilespmem:s1+$0xFFFFFF30] =	vst v5  }
0x1b8: {  	s16 =	sadd.s32 $0xFFFFFD80, s0;
	v5 =	vld.idx.msk [tilespmem:v6+s2+$0x0], $0xffff  }
0x1b9: {  	v6 =	vor.u32 s16, v0;
	_ =	sdelay $0x3  }
0x1ba: {  	[tilespmem:s1+$0xFFFFFF32] =	vst v5  }
0x1bb: {  	v5 =	vld.idx.msk [tilespmem:v6+s2+$0x0], $0xffff  }
0x1bc: {  	v6 =	vor.u32 s16, v1;
	_ =	sdelay $0x3  }
0x1bd: {  	[tilespmem:s1+$0xFFFFFF80] =	vst v5  }
0x1be: {  	v5 =	vld.idx.msk [tilespmem:v6+s2+$0x0], $0xffff  }
0x1bf: {  	v6 =	vor.u32 s16, v2;
	_ =	sdelay $0x3  }
0x1c0: {  	[tilespmem:s1+$0xFFFFFF90] =	vst v5  }
0x1c1: {  	v5 =	vld.idx.msk [tilespmem:v6+s2+$0x0], $0xffff  }
0x1c2: {  	v6 =	vor.u32 s16, v3;
	_ =	sdelay $0x3  }
0x1c3: {  	[tilespmem:s1+$0xFFFFFFA0] =	vst v5  }
0x1c4: {  	v5 =	vld.idx.msk [tilespmem:v6+s2+$0x0], $0xffff  }
0x1c5: {  	v6 =	vor.u32 s16, v4;
	_ =	sdelay $0x3  }
0x1c6: {  	[tilespmem:s1+$0xFFFFFFB0] =	vst v5  }
0x1c7: {  	s16 =	sadd.s32 $0xFFFFFE00, s0;
	v5 =	vld.idx.msk [tilespmem:v6+s2+$0x0], $0xffff  }
0x1c8: {  	v6 =	vor.u32 s16, v0;
	_ =	sdelay $0x3  }
0x1c9: {  	[tilespmem:s1+$0xFFFFFFB2] =	vst v5  }
0x1ca: {  	v5 =	vld.idx.msk [tilespmem:v6+s2+$0x0], $0xffff  }
0x1cb: {  	v6 =	vor.u32 s16, v1;
	_ =	sdelay $0x3  }
0x1cc: {  	[tilespmem:s1+$0x0] =	vst v5  }
0x1cd: {  	v5 =	vld.idx.msk [tilespmem:v6+s2+$0x0], $0xffff  }
0x1ce: {  	v6 =	vor.u32 s16, v2;
	_ =	sdelay $0x3  }
0x1cf: {  	[tilespmem:s1+$0x10] =	vst v5  }
0x1d0: {  	v5 =	vld.idx.msk [tilespmem:v6+s2+$0x0], $0xffff  }
0x1d1: {  	v6 =	vor.u32 s16, v3;
	_ =	sdelay $0x3  }
0x1d2: {  	[tilespmem:s1+$0x20] =	vst v5  }
0x1d3: {  	v5 =	vld.idx.msk [tilespmem:v6+s2+$0x0], $0xffff  }
0x1d4: {  	v6 =	vor.u32 s16, v4;
	_ =	sdelay $0x3  }
0x1d5: {  	[tilespmem:s1+$0x30] =	vst v5  }
0x1d6: {  	s16 =	sadd.s32 $0xFFFFFE80, s0;
	v5 =	vld.idx.msk [tilespmem:v6+s2+$0x0], $0xffff  }
0x1d7: {  	v6 =	vor.u32 s16, v0;
	_ =	sdelay $0x3  }
0x1d8: {  	[tilespmem:s1+$0x32] =	vst v5  }
0x1d9: {  	v5 =	vld.idx.msk [tilespmem:v6+s2+$0x0], $0xffff  }
0x1da: {  	v6 =	vor.u32 s16, v1;
	_ =	sdelay $0x3  }
0x1db: {  	[tilespmem:s1+$0x80] =	vst v5  }
0x1dc: {  	v5 =	vld.idx.msk [tilespmem:v6+s2+$0x0], $0xffff  }
0x1dd: {  	v6 =	vor.u32 s16, v2;
	_ =	sdelay $0x3  }
0x1de: {  	[tilespmem:s1+$0x90] =	vst v5  }
0x1df: {  	v5 =	vld.idx.msk [tilespmem:v6+s2+$0x0], $0xffff  }
0x1e0: {  	v6 =	vor.u32 s16, v3;
	_ =	sdelay $0x3  }
0x1e1: {  	[tilespmem:s1+$0xA0] =	vst v5  }
0x1e2: {  	v5 =	vld.idx.msk [tilespmem:v6+s2+$0x0], $0xffff  }
0x1e3: {  	v6 =	vor.u32 s16, v4;
	_ =	sdelay $0x3  }
0x1e4: {  	[tilespmem:s1+$0xB0] =	vst v5  }
0x1e5: {  	s16 =	sadd.s32 $0xFFFFFF00, s0;
	v5 =	vld.idx.msk [tilespmem:v6+s2+$0x0], $0xffff  }
0x1e6: {  	v6 =	vor.u32 s16, v0;
	_ =	sdelay $0x3  }
0x1e7: {  	[tilespmem:s1+$0xB2] =	vst v5  }
0x1e8: {  	v5 =	vld.idx.msk [tilespmem:v6+s2+$0x0], $0xffff  }
0x1e9: {  	v6 =	vor.u32 s16, v1;
	_ =	sdelay $0x3  }
0x1ea: {  	[tilespmem:s1+$0x100] =	vst v5  }
0x1eb: {  	v5 =	vld.idx.msk [tilespmem:v6+s2+$0x0], $0xffff  }
0x1ec: {  	v6 =	vor.u32 s16, v2;
	_ =	sdelay $0x3  }
0x1ed: {  	[tilespmem:s1+$0x110] =	vst v5  }
0x1ee: {  	v5 =	vld.idx.msk [tilespmem:v6+s2+$0x0], $0xffff  }
0x1ef: {  	v6 =	vor.u32 s16, v3;
	_ =	sdelay $0x3  }
0x1f0: {  	[tilespmem:s1+$0x120] =	vst v5  }
0x1f1: {  	v5 =	vld.idx.msk [tilespmem:v6+s2+$0x0], $0xffff  }
0x1f2: {  	v6 =	vor.u32 s16, v4;
	_ =	sdelay $0x3  }
0x1f3: {  	[tilespmem:s1+$0x130] =	vst v5  }
0x1f4: {  	s16 =	sadd.s32 $0xFFFFFF80, s0;
	v5 =	vld.idx.msk [tilespmem:v6+s2+$0x0], $0xffff  }
0x1f5: {  	v6 =	vor.u32 s16, v0;
	_ =	sdelay $0x3  }
0x1f6: {  	[tilespmem:s1+$0x132] =	vst v5  }
0x1f7: {  	v5 =	vld.idx.msk [tilespmem:v6+s2+$0x0], $0xffff  }
0x1f8: {  	v6 =	vor.u32 s16, v1;
	_ =	sdelay $0x3  }
0x1f9: {  	[tilespmem:s1+$0x180] =	vst v5  }
0x1fa: {  	v5 =	vld.idx.msk [tilespmem:v6+s2+$0x0], $0xffff  }
0x1fb: {  	v6 =	vor.u32 s16, v2;
	_ =	sdelay $0x3  }
0x1fc: {  	[tilespmem:s1+$0x190] =	vst v5  }
0x1fd: {  	v5 =	vld.idx.msk [tilespmem:v6+s2+$0x0], $0xffff  }
0x1fe: {  	v6 =	vor.u32 s16, v3;
	_ =	sdelay $0x3  }
0x1ff: {  	[tilespmem:s1+$0x1A0] =	vst v5  }
0x200: {  	v5 =	vld.idx.msk [tilespmem:v6+s2+$0x0], $0xffff  }
0x201: {  	v6 =	vor.u32 s16, v4;
	_ =	sdelay $0x3  }
0x202: {  	[tilespmem:s1+$0x1B0] =	vst v5  }
0x203: {  	v5 =	vld.idx.msk [tilespmem:v6+s2+$0x0], $0xffff  }
0x204: {  	v6 =	vor.u32 s0, v0;
	_ =	sdelay $0x3  }
0x205: {  	[tilespmem:s1+$0x1B2] =	vst v5  }
0x206: {  	v5 =	vld.idx.msk [tilespmem:v6+s2+$0x0], $0xffff  }
0x207: {  	v6 =	vor.u32 s0, v1;
	_ =	sdelay $0x3  }
0x208: {  	[tilespmem:s1+$0x200] =	vst v5  }
0x209: {  	v5 =	vld.idx.msk [tilespmem:v6+s2+$0x0], $0xffff  }
0x20a: {  	v6 =	vor.u32 s0, v2;
	_ =	sdelay $0x3  }
0x20b: {  	[tilespmem:s1+$0x210] =	vst v5  }
0x20c: {  	v5 =	vld.idx.msk [tilespmem:v6+s2+$0x0], $0xffff  }
0x20d: {  	v6 =	vor.u32 s0, v3;
	_ =	sdelay $0x3  }
0x20e: {  	[tilespmem:s1+$0x220] =	vst v5  }
0x20f: {  	v5 =	vld.idx.msk [tilespmem:v6+s2+$0x0], $0xffff  }
0x210: {  	v6 =	vor.u32 s0, v4;
	_ =	sdelay $0x3  }
0x211: {  	[tilespmem:s1+$0x230] =	vst v5  }
0x212: {  	v5 =	vld.idx.msk [tilespmem:v6+s2+$0x0], $0xffff;
	_ =	sdelay $0x2  }
0x213: {  	s16 =	smul.u32 $0x380, s6;
	_ =	sdelay $0x1  }
0x214: {  	s11 =	sadd.s32 s5, s16;
	s0 =	sadd.s32 s16, s9;
	s16 =	smul.u32 $0x1C00, s6;
	[tilespmem:s1+$0x232] =	vst v5  }
0x215: {  	[hbm4b:s11+s2] =	stream.linear.scatter [tilespmem:s22], [sflag:$0x3], $0x1900, $0x38;
	[tilespmem:$0x19000] =	vst v63  }
0x216: {  	s6 =	sshrl.u32 s16, $0x3  }
0x217: {  	[hbm4b:s0+s2] =	stream.linear.scatter [tilespmem:s23], [sflag:$0x3], $0x1900, $0x38;
	[tilespmem:$0x19000] =	vst v63  }
0x218: {  	p1 =	seq.s32 s15, $0xF;
	s0 =	sadd.s32 s5, s6  }
0x219: {  	s1 =	sadd.s32 @!p1 s20, s19;
	s11 =	sadd.s32 $0x700, s0  }
0x21a: {  	[hbm4b:s11+s2] =	stream.linear.scatter [tilespmem:s24], [sflag:$0x3], $0x1900, $0x38;
	[tilespmem:$0x19000] =	vst v63  }
0x21b: {  	s6 =	smul.u32 @!p1 $0x380, s1;
	s0 =	sadd.s32 $0xA80, s0  }
0x21c: {  	[hbm4b:s0+s2] =	stream.linear.scatter [tilespmem:s25], [sflag:$0x3], $0x1900, $0x38;
	[tilespmem:$0x19000] =	vst v63  }
0x21d: {  	s11 =	simm.s32 @!p1 $0x0;
	s0 =	sadd.s32 @!p1 s4, s6  }
0x21e: {  	[tilespmem:s11], [sflag:$0x1] =	stream.linear.gather @!p1 [hbm4b:s0+s11], $0x1900, $0x38;
	[tilespmem:$0x19000] =	vst v63  }
0x21f: {  	s1 =	smul.u32 @!p1 $0x1C00, s1;
	s0 =	sadd.s32 @!p1 s6, s7;
	s6 =	simm.s32 @!p1 $0x1900  }
0x220: {  	[tilespmem:s6], [sflag:$0x1] =	stream.linear.gather @!p1 [hbm4b:s0+s11], $0x1900, $0x38;
	[tilespmem:$0x19000] =	vst v63  }
0x221: {  	s0 =	sshrl.u32 @!p1 s1, $0x3  }
0x222: {  	s0 =	sadd.s32 @!p1 s4, s0  }
0x223: {  	s6 =	simm.s32 @!p1 $0x3200;
	s1 =	sadd.s32 @!p1 $0x700, s0  }
0x224: {  	[tilespmem:s6], [sflag:$0x1] =	stream.linear.gather @!p1 [hbm4b:s1+s11], $0x1900, $0x38;
	[tilespmem:$0x19000] =	vst v63  }
0x225: {  	s0 =	sadd.s32 @!p1 $0xA80, s0;
	s1 =	simm.s32 @!p1 $0x4B00  }
0x226: {  	[tilespmem:s1], [sflag:$0x1] =	stream.linear.gather @!p1 [hbm4b:s0+s11], $0x1900, $0x38;
	[tilespmem:$0x19000] =	vst v63  }
0x227: {  	_ =	swait.ge [sflag:s26], $0x1900  }
0x228: {  	[sflag:s26] =	ssyncset.done $0x0  }
0x229: {  	[sflag:s26] =	ssyncadd.s32 $0xFFFFE700  }
0x22a: {  	_ =	swait.ge [sflag:s26], $0x1900  }
0x22b: {  	[sflag:s26] =	ssyncset.done $0x0  }
0x22c: {  	[sflag:s26] =	ssyncadd.s32 $0xFFFFE700  }
0x22d: {  	_ =	swait.ge [sflag:s26], $0x1900  }
0x22e: {  	[sflag:s26] =	ssyncset.done $0x0  }
0x22f: {  	[sflag:s26] =	ssyncadd.s32 $0xFFFFE700  }
0x230: {  	_ =	swait.ge [sflag:s26], $0x1900  }
0x231: {  	[sflag:s26] =	ssyncset.done $0x0  }
0x232: {  	s0 =	simm.s32 @!p0 $0x4;
	[sflag:s26] =	ssyncadd.s32 $0xFFFFE700  }
0x233: {  	_ =	swait.ge @!p0 [sflag:s0], $0x1900  }
0x234: {  	[sflag:s0] =	ssyncset.done @!p0 $0x0  }
0x235: {  	[sflag:s0] =	ssyncadd.s32 @!p0 $0xFFFFE700  }
0x236: {  	_ =	swait.ge @!p0 [sflag:s0], $0x1900  }
0x237: {  	[sflag:s0] =	ssyncset.done @!p0 $0x0  }
0x238: {  	[sflag:s0] =	ssyncadd.s32 @!p0 $0xFFFFE700  }
0x239: {  	s16 =	simm.s32 $0x0;
	_ =	swait.ge @!p0 [sflag:s0], $0x1900  }
0x23a: {  	v5 =	vor.u32 s16, v0;
	[sflag:s0] =	ssyncset.done @!p0 $0x0  }
0x23b: {  	[sflag:s0] =	ssyncadd.s32 @!p0 $0xFFFFE700  }
0x23c: {  	_ =	swait.ge @!p0 [sflag:s0], $0x1900  }
0x23d: {  	[sflag:s0] =	ssyncset.done @!p0 $0x0  }
0x23e: {  	[sflag:s0] =	ssyncadd.s32 @!p0 $0xFFFFE700  }
0x23f: {  	v5 =	vld.idx.msk [tilespmem:v5+s14+$0x0], $0xffff  }
0x240: {  	v6 =	vor.u32 s16, v1;
	_ =	sdelay $0x2  }
0x241: {  	s6 =	simm.s32 $0x12E80  }
0x242: {  	[tilespmem:s6+$0xFFFFFD80] =	vst v5  }
0x243: {  	v5 =	vld.idx.msk [tilespmem:v6+s14+$0x0], $0xffff  }
0x244: {  	v6 =	vor.u32 s16, v2;
	_ =	sdelay $0x3  }
0x245: {  	[tilespmem:s6+$0xFFFFFD90] =	vst v5  }
0x246: {  	v5 =	vld.idx.msk [tilespmem:v6+s14+$0x0], $0xffff  }
0x247: {  	v6 =	vor.u32 s16, v3;
	_ =	sdelay $0x3  }
0x248: {  	[tilespmem:s6+$0xFFFFFDA0] =	vst v5  }
0x249: {  	v5 =	vld.idx.msk [tilespmem:v6+s14+$0x0], $0xffff  }
0x24a: {  	v6 =	vor.u32 s16, v4;
	_ =	sdelay $0x3  }
0x24b: {  	[tilespmem:s6+$0xFFFFFDB0] =	vst v5  }
0x24c: {  	s20 =	simm.s32 $0x80;
	v5 =	vld.idx.msk [tilespmem:v6+s14+$0x0], $0xffff  }
0x24d: {  	v6 =	vor.u32 s20, v0;
	_ =	sdelay $0x3  }
0x24e: {  	[tilespmem:s6+$0xFFFFFDB2] =	vst v5  }
0x24f: {  	v5 =	vld.idx.msk [tilespmem:v6+s14+$0x0], $0xffff  }
0x250: {  	v6 =	vor.u32 s20, v1;
	_ =	sdelay $0x3  }
0x251: {  	[tilespmem:s6+$0xFFFFFE00] =	vst v5  }
0x252: {  	v5 =	vld.idx.msk [tilespmem:v6+s14+$0x0], $0xffff  }
0x253: {  	v6 =	vor.u32 s20, v2;
	_ =	sdelay $0x3  }
0x254: {  	[tilespmem:s6+$0xFFFFFE10] =	vst v5  }
0x255: {  	v5 =	vld.idx.msk [tilespmem:v6+s14+$0x0], $0xffff  }
0x256: {  	v6 =	vor.u32 s20, v3;
	_ =	sdelay $0x3  }
0x257: {  	[tilespmem:s6+$0xFFFFFE20] =	vst v5  }
0x258: {  	v5 =	vld.idx.msk [tilespmem:v6+s14+$0x0], $0xffff  }
0x259: {  	v6 =	vor.u32 s20, v4;
	_ =	sdelay $0x3  }
0x25a: {  	[tilespmem:s6+$0xFFFFFE30] =	vst v5  }
0x25b: {  	s1 =	simm.s32 $0x100;
	v5 =	vld.idx.msk [tilespmem:v6+s14+$0x0], $0xffff  }
0x25c: {  	v6 =	vor.u32 s1, v0;
	_ =	sdelay $0x3  }
0x25d: {  	[tilespmem:s6+$0xFFFFFE32] =	vst v5  }
0x25e: {  	v5 =	vld.idx.msk [tilespmem:v6+s14+$0x0], $0xffff  }
0x25f: {  	v6 =	vor.u32 s1, v1;
	_ =	sdelay $0x3  }
0x260: {  	[tilespmem:s6+$0xFFFFFE80] =	vst v5  }
0x261: {  	v5 =	vld.idx.msk [tilespmem:v6+s14+$0x0], $0xffff  }
0x262: {  	v6 =	vor.u32 s1, v2;
	_ =	sdelay $0x3  }
0x263: {  	[tilespmem:s6+$0xFFFFFE90] =	vst v5  }
0x264: {  	v5 =	vld.idx.msk [tilespmem:v6+s14+$0x0], $0xffff  }
0x265: {  	v6 =	vor.u32 s1, v3;
	_ =	sdelay $0x3  }
0x266: {  	[tilespmem:s6+$0xFFFFFEA0] =	vst v5  }
0x267: {  	v5 =	vld.idx.msk [tilespmem:v6+s14+$0x0], $0xffff  }
0x268: {  	v6 =	vor.u32 s1, v4;
	_ =	sdelay $0x3  }
0x269: {  	[tilespmem:s6+$0xFFFFFEB0] =	vst v5  }
0x26a: {  	s11 =	simm.s32 $0x180;
	v5 =	vld.idx.msk [tilespmem:v6+s14+$0x0], $0xffff  }
0x26b: {  	v6 =	vor.u32 s11, v0;
	_ =	sdelay $0x3  }
0x26c: {  	[tilespmem:s6+$0xFFFFFEB2] =	vst v5  }
0x26d: {  	v5 =	vld.idx.msk [tilespmem:v6+s14+$0x0], $0xffff  }
0x26e: {  	v6 =	vor.u32 s11, v1;
	_ =	sdelay $0x3  }
0x26f: {  	[tilespmem:s6+$0xFFFFFF00] =	vst v5  }
0x270: {  	v5 =	vld.idx.msk [tilespmem:v6+s14+$0x0], $0xffff  }
0x271: {  	v6 =	vor.u32 s11, v2;
	_ =	sdelay $0x3  }
0x272: {  	[tilespmem:s6+$0xFFFFFF10] =	vst v5  }
0x273: {  	v5 =	vld.idx.msk [tilespmem:v6+s14+$0x0], $0xffff  }
0x274: {  	v6 =	vor.u32 s11, v3;
	_ =	sdelay $0x3  }
0x275: {  	[tilespmem:s6+$0xFFFFFF20] =	vst v5  }
0x276: {  	v5 =	vld.idx.msk [tilespmem:v6+s14+$0x0], $0xffff  }
0x277: {  	v6 =	vor.u32 s11, v4;
	_ =	sdelay $0x3  }
0x278: {  	[tilespmem:s6+$0xFFFFFF30] =	vst v5  }
0x279: {  	s16 =	simm.s32 $0x200;
	v5 =	vld.idx.msk [tilespmem:v6+s14+$0x0], $0xffff  }
0x27a: {  	v6 =	vor.u32 s16, v0;
	_ =	sdelay $0x3  }
0x27b: {  	[tilespmem:s6+$0xFFFFFF32] =	vst v5  }
0x27c: {  	v5 =	vld.idx.msk [tilespmem:v6+s14+$0x0], $0xffff  }
0x27d: {  	v6 =	vor.u32 s16, v1;
	_ =	sdelay $0x3  }
0x27e: {  	[tilespmem:s6+$0xFFFFFF80] =	vst v5  }
0x27f: {  	v5 =	vld.idx.msk [tilespmem:v6+s14+$0x0], $0xffff  }
0x280: {  	v6 =	vor.u32 s16, v2;
	_ =	sdelay $0x3  }
0x281: {  	[tilespmem:s6+$0xFFFFFF90] =	vst v5  }
0x282: {  	v5 =	vld.idx.msk [tilespmem:v6+s14+$0x0], $0xffff  }
0x283: {  	v6 =	vor.u32 s16, v3;
	_ =	sdelay $0x3  }
0x284: {  	[tilespmem:s6+$0xFFFFFFA0] =	vst v5  }
0x285: {  	v5 =	vld.idx.msk [tilespmem:v6+s14+$0x0], $0xffff  }
0x286: {  	v6 =	vor.u32 s16, v4;
	_ =	sdelay $0x3  }
0x287: {  	[tilespmem:s6+$0xFFFFFFB0] =	vst v5  }
0x288: {  	s20 =	simm.s32 $0x280;
	v5 =	vld.idx.msk [tilespmem:v6+s14+$0x0], $0xffff  }
0x289: {  	v6 =	vor.u32 s20, v0;
	_ =	sdelay $0x3  }
0x28a: {  	[tilespmem:s6+$0xFFFFFFB2] =	vst v5  }
0x28b: {  	v5 =	vld.idx.msk [tilespmem:v6+s14+$0x0], $0xffff  }
0x28c: {  	v6 =	vor.u32 s20, v1;
	_ =	sdelay $0x3  }
0x28d: {  	[tilespmem:s6+$0x0] =	vst v5  }
0x28e: {  	v5 =	vld.idx.msk [tilespmem:v6+s14+$0x0], $0xffff  }
0x28f: {  	v6 =	vor.u32 s20, v2;
	_ =	sdelay $0x3  }
0x290: {  	[tilespmem:s6+$0x10] =	vst v5  }
0x291: {  	v5 =	vld.idx.msk [tilespmem:v6+s14+$0x0], $0xffff  }
0x292: {  	v6 =	vor.u32 s20, v3;
	_ =	sdelay $0x3  }
0x293: {  	[tilespmem:s6+$0x20] =	vst v5  }
0x294: {  	v5 =	vld.idx.msk [tilespmem:v6+s14+$0x0], $0xffff  }
0x295: {  	v6 =	vor.u32 s20, v4;
	_ =	sdelay $0x3  }
0x296: {  	[tilespmem:s6+$0x30] =	vst v5  }
0x297: {  	s1 =	simm.s32 $0x300;
	v5 =	vld.idx.msk [tilespmem:v6+s14+$0x0], $0xffff  }
0x298: {  	v6 =	vor.u32 s1, v0;
	_ =	sdelay $0x3  }
0x299: {  	[tilespmem:s6+$0x32] =	vst v5  }
0x29a: {  	v5 =	vld.idx.msk [tilespmem:v6+s14+$0x0], $0xffff  }
0x29b: {  	v6 =	vor.u32 s1, v1;
	_ =	sdelay $0x3  }
0x29c: {  	[tilespmem:s6+$0x80] =	vst v5  }
0x29d: {  	v5 =	vld.idx.msk [tilespmem:v6+s14+$0x0], $0xffff  }
0x29e: {  	v6 =	vor.u32 s1, v2;
	_ =	sdelay $0x3  }
0x29f: {  	[tilespmem:s6+$0x90] =	vst v5  }
0x2a0: {  	v5 =	vld.idx.msk [tilespmem:v6+s14+$0x0], $0xffff  }
0x2a1: {  	v6 =	vor.u32 s1, v3;
	_ =	sdelay $0x3  }
0x2a2: {  	[tilespmem:s6+$0xA0] =	vst v5  }
0x2a3: {  	v5 =	vld.idx.msk [tilespmem:v6+s14+$0x0], $0xffff  }
0x2a4: {  	v6 =	vor.u32 s1, v4;
	_ =	sdelay $0x3  }
0x2a5: {  	[tilespmem:s6+$0xB0] =	vst v5  }
0x2a6: {  	s11 =	simm.s32 $0x380;
	v5 =	vld.idx.msk [tilespmem:v6+s14+$0x0], $0xffff  }
0x2a7: {  	v6 =	vor.u32 s11, v0;
	_ =	sdelay $0x3  }
0x2a8: {  	[tilespmem:s6+$0xB2] =	vst v5  }
0x2a9: {  	v5 =	vld.idx.msk [tilespmem:v6+s14+$0x0], $0xffff  }
0x2aa: {  	v6 =	vor.u32 s11, v1;
	_ =	sdelay $0x3  }
0x2ab: {  	[tilespmem:s6+$0x100] =	vst v5  }
0x2ac: {  	v5 =	vld.idx.msk [tilespmem:v6+s14+$0x0], $0xffff  }
0x2ad: {  	v6 =	vor.u32 s11, v2;
	_ =	sdelay $0x3  }
0x2ae: {  	[tilespmem:s6+$0x110] =	vst v5  }
0x2af: {  	v5 =	vld.idx.msk [tilespmem:v6+s14+$0x0], $0xffff  }
0x2b0: {  	v6 =	vor.u32 s11, v3;
	_ =	sdelay $0x3  }
0x2b1: {  	[tilespmem:s6+$0x120] =	vst v5  }
0x2b2: {  	v5 =	vld.idx.msk [tilespmem:v6+s14+$0x0], $0xffff  }
0x2b3: {  	v6 =	vor.u32 s11, v4;
	_ =	sdelay $0x3  }
0x2b4: {  	[tilespmem:s6+$0x130] =	vst v5  }
0x2b5: {  	s16 =	simm.s32 $0x400;
	v5 =	vld.idx.msk [tilespmem:v6+s14+$0x0], $0xffff  }
0x2b6: {  	v6 =	vor.u32 s16, v0;
	_ =	sdelay $0x3  }
0x2b7: {  	[tilespmem:s6+$0x132] =	vst v5  }
0x2b8: {  	v5 =	vld.idx.msk [tilespmem:v6+s14+$0x0], $0xffff  }
0x2b9: {  	v6 =	vor.u32 s16, v1;
	_ =	sdelay $0x3  }
0x2ba: {  	[tilespmem:s6+$0x180] =	vst v5  }
0x2bb: {  	v5 =	vld.idx.msk [tilespmem:v6+s14+$0x0], $0xffff  }
0x2bc: {  	v6 =	vor.u32 s16, v2;
	_ =	sdelay $0x3  }
0x2bd: {  	[tilespmem:s6+$0x190] =	vst v5  }
0x2be: {  	v5 =	vld.idx.msk [tilespmem:v6+s14+$0x0], $0xffff  }
0x2bf: {  	v6 =	vor.u32 s16, v3;
	_ =	sdelay $0x3  }
0x2c0: {  	[tilespmem:s6+$0x1A0] =	vst v5  }
0x2c1: {  	v5 =	vld.idx.msk [tilespmem:v6+s14+$0x0], $0xffff  }
0x2c2: {  	v6 =	vor.u32 s16, v4;
	_ =	sdelay $0x3  }
0x2c3: {  	[tilespmem:s6+$0x1B0] =	vst v5  }
0x2c4: {  	s20 =	simm.s32 $0x480;
	v5 =	vld.idx.msk [tilespmem:v6+s14+$0x0], $0xffff  }
0x2c5: {  	v6 =	vor.u32 s20, v0;
	_ =	sdelay $0x3  }
0x2c6: {  	[tilespmem:s6+$0x1B2] =	vst v5  }
0x2c7: {  	v5 =	vld.idx.msk [tilespmem:v6+s14+$0x0], $0xffff  }
0x2c8: {  	v6 =	vor.u32 s20, v1;
	_ =	sdelay $0x3  }
0x2c9: {  	[tilespmem:s6+$0x200] =	vst v5  }
0x2ca: {  	v5 =	vld.idx.msk [tilespmem:v6+s14+$0x0], $0xffff  }
0x2cb: {  	v6 =	vor.u32 s20, v2;
	_ =	sdelay $0x3  }
0x2cc: {  	[tilespmem:s6+$0x210] =	vst v5  }
0x2cd: {  	v5 =	vld.idx.msk [tilespmem:v6+s14+$0x0], $0xffff  }
0x2ce: {  	v6 =	vor.u32 s20, v3;
	_ =	sdelay $0x3  }
0x2cf: {  	[tilespmem:s6+$0x220] =	vst v5  }
0x2d0: {  	v5 =	vld.idx.msk [tilespmem:v6+s14+$0x0], $0xffff  }
0x2d1: {  	v6 =	vor.u32 s20, v4;
	_ =	sdelay $0x3  }
0x2d2: {  	[tilespmem:s6+$0x230] =	vst v5  }
0x2d3: {  	s15 =	sadd.s32 $0x1, s15;
	s0 =	simm.s32 $0x980;
	s1 =	simm.s32 $0x1D;
	v5 =	vld.idx.msk [tilespmem:v6+s14+$0x0], $0xffff  }
.LBB2_5:
0x2d4: {  	p0 =	sne.s32 s1, $0xC7;
	s11 =	sadd.s32 $0xFFFFFB80, s0  }
0x2d5: {  	v6 =	vor.u32 s11, v0;
	_ =	sdelay $0x3  }
0x2d6: {  	[tilespmem:s6+$0x232] =	vst v5  }
0x2d7: {  	v5 =	vld.idx.msk [tilespmem:v6+s14+$0x0], $0xffff;
	_ =	sdelay $0x1  }
0x2d8: {  	v6 =	vor.u32 s11, v1;
	_ =	sdelay $0x2  }
0x2d9: {  	s6 =	sadd.s32 $0x500, s6  }
0x2da: {  	[tilespmem:s6+$0xFFFFFD80] =	vst v5  }
0x2db: {  	v5 =	vld.idx.msk [tilespmem:v6+s14+$0x0], $0xffff;
	_ =	sdelay $0x1  }
0x2dc: {  	v6 =	vor.u32 s11, v2;
	_ =	sdelay $0x3  }
0x2dd: {  	[tilespmem:s6+$0xFFFFFD90] =	vst v5  }
0x2de: {  	v5 =	vld.idx.msk [tilespmem:v6+s14+$0x0], $0xffff;
	_ =	sdelay $0x1  }
0x2df: {  	v6 =	vor.u32 s11, v3;
	_ =	sdelay $0x3  }
0x2e0: {  	[tilespmem:s6+$0xFFFFFDA0] =	vst v5  }
0x2e1: {  	v5 =	vld.idx.msk [tilespmem:v6+s14+$0x0], $0xffff;
	_ =	sdelay $0x1  }
0x2e2: {  	v6 =	vor.u32 s11, v4;
	_ =	sdelay $0x3  }
0x2e3: {  	[tilespmem:s6+$0xFFFFFDB0] =	vst v5  }
0x2e4: {  	v5 =	vld.idx.msk [tilespmem:v6+s14+$0x0], $0xffff  }
0x2e5: {  	s11 =	sadd.s32 $0xFFFFFC00, s0  }
0x2e6: {  	v6 =	vor.u32 s11, v0;
	_ =	sdelay $0x3  }
0x2e7: {  	[tilespmem:s6+$0xFFFFFDB2] =	vst v5  }
0x2e8: {  	v5 =	vld.idx.msk [tilespmem:v6+s14+$0x0], $0xffff;
	_ =	sdelay $0x1  }
0x2e9: {  	v6 =	vor.u32 s11, v1;
	_ =	sdelay $0x3  }
0x2ea: {  	[tilespmem:s6+$0xFFFFFE00] =	vst v5  }
0x2eb: {  	v5 =	vld.idx.msk [tilespmem:v6+s14+$0x0], $0xffff;
	_ =	sdelay $0x1  }
0x2ec: {  	v6 =	vor.u32 s11, v2;
	_ =	sdelay $0x3  }
0x2ed: {  	[tilespmem:s6+$0xFFFFFE10] =	vst v5  }
0x2ee: {  	v5 =	vld.idx.msk [tilespmem:v6+s14+$0x0], $0xffff;
	_ =	sdelay $0x1  }
0x2ef: {  	v6 =	vor.u32 s11, v3;
	_ =	sdelay $0x3  }
0x2f0: {  	[tilespmem:s6+$0xFFFFFE20] =	vst v5  }
0x2f1: {  	v5 =	vld.idx.msk [tilespmem:v6+s14+$0x0], $0xffff;
	_ =	sdelay $0x1  }
0x2f2: {  	v6 =	vor.u32 s11, v4;
	_ =	sdelay $0x3  }
0x2f3: {  	[tilespmem:s6+$0xFFFFFE30] =	vst v5  }
0x2f4: {  	v5 =	vld.idx.msk [tilespmem:v6+s14+$0x0], $0xffff  }
0x2f5: {  	s11 =	sadd.s32 $0xFFFFFC80, s0  }
0x2f6: {  	v6 =	vor.u32 s11, v0;
	_ =	sdelay $0x3  }
0x2f7: {  	[tilespmem:s6+$0xFFFFFE32] =	vst v5  }
0x2f8: {  	v5 =	vld.idx.msk [tilespmem:v6+s14+$0x0], $0xffff;
	_ =	sdelay $0x1  }
0x2f9: {  	v6 =	vor.u32 s11, v1;
	_ =	sdelay $0x3  }
0x2fa: {  	[tilespmem:s6+$0xFFFFFE80] =	vst v5  }
0x2fb: {  	v5 =	vld.idx.msk [tilespmem:v6+s14+$0x0], $0xffff;
	_ =	sdelay $0x1  }
0x2fc: {  	v6 =	vor.u32 s11, v2;
	_ =	sdelay $0x3  }
0x2fd: {  	[tilespmem:s6+$0xFFFFFE90] =	vst v5  }
0x2fe: {  	v5 =	vld.idx.msk [tilespmem:v6+s14+$0x0], $0xffff;
	_ =	sdelay $0x1  }
0x2ff: {  	v6 =	vor.u32 s11, v3;
	_ =	sdelay $0x3  }
0x300: {  	[tilespmem:s6+$0xFFFFFEA0] =	vst v5  }
0x301: {  	v5 =	vld.idx.msk [tilespmem:v6+s14+$0x0], $0xffff;
	_ =	sdelay $0x1  }
0x302: {  	v6 =	vor.u32 s11, v4;
	_ =	sdelay $0x3  }
0x303: {  	[tilespmem:s6+$0xFFFFFEB0] =	vst v5  }
0x304: {  	v5 =	vld.idx.msk [tilespmem:v6+s14+$0x0], $0xffff  }
0x305: {  	s11 =	sadd.s32 $0xFFFFFD00, s0  }
0x306: {  	v6 =	vor.u32 s11, v0;
	_ =	sdelay $0x3  }
0x307: {  	[tilespmem:s6+$0xFFFFFEB2] =	vst v5  }
0x308: {  	v5 =	vld.idx.msk [tilespmem:v6+s14+$0x0], $0xffff;
	_ =	sdelay $0x1  }
0x309: {  	v6 =	vor.u32 s11, v1;
	_ =	sdelay $0x3  }
0x30a: {  	[tilespmem:s6+$0xFFFFFF00] =	vst v5  }
0x30b: {  	v5 =	vld.idx.msk [tilespmem:v6+s14+$0x0], $0xffff;
	_ =	sdelay $0x1  }
0x30c: {  	v6 =	vor.u32 s11, v2;
	_ =	sdelay $0x3  }
0x30d: {  	[tilespmem:s6+$0xFFFFFF10] =	vst v5  }
0x30e: {  	v5 =	vld.idx.msk [tilespmem:v6+s14+$0x0], $0xffff;
	_ =	sdelay $0x1  }
0x30f: {  	v6 =	vor.u32 s11, v3;
	_ =	sdelay $0x3  }
0x310: {  	[tilespmem:s6+$0xFFFFFF20] =	vst v5  }
0x311: {  	v5 =	vld.idx.msk [tilespmem:v6+s14+$0x0], $0xffff;
	_ =	sdelay $0x1  }
0x312: {  	v6 =	vor.u32 s11, v4;
	_ =	sdelay $0x3  }
0x313: {  	[tilespmem:s6+$0xFFFFFF30] =	vst v5  }
0x314: {  	v5 =	vld.idx.msk [tilespmem:v6+s14+$0x0], $0xffff  }
0x315: {  	s11 =	sadd.s32 $0xFFFFFD80, s0  }
0x316: {  	v6 =	vor.u32 s11, v0;
	_ =	sdelay $0x3  }
0x317: {  	[tilespmem:s6+$0xFFFFFF32] =	vst v5  }
0x318: {  	v5 =	vld.idx.msk [tilespmem:v6+s14+$0x0], $0xffff;
	_ =	sdelay $0x1  }
0x319: {  	v6 =	vor.u32 s11, v1;
	_ =	sdelay $0x3  }
0x31a: {  	[tilespmem:s6+$0xFFFFFF80] =	vst v5  }
0x31b: {  	v5 =	vld.idx.msk [tilespmem:v6+s14+$0x0], $0xffff;
	_ =	sdelay $0x1  }
0x31c: {  	v6 =	vor.u32 s11, v2;
	_ =	sdelay $0x3  }
0x31d: {  	[tilespmem:s6+$0xFFFFFF90] =	vst v5  }
0x31e: {  	v5 =	vld.idx.msk [tilespmem:v6+s14+$0x0], $0xffff;
	_ =	sdelay $0x1  }
0x31f: {  	v6 =	vor.u32 s11, v3;
	_ =	sdelay $0x3  }
0x320: {  	[tilespmem:s6+$0xFFFFFFA0] =	vst v5  }
0x321: {  	v5 =	vld.idx.msk [tilespmem:v6+s14+$0x0], $0xffff;
	_ =	sdelay $0x1  }
0x322: {  	v6 =	vor.u32 s11, v4;
	_ =	sdelay $0x3  }
0x323: {  	[tilespmem:s6+$0xFFFFFFB0] =	vst v5  }
0x324: {  	v5 =	vld.idx.msk [tilespmem:v6+s14+$0x0], $0xffff  }
0x325: {  	s11 =	sadd.s32 $0xFFFFFE00, s0  }
0x326: {  	v6 =	vor.u32 s11, v0;
	_ =	sdelay $0x3  }
0x327: {  	[tilespmem:s6+$0xFFFFFFB2] =	vst v5  }
0x328: {  	v5 =	vld.idx.msk [tilespmem:v6+s14+$0x0], $0xffff;
	_ =	sdelay $0x1  }
0x329: {  	v6 =	vor.u32 s11, v1;
	_ =	sdelay $0x3  }
0x32a: {  	[tilespmem:s6+$0x0] =	vst v5  }
0x32b: {  	v5 =	vld.idx.msk [tilespmem:v6+s14+$0x0], $0xffff;
	_ =	sdelay $0x1  }
0x32c: {  	v6 =	vor.u32 s11, v2;
	_ =	sdelay $0x3  }
0x32d: {  	[tilespmem:s6+$0x10] =	vst v5  }
0x32e: {  	v5 =	vld.idx.msk [tilespmem:v6+s14+$0x0], $0xffff;
	_ =	sdelay $0x1  }
0x32f: {  	v6 =	vor.u32 s11, v3;
	_ =	sdelay $0x3  }
0x330: {  	[tilespmem:s6+$0x20] =	vst v5  }
0x331: {  	v5 =	vld.idx.msk [tilespmem:v6+s14+$0x0], $0xffff;
	_ =	sdelay $0x1  }
0x332: {  	v6 =	vor.u32 s11, v4;
	_ =	sdelay $0x3  }
0x333: {  	[tilespmem:s6+$0x30] =	vst v5  }
0x334: {  	v5 =	vld.idx.msk [tilespmem:v6+s14+$0x0], $0xffff  }
0x335: {  	s11 =	sadd.s32 $0xFFFFFE80, s0  }
0x336: {  	v6 =	vor.u32 s11, v0;
	_ =	sdelay $0x3  }
0x337: {  	[tilespmem:s6+$0x32] =	vst v5  }
0x338: {  	v5 =	vld.idx.msk [tilespmem:v6+s14+$0x0], $0xffff;
	_ =	sdelay $0x1  }
0x339: {  	v6 =	vor.u32 s11, v1;
	_ =	sdelay $0x3  }
0x33a: {  	[tilespmem:s6+$0x80] =	vst v5  }
0x33b: {  	v5 =	vld.idx.msk [tilespmem:v6+s14+$0x0], $0xffff;
	_ =	sdelay $0x1  }
0x33c: {  	v6 =	vor.u32 s11, v2;
	_ =	sdelay $0x3  }
0x33d: {  	[tilespmem:s6+$0x90] =	vst v5  }
0x33e: {  	v5 =	vld.idx.msk [tilespmem:v6+s14+$0x0], $0xffff;
	_ =	sdelay $0x1  }
0x33f: {  	v6 =	vor.u32 s11, v3;
	_ =	sdelay $0x3  }
0x340: {  	[tilespmem:s6+$0xA0] =	vst v5  }
0x341: {  	v5 =	vld.idx.msk [tilespmem:v6+s14+$0x0], $0xffff;
	_ =	sdelay $0x1  }
0x342: {  	v6 =	vor.u32 s11, v4;
	_ =	sdelay $0x3  }
0x343: {  	[tilespmem:s6+$0xB0] =	vst v5  }
0x344: {  	v5 =	vld.idx.msk [tilespmem:v6+s14+$0x0], $0xffff  }
0x345: {  	s11 =	sadd.s32 $0xFFFFFF00, s0  }
0x346: {  	v6 =	vor.u32 s11, v0;
	_ =	sdelay $0x3  }
0x347: {  	[tilespmem:s6+$0xB2] =	vst v5  }
0x348: {  	v5 =	vld.idx.msk [tilespmem:v6+s14+$0x0], $0xffff;
	_ =	sdelay $0x1  }
0x349: {  	v6 =	vor.u32 s11, v1;
	_ =	sdelay $0x3  }
0x34a: {  	[tilespmem:s6+$0x100] =	vst v5  }
0x34b: {  	v5 =	vld.idx.msk [tilespmem:v6+s14+$0x0], $0xffff;
	_ =	sdelay $0x1  }
0x34c: {  	v6 =	vor.u32 s11, v2;
	_ =	sdelay $0x3  }
0x34d: {  	[tilespmem:s6+$0x110] =	vst v5  }
0x34e: {  	v5 =	vld.idx.msk [tilespmem:v6+s14+$0x0], $0xffff;
	_ =	sdelay $0x1  }
0x34f: {  	v6 =	vor.u32 s11, v3;
	_ =	sdelay $0x3  }
0x350: {  	[tilespmem:s6+$0x120] =	vst v5  }
0x351: {  	v5 =	vld.idx.msk [tilespmem:v6+s14+$0x0], $0xffff;
	_ =	sdelay $0x1  }
0x352: {  	v6 =	vor.u32 s11, v4;
	_ =	sdelay $0x3  }
0x353: {  	[tilespmem:s6+$0x130] =	vst v5  }
0x354: {  	v5 =	vld.idx.msk [tilespmem:v6+s14+$0x0], $0xffff  }
0x355: {  	s11 =	sadd.s32 $0xFFFFFF80, s0  }
0x356: {  	v6 =	vor.u32 s11, v0;
	_ =	sdelay $0x3  }
0x357: {  	[tilespmem:s6+$0x132] =	vst v5  }
0x358: {  	v5 =	vld.idx.msk [tilespmem:v6+s14+$0x0], $0xffff;
	_ =	sdelay $0x1  }
0x359: {  	v6 =	vor.u32 s11, v1;
	_ =	sdelay $0x3  }
0x35a: {  	[tilespmem:s6+$0x180] =	vst v5  }
0x35b: {  	v5 =	vld.idx.msk [tilespmem:v6+s14+$0x0], $0xffff;
	_ =	sdelay $0x1  }
0x35c: {  	v6 =	vor.u32 s11, v2;
	_ =	sdelay $0x3  }
0x35d: {  	[tilespmem:s6+$0x190] =	vst v5  }
0x35e: {  	v5 =	vld.idx.msk [tilespmem:v6+s14+$0x0], $0xffff;
	_ =	sdelay $0x1  }
0x35f: {  	v6 =	vor.u32 s11, v3;
	_ =	sdelay $0x3  }
0x360: {  	[tilespmem:s6+$0x1A0] =	vst v5  }
0x361: {  	v5 =	vld.idx.msk [tilespmem:v6+s14+$0x0], $0xffff;
	_ =	sdelay $0x1  }
0x362: {  	v6 =	vor.u32 s11, v4;
	_ =	sdelay $0x3  }
0x363: {  	[tilespmem:s6+$0x1B0] =	vst v5  }
0x364: {  	v5 =	vld.idx.msk [tilespmem:v6+s14+$0x0], $0xffff;
	_ =	sdelay $0x1  }
0x365: {  	v6 =	vor.u32 s0, v0;
	_ =	sdelay $0x3  }
0x366: {  	[tilespmem:s6+$0x1B2] =	vst v5  }
0x367: {  	v5 =	vld.idx.msk [tilespmem:v6+s14+$0x0], $0xffff;
	_ =	sdelay $0x1  }
0x368: {  	v6 =	vor.u32 s0, v1;
	_ =	sdelay $0x3  }
0x369: {  	[tilespmem:s6+$0x200] =	vst v5  }
0x36a: {  	v5 =	vld.idx.msk [tilespmem:v6+s14+$0x0], $0xffff;
	_ =	sdelay $0x1  }
0x36b: {  	v6 =	vor.u32 s0, v2;
	_ =	sdelay $0x3  }
0x36c: {  	[tilespmem:s6+$0x210] =	vst v5  }
0x36d: {  	v5 =	vld.idx.msk [tilespmem:v6+s14+$0x0], $0xffff;
	_ =	sdelay $0x1  }
0x36e: {  	v6 =	vor.u32 s0, v3;
	_ =	sdelay $0x3  }
0x36f: {  	[tilespmem:s6+$0x220] =	vst v5  }
0x370: {  	v5 =	vld.idx.msk [tilespmem:v6+s14+$0x0], $0xffff;
	_ =	sdelay $0x1  }
0x371: {  	v6 =	vor.u32 s0, v4  }
.Ltmp1:
0x372: {  	(pc) =	sbr.rel @p0 .LBB2_5-.Ltmp1, $3  }
0x373: {  	_ =	sdelay $0x1  }
0x374: {  	[tilespmem:s6+$0x230] =	vst v5  }
0x375: {  	s0 =	sshll.u32 s1, $0x7;
	s1 =	sadd.s32 $0xA, s1;
	v5 =	vld.idx.msk [tilespmem:v6+s14+$0x0], $0xffff  }
0x376: {  	s11 =	sadd.s32 $0xFFFFFB80, s0  }
0x377: {  	v6 =	vor.u32 s11, v0;
	_ =	sdelay $0x3  }
0x378: {  	[tilespmem:s6+$0x232] =	vst v5  }
0x379: {  	v5 =	vld.idx.msk [tilespmem:v6+s14+$0x0], $0xffff  }
0x37a: {  	v6 =	vor.u32 s11, v1;
	_ =	sdelay $0x2  }
0x37b: {  	s1 =	sadd.s32 $0x500, s6  }
0x37c: {  	[tilespmem:s1+$0xFFFFFD80] =	vst v5  }
0x37d: {  	v5 =	vld.idx.msk [tilespmem:v6+s14+$0x0], $0xffff  }
0x37e: {  	v6 =	vor.u32 s11, v2;
	_ =	sdelay $0x3  }
0x37f: {  	[tilespmem:s1+$0xFFFFFD90] =	vst v5  }
0x380: {  	v5 =	vld.idx.msk [tilespmem:v6+s14+$0x0], $0xffff  }
0x381: {  	v6 =	vor.u32 s11, v3;
	_ =	sdelay $0x3  }
0x382: {  	[tilespmem:s1+$0xFFFFFDA0] =	vst v5  }
0x383: {  	v5 =	vld.idx.msk [tilespmem:v6+s14+$0x0], $0xffff  }
0x384: {  	v6 =	vor.u32 s11, v4;
	_ =	sdelay $0x3  }
0x385: {  	[tilespmem:s1+$0xFFFFFDB0] =	vst v5  }
0x386: {  	s20 =	sadd.s32 $0xFFFFFC00, s0;
	v5 =	vld.idx.msk [tilespmem:v6+s14+$0x0], $0xffff  }
0x387: {  	v6 =	vor.u32 s20, v0;
	_ =	sdelay $0x3  }
0x388: {  	[tilespmem:s1+$0xFFFFFDB2] =	vst v5  }
0x389: {  	v5 =	vld.idx.msk [tilespmem:v6+s14+$0x0], $0xffff  }
0x38a: {  	v6 =	vor.u32 s20, v1;
	_ =	sdelay $0x3  }
0x38b: {  	[tilespmem:s1+$0xFFFFFE00] =	vst v5  }
0x38c: {  	v5 =	vld.idx.msk [tilespmem:v6+s14+$0x0], $0xffff  }
0x38d: {  	v6 =	vor.u32 s20, v2;
	_ =	sdelay $0x3  }
0x38e: {  	[tilespmem:s1+$0xFFFFFE10] =	vst v5  }
0x38f: {  	v5 =	vld.idx.msk [tilespmem:v6+s14+$0x0], $0xffff  }
0x390: {  	v6 =	vor.u32 s20, v3;
	_ =	sdelay $0x3  }
0x391: {  	[tilespmem:s1+$0xFFFFFE20] =	vst v5  }
0x392: {  	v5 =	vld.idx.msk [tilespmem:v6+s14+$0x0], $0xffff  }
0x393: {  	v6 =	vor.u32 s20, v4;
	_ =	sdelay $0x3  }
0x394: {  	[tilespmem:s1+$0xFFFFFE30] =	vst v5  }
0x395: {  	s11 =	sadd.s32 $0xFFFFFC80, s0;
	v5 =	vld.idx.msk [tilespmem:v6+s14+$0x0], $0xffff  }
0x396: {  	v6 =	vor.u32 s11, v0;
	_ =	sdelay $0x3  }
0x397: {  	[tilespmem:s1+$0xFFFFFE32] =	vst v5  }
0x398: {  	v5 =	vld.idx.msk [tilespmem:v6+s14+$0x0], $0xffff  }
0x399: {  	v6 =	vor.u32 s11, v1;
	_ =	sdelay $0x3  }
0x39a: {  	[tilespmem:s1+$0xFFFFFE80] =	vst v5  }
0x39b: {  	v5 =	vld.idx.msk [tilespmem:v6+s14+$0x0], $0xffff  }
0x39c: {  	v6 =	vor.u32 s11, v2;
	_ =	sdelay $0x3  }
0x39d: {  	[tilespmem:s1+$0xFFFFFE90] =	vst v5  }
0x39e: {  	v5 =	vld.idx.msk [tilespmem:v6+s14+$0x0], $0xffff  }
0x39f: {  	v6 =	vor.u32 s11, v3;
	_ =	sdelay $0x3  }
0x3a0: {  	[tilespmem:s1+$0xFFFFFEA0] =	vst v5  }
0x3a1: {  	v5 =	vld.idx.msk [tilespmem:v6+s14+$0x0], $0xffff  }
0x3a2: {  	v6 =	vor.u32 s11, v4;
	_ =	sdelay $0x3  }
0x3a3: {  	[tilespmem:s1+$0xFFFFFEB0] =	vst v5  }
0x3a4: {  	s16 =	sadd.s32 $0xFFFFFD00, s0;
	v5 =	vld.idx.msk [tilespmem:v6+s14+$0x0], $0xffff  }
0x3a5: {  	v6 =	vor.u32 s16, v0;
	_ =	sdelay $0x3  }
0x3a6: {  	[tilespmem:s1+$0xFFFFFEB2] =	vst v5  }
0x3a7: {  	v5 =	vld.idx.msk [tilespmem:v6+s14+$0x0], $0xffff  }
0x3a8: {  	v6 =	vor.u32 s16, v1;
	_ =	sdelay $0x3  }
0x3a9: {  	[tilespmem:s1+$0xFFFFFF00] =	vst v5  }
0x3aa: {  	v5 =	vld.idx.msk [tilespmem:v6+s14+$0x0], $0xffff  }
0x3ab: {  	v6 =	vor.u32 s16, v2;
	_ =	sdelay $0x3  }
0x3ac: {  	[tilespmem:s1+$0xFFFFFF10] =	vst v5  }
0x3ad: {  	v5 =	vld.idx.msk [tilespmem:v6+s14+$0x0], $0xffff  }
0x3ae: {  	v6 =	vor.u32 s16, v3;
	_ =	sdelay $0x3  }
0x3af: {  	[tilespmem:s1+$0xFFFFFF20] =	vst v5  }
0x3b0: {  	v5 =	vld.idx.msk [tilespmem:v6+s14+$0x0], $0xffff  }
0x3b1: {  	v6 =	vor.u32 s16, v4;
	_ =	sdelay $0x3  }
0x3b2: {  	[tilespmem:s1+$0xFFFFFF30] =	vst v5  }
0x3b3: {  	s20 =	sadd.s32 $0xFFFFFD80, s0;
	v5 =	vld.idx.msk [tilespmem:v6+s14+$0x0], $0xffff  }
0x3b4: {  	v6 =	vor.u32 s20, v0;
	_ =	sdelay $0x3  }
0x3b5: {  	[tilespmem:s1+$0xFFFFFF32] =	vst v5  }
0x3b6: {  	v5 =	vld.idx.msk [tilespmem:v6+s14+$0x0], $0xffff  }
0x3b7: {  	v6 =	vor.u32 s20, v1;
	_ =	sdelay $0x3  }
0x3b8: {  	[tilespmem:s1+$0xFFFFFF80] =	vst v5  }
0x3b9: {  	v5 =	vld.idx.msk [tilespmem:v6+s14+$0x0], $0xffff  }
0x3ba: {  	v6 =	vor.u32 s20, v2;
	_ =	sdelay $0x3  }
0x3bb: {  	[tilespmem:s1+$0xFFFFFF90] =	vst v5  }
0x3bc: {  	v5 =	vld.idx.msk [tilespmem:v6+s14+$0x0], $0xffff  }
0x3bd: {  	v6 =	vor.u32 s20, v3;
	_ =	sdelay $0x3  }
0x3be: {  	[tilespmem:s1+$0xFFFFFFA0] =	vst v5  }
0x3bf: {  	v5 =	vld.idx.msk [tilespmem:v6+s14+$0x0], $0xffff  }
0x3c0: {  	v6 =	vor.u32 s20, v4;
	_ =	sdelay $0x3  }
0x3c1: {  	[tilespmem:s1+$0xFFFFFFB0] =	vst v5  }
0x3c2: {  	s11 =	sadd.s32 $0xFFFFFE00, s0;
	v5 =	vld.idx.msk [tilespmem:v6+s14+$0x0], $0xffff  }
0x3c3: {  	v6 =	vor.u32 s11, v0;
	_ =	sdelay $0x3  }
0x3c4: {  	[tilespmem:s1+$0xFFFFFFB2] =	vst v5  }
0x3c5: {  	v5 =	vld.idx.msk [tilespmem:v6+s14+$0x0], $0xffff  }
0x3c6: {  	v6 =	vor.u32 s11, v1;
	_ =	sdelay $0x3  }
0x3c7: {  	[tilespmem:s1+$0x0] =	vst v5  }
0x3c8: {  	v5 =	vld.idx.msk [tilespmem:v6+s14+$0x0], $0xffff  }
0x3c9: {  	v6 =	vor.u32 s11, v2;
	_ =	sdelay $0x3  }
0x3ca: {  	[tilespmem:s1+$0x10] =	vst v5  }
0x3cb: {  	v5 =	vld.idx.msk [tilespmem:v6+s14+$0x0], $0xffff  }
0x3cc: {  	v6 =	vor.u32 s11, v3;
	_ =	sdelay $0x3  }
0x3cd: {  	[tilespmem:s1+$0x20] =	vst v5  }
0x3ce: {  	v5 =	vld.idx.msk [tilespmem:v6+s14+$0x0], $0xffff  }
0x3cf: {  	v6 =	vor.u32 s11, v4;
	_ =	sdelay $0x3  }
0x3d0: {  	[tilespmem:s1+$0x30] =	vst v5  }
0x3d1: {  	s16 =	sadd.s32 $0xFFFFFE80, s0;
	v5 =	vld.idx.msk [tilespmem:v6+s14+$0x0], $0xffff  }
0x3d2: {  	v6 =	vor.u32 s16, v0;
	_ =	sdelay $0x3  }
0x3d3: {  	[tilespmem:s1+$0x32] =	vst v5  }
0x3d4: {  	v5 =	vld.idx.msk [tilespmem:v6+s14+$0x0], $0xffff  }
0x3d5: {  	v6 =	vor.u32 s16, v1;
	_ =	sdelay $0x3  }
0x3d6: {  	[tilespmem:s1+$0x80] =	vst v5  }
0x3d7: {  	v5 =	vld.idx.msk [tilespmem:v6+s14+$0x0], $0xffff  }
0x3d8: {  	v6 =	vor.u32 s16, v2;
	_ =	sdelay $0x3  }
0x3d9: {  	[tilespmem:s1+$0x90] =	vst v5  }
0x3da: {  	v5 =	vld.idx.msk [tilespmem:v6+s14+$0x0], $0xffff  }
0x3db: {  	v6 =	vor.u32 s16, v3;
	_ =	sdelay $0x3  }
0x3dc: {  	[tilespmem:s1+$0xA0] =	vst v5  }
0x3dd: {  	v5 =	vld.idx.msk [tilespmem:v6+s14+$0x0], $0xffff  }
0x3de: {  	v6 =	vor.u32 s16, v4;
	_ =	sdelay $0x3  }
0x3df: {  	[tilespmem:s1+$0xB0] =	vst v5  }
0x3e0: {  	s20 =	sadd.s32 $0xFFFFFF00, s0;
	v5 =	vld.idx.msk [tilespmem:v6+s14+$0x0], $0xffff  }
0x3e1: {  	v6 =	vor.u32 s20, v0;
	_ =	sdelay $0x3  }
0x3e2: {  	[tilespmem:s1+$0xB2] =	vst v5  }
0x3e3: {  	v5 =	vld.idx.msk [tilespmem:v6+s14+$0x0], $0xffff  }
0x3e4: {  	v6 =	vor.u32 s20, v1;
	_ =	sdelay $0x3  }
0x3e5: {  	[tilespmem:s1+$0x100] =	vst v5  }
0x3e6: {  	v5 =	vld.idx.msk [tilespmem:v6+s14+$0x0], $0xffff  }
0x3e7: {  	v6 =	vor.u32 s20, v2;
	_ =	sdelay $0x3  }
0x3e8: {  	[tilespmem:s1+$0x110] =	vst v5  }
0x3e9: {  	v5 =	vld.idx.msk [tilespmem:v6+s14+$0x0], $0xffff  }
0x3ea: {  	v6 =	vor.u32 s20, v3;
	_ =	sdelay $0x3  }
0x3eb: {  	[tilespmem:s1+$0x120] =	vst v5  }
0x3ec: {  	v5 =	vld.idx.msk [tilespmem:v6+s14+$0x0], $0xffff  }
0x3ed: {  	v6 =	vor.u32 s20, v4;
	_ =	sdelay $0x3  }
0x3ee: {  	[tilespmem:s1+$0x130] =	vst v5  }
0x3ef: {  	s11 =	sadd.s32 $0xFFFFFF80, s0;
	v5 =	vld.idx.msk [tilespmem:v6+s14+$0x0], $0xffff  }
0x3f0: {  	v6 =	vor.u32 s11, v0;
	_ =	sdelay $0x3  }
0x3f1: {  	[tilespmem:s1+$0x132] =	vst v5  }
0x3f2: {  	v5 =	vld.idx.msk [tilespmem:v6+s14+$0x0], $0xffff  }
0x3f3: {  	v6 =	vor.u32 s11, v1;
	_ =	sdelay $0x3  }
0x3f4: {  	[tilespmem:s1+$0x180] =	vst v5  }
0x3f5: {  	v5 =	vld.idx.msk [tilespmem:v6+s14+$0x0], $0xffff  }
0x3f6: {  	v6 =	vor.u32 s11, v2;
	_ =	sdelay $0x3  }
0x3f7: {  	[tilespmem:s1+$0x190] =	vst v5  }
0x3f8: {  	v5 =	vld.idx.msk [tilespmem:v6+s14+$0x0], $0xffff  }
0x3f9: {  	v6 =	vor.u32 s11, v3;
	_ =	sdelay $0x3  }
0x3fa: {  	[tilespmem:s1+$0x1A0] =	vst v5  }
0x3fb: {  	v5 =	vld.idx.msk [tilespmem:v6+s14+$0x0], $0xffff  }
0x3fc: {  	v6 =	vor.u32 s11, v4;
	_ =	sdelay $0x3  }
0x3fd: {  	[tilespmem:s1+$0x1B0] =	vst v5  }
0x3fe: {  	v5 =	vld.idx.msk [tilespmem:v6+s14+$0x0], $0xffff  }
0x3ff: {  	v6 =	vor.u32 s0, v0;
	_ =	sdelay $0x3  }
0x400: {  	[tilespmem:s1+$0x1B2] =	vst v5  }
0x401: {  	v5 =	vld.idx.msk [tilespmem:v6+s14+$0x0], $0xffff  }
0x402: {  	v6 =	vor.u32 s0, v1;
	_ =	sdelay $0x3  }
0x403: {  	[tilespmem:s1+$0x200] =	vst v5  }
0x404: {  	v5 =	vld.idx.msk [tilespmem:v6+s14+$0x0], $0xffff  }
0x405: {  	v6 =	vor.u32 s0, v2;
	_ =	sdelay $0x3  }
0x406: {  	[tilespmem:s1+$0x210] =	vst v5  }
0x407: {  	v5 =	vld.idx.msk [tilespmem:v6+s14+$0x0], $0xffff  }
0x408: {  	v6 =	vor.u32 s0, v3;
	_ =	sdelay $0x3  }
0x409: {  	[tilespmem:s1+$0x220] =	vst v5  }
0x40a: {  	v5 =	vld.idx.msk [tilespmem:v6+s14+$0x0], $0xffff  }
0x40b: {  	v6 =	vor.u32 s0, v4;
	_ =	sdelay $0x3  }
0x40c: {  	[tilespmem:s1+$0x230] =	vst v5  }
0x40d: {  	v5 =	vld.idx.msk [tilespmem:v6+s14+$0x0], $0xffff;
	_ =	sdelay $0x4  }
0x40e: {  	s12 =	sadd.s32 s5, s12;
	[tilespmem:s1+$0x232] =	vst v5  }
0x40f: {  	[hbm4b:s12+s2] =	stream.linear.scatter [tilespmem:s28], [sflag:$0x4], $0x1900, $0x38;
	[tilespmem:$0x19000] =	vst v63  }
0x410: {  	s13 =	sadd.s32 s5, s13;
	p0 =	sne.s32 s15, $0x10  }
0x411: {  	[hbm4b:s13+s2] =	stream.linear.scatter [tilespmem:s29], [sflag:$0x4], $0x1900, $0x38;
	[tilespmem:$0x19000] =	vst v63  }
.Ltmp2:
0x412: {  	_ = 	snop;
	(pc) =	sbr.rel @p0 .LBB2_2-.Ltmp2, $4  }
0x413: {  	s16 =	sadd.s32 s5, s8  }
0x414: {  	[hbm4b:s16+s2] =	stream.linear.scatter [tilespmem:s30], [sflag:$0x4], $0x1900, $0x38;
	[tilespmem:$0x19000] =	vst v63  }
0x415: {  	s20 =	sadd.s32 s5, s10  }
0x416: {  	[hbm4b:s20+s2] =	stream.linear.scatter [tilespmem:s31], [sflag:$0x4], $0x1900, $0x38;
	[tilespmem:$0x19000] =	vst v63  }
0x417: {  	s0 =	simm.s32 $0x3  }
0x418: {  	_ =	swait.ge [sflag:s0], $0x1900  }
0x419: {  	[sflag:s0] =	ssyncset.done $0x0  }
0x41a: {  	[sflag:s0] =	ssyncadd.s32 $0xFFFFE700  }
0x41b: {  	_ =	swait.ge [sflag:s0], $0x1900  }
0x41c: {  	[sflag:s0] =	ssyncset.done $0x0  }
0x41d: {  	[sflag:s0] =	ssyncadd.s32 $0xFFFFE700  }
0x41e: {  	_ =	swait.ge [sflag:s0], $0x1900  }
0x41f: {  	[sflag:s0] =	ssyncset.done $0x0  }
0x420: {  	[sflag:s0] =	ssyncadd.s32 $0xFFFFE700  }
0x421: {  	_ =	swait.ge [sflag:s0], $0x1900  }
0x422: {  	[sflag:s0] =	ssyncset.done $0x0  }
0x423: {  	s1 =	simm.s32 $0x4;
	[sflag:s0] =	ssyncadd.s32 $0xFFFFE700  }
0x424: {  	_ =	swait.ge [sflag:s1], $0x1900  }
0x425: {  	[sflag:s1] =	ssyncset.done $0x0  }
0x426: {  	[sflag:s1] =	ssyncadd.s32 $0xFFFFE700  }
0x427: {  	_ =	swait.ge [sflag:s1], $0x1900  }
0x428: {  	[sflag:s1] =	ssyncset.done $0x0  }
0x429: {  	[sflag:s1] =	ssyncadd.s32 $0xFFFFE700  }
0x42a: {  	_ =	swait.ge [sflag:s1], $0x1900  }
0x42b: {  	[sflag:s1] =	ssyncset.done $0x0  }
0x42c: {  	[sflag:s1] =	ssyncadd.s32 $0xFFFFE700  }
0x42d: {  	_ =	swait.ge [sflag:s1], $0x1900  }
0x42e: {  	s6 =	rddreg [dreg:$0x7]  }
0x42f: {  	s20 =	rddreg [dreg:$0x6];
	s6 =	sadd.s32 $0x1, s6  }
0x430: {  	p0 =	sne.s32 s6, s20  }
.Ltmp3:
0x431: {  	_ = 	snop;
	(pc) =	sbr.rel @p0 .LBB2_1-.Ltmp3, $3  }
0x432: {  	_ =	sdelay $0x1  }
0x433: {  	[sflag:s1] =	ssyncset.done $0x0  }
0x434: {  	[sflag:s1] =	ssyncadd.s32 $0xFFFFE700  }
0x435: {  	_ =	sfence.sel $0x180000  }
0x436: {  	[bflag:$0x0] =	sbarrier.arrive $0xFFFF  }
0x437: {  	_ =	strace $0x90000047  }
0x438: {  	s0 =	stileid.u32;
	[bflag:$0x2] =	sbarrier.arrive $0xFFFF  }
0x439: {  	p0 =	sne.s32 s0, $0x0;
	s0 =	rddreg [dreg:$0x1]  }
0x43a: {  	s0 =	sadd.s32 @!p0 $0x100000, s0  }
0x43b: {  	[sflag:s0] =	ssyncadd.tile.s32 @!p0 $0x1;
	_ =	shalt  }
.Lfunc_end2:
_tile_overlayer_lowered:
.L_overlay_start_2:
0x43c: {  	(tag) =	ssettag $0x2  }
0x43d: {  	s0 =	rddreg [dreg:$0x0];
	s2 =	stileid.u32  }
0x43e: {  	s1 =	rddreg [dreg:$0x1];
	p0 =	sne.s32 s2, $0x0  }
0x43f: {  	s3 =	rddreg [dreg:$0x2];
	[bflag:$0x3] =	sbarrier.arrive $0xFFFF;
	s2 =	simm.s32 @!p0 $0x1C05  }
0x440: {  	[timem:s3], [sflag:s2] =	dma.local @!p0 [hbm:s0], s1  }
0x441: {  	s0 =	simm.s32 @!p0 $0x5  }
0x442: {  	_ =	swait.ge @!p0 [sflag:s0], s1  }
0x443: {  	s1 =	ssub.s32 @!p0 $0x0, s1;
	[sflag:s0] =	ssyncset.done @!p0 $0x0  }
0x444: {  	[sflag:s0] =	ssyncadd.s32 @!p0 s1  }
0x445: {  	[bflag:$0x3] =	sbarrier.arrive $0xFFFF  }
0x446: {  	_ =	shalt  }

</sc_bundles>
